<compile_context>
chip_gen: v7x
topology: tpu7x:2x2x1
jax: 0.10.2.dev20260603
libtpu: 0.0.44.dev20260713+nightly
codegen_flags: <defaults>
</compile_context>

<pallas_src>
import functools

import jax
import jax.numpy as jnp
from jax import lax
from jax.experimental import pallas as pl
from jax.experimental.pallas import tpu as pltpu
from jax.experimental.pallas import tpu_sc as plsc

_D = 128
_C = 128
_L = 16


@functools.cache
def _build_sc_kernel(n_triples: int):
    info = plsc.get_sparse_core_info()
    nc, ns = info.num_cores, info.num_subcores
    nw = nc * ns
    per_w = n_triples // nw
    assert per_w * nw == n_triples and per_w % (2 * _C) == 0
    n_half = per_w // (2 * _C)
    mesh = plsc.VectorSubcoreMesh(core_axis_name="c", subcore_axis_name="s")

    row_buf = pltpu.VMEM((_C, _D), jnp.float32)

    @functools.partial(
        pl.kernel,
        mesh=mesh,
        out_type=jax.ShapeDtypeStruct((n_triples,), jnp.float32),
        compiler_params=pltpu.CompilerParams(needs_layout_passes=False),
        scratch_types=[
            pltpu.VMEM((per_w,), jnp.int32),
            pltpu.VMEM((per_w,), jnp.int32),
            pltpu.VMEM((per_w,), jnp.int32),
            [row_buf, row_buf, row_buf],
            [row_buf, row_buf, row_buf],
            pltpu.VMEM((2, _D), jnp.float32),
            pltpu.VMEM((_D,), jnp.float32),
            pltpu.VMEM((_C,), jnp.float32),
            pltpu.SemaphoreType.DMA,
            pltpu.SemaphoreType.DMA,
        ],
    )
    def sc_entail(cl_hbm, cr_hbm, d_hbm, table_hbm, out_hbm,
                  cl_ia, cr_ia, d_ia, bufs0, bufs1, bt_v, tbh_v, sc_v,
                  sem0, sem1):
        wid = lax.axis_index("s") * nc + lax.axis_index("c")
        base = wid * per_w

        pltpu.sync_copy(table_hbm.at[pl.ds(0, 2)], bt_v)
        for g in range(_D // _L):
            sl = pl.ds(g * _L, _L)
            tbh_v[sl] = 0.5 * (bt_v[1, sl] - bt_v[0, sl])

        pltpu.sync_copy(cl_hbm.at[pl.ds(base, per_w)], cl_ia)
        pltpu.sync_copy(cr_hbm.at[pl.ds(base, per_w)], cr_ia)
        pltpu.sync_copy(d_hbm.at[pl.ds(base, per_w)], d_ia)

        idx_refs = (cl_ia, cr_ia, d_ia)

        def fire(bufs, sem, ch):
            s = pl.ds(ch * _C, _C)
            for ia, buf in zip(idx_refs, bufs):
                pltpu.async_copy(table_hbm.at[ia.at[s]], buf, sem)

        def drain(bufs, sem, ch):
            s = pl.ds(ch * _C, _C)
            for ia, buf in zip(idx_refs, bufs):
                pltpu.make_async_copy(table_hbm.at[ia.at[s]], buf, sem).wait()

        def compute(bufs, ch):
            cl_r, cr_r, d_r = bufs
            lanes = lax.iota(jnp.int32, _L)
            n_g = _C // _L
            rows_list = [jnp.full((_L,), g * _L, jnp.int32) + lanes
                         for g in range(n_g)]

            def col_body(c, carry2):
                cols = jnp.bitwise_and(
                    jnp.full((_L,), c, jnp.int32) + lanes, _D - 1)
                tb = plsc.load_gather(tbh_v, [cols])
                new = []
                for g in range(n_g):
                    a = plsc.load_gather(cl_r, [rows_list[g], cols])
                    b = plsc.load_gather(cr_r, [rows_list[g], cols])
                    dd = plsc.load_gather(d_r, [rows_list[g], cols])
                    s = a + b
                    diff = 0.5 * s - dd
                    new.append(carry2[2 * g] + diff * diff)
                    new.append(carry2[2 * g + 1] + s * tb)
                return tuple(new)

            accs = lax.fori_loop(
                0, _D, col_body,
                tuple(jnp.zeros((_L,), jnp.float32) for _ in range(2 * n_g)),
                unroll=4)

            for g in range(n_g):
                accd, acct = accs[2 * g], accs[2 * g + 1]
                x = accd + 1e-12
                i = plsc.bitcast(x, jnp.int32)
                i = jnp.full((_L,), 0x5F3759DF, jnp.int32) - jnp.right_shift(i, 1)
                r = plsc.bitcast(i, jnp.float32)
                for _ in range(3):
                    r = r * (1.5 - 0.5 * x * r * r)
                sc_v[pl.ds(g * _L, _L)] = acct - x * r

            pltpu.sync_copy(sc_v, out_hbm.at[pl.ds(base + ch * _C, _C)])

        fire(bufs0, sem0, 0)

        def pair_body(ch2, carry):
            c0 = 2 * ch2
            fire(bufs1, sem1, c0 + 1)
            drain(bufs0, sem0, c0)
            compute(bufs0, c0)

            @pl.when(ch2 + 1 < n_half)
            def _():
                fire(bufs0, sem0, c0 + 2)

            drain(bufs1, sem1, c0 + 1)
            compute(bufs1, c0 + 1)
            return carry

        lax.fori_loop(0, n_half, pair_body, 0)

    return sc_entail


def kernel(x, table):
    bs, num_axioms, ents = x.shape
    assert ents == 3
    xt = x.reshape(-1, 3).astype(jnp.int32).T
    cl, cr, d = xt[0], xt[1], xt[2]
    scores = _build_sc_kernel(bs * num_axioms)(cl, cr, d, table)
    return scores.reshape(bs, num_axioms)

# --- scband reference (transcript-rebuilt; emitter-appended) ---
"""Pipeline reference for scband-test-module-subsumption-as-intersection-9878424781507 (READ-ONLY COPY).

The authoritative reference and input builder live on the scoring server;
editing this copy changes nothing except your own understanding.
"""

import jax, jax.numpy as jnp
import numpy as np

VOCAB = 100000
DIM = 128
BOTTOM = 0
TOP = 1
BS = 4096
NUM_AXIOMS = 50


def entailment_score(c_left, c_right, d, bottom_emb, top_emb, table):
    # Geometric 'subsumption as intersection' entailment score:
    # the intersection of c_left and c_right (midpoint) should be close to d,
    # attracted toward top and repelled from bottom.
    e_cl = jnp.take(table, c_left, axis=0)
    e_cr = jnp.take(table, c_right, axis=0)
    e_d = jnp.take(table, d, axis=0)
    inter = 0.5 * (e_cl + e_cr)
    dist = jnp.sqrt(jnp.sum((inter - e_d) ** 2, axis=-1) + 1e-12)
    top_term = jnp.sum(inter * top_emb[None, :], axis=-1)
    bot_term = jnp.sum(inter * bottom_emb[None, :], axis=-1)
    return -dist + top_term - bot_term


def setup_inputs(seed: int = 0) -> dict:
    key = jax.random.key(seed)
    k1, k2 = jax.random.split(key)
    x = jax.random.randint(k1, (BS, NUM_AXIOMS, 3), 0, VOCAB)
    table = jax.random.normal(k2, (VOCAB, DIM), dtype=jnp.float32) * 0.02
    return {"x": x, "table": table}


def reference(x, table):
    bs, num_axioms, ents = x.shape
    assert ents == 3
    xf = x.reshape(-1, 3)
    c_left = xf[:, 0]
    c_right = xf[:, 1]
    d = xf[:, 2]
    bottom_emb = jnp.take(table, BOTTOM, axis=0)
    top_emb = jnp.take(table, TOP, axis=0)
    scores = entailment_score(c_left, c_right, d, bottom_emb, top_emb, table)
    return scores.reshape(bs, num_axioms)

if __name__ == "__main__":
    import jax
    _d = setup_inputs()
    print(jax.jit(kernel)(*tuple(_d.values())))

</pallas_src>

<mosaic_0001>
#map = affine_map<(d0, d1) -> (0)>
#map1 = affine_map<(d0, d1) -> (0, 0)>
module attributes {stable_mosaic.version = 14 : i64} {
  func.func @sc_entail(%arg0: i32, %arg1: i32, %arg2: memref<204800xi32, #tpu.memory_space<hbm>>, %arg3: memref<204800xi32, #tpu.memory_space<hbm>>, %arg4: memref<204800xi32, #tpu.memory_space<hbm>>, %arg5: memref<100000x128xf32, #tpu.memory_space<hbm>>, %arg6: memref<204800xf32, #tpu.memory_space<hbm>>, %arg7: memref<6400xi32, #tpu.memory_space<vmem>>, %arg8: memref<6400xi32, #tpu.memory_space<vmem>>, %arg9: memref<6400xi32, #tpu.memory_space<vmem>>, %arg10: memref<128x128xf32, #tpu.memory_space<vmem>>, %arg11: memref<128x128xf32, #tpu.memory_space<vmem>>, %arg12: memref<128x128xf32, #tpu.memory_space<vmem>>, %arg13: memref<128x128xf32, #tpu.memory_space<vmem>>, %arg14: memref<128x128xf32, #tpu.memory_space<vmem>>, %arg15: memref<128x128xf32, #tpu.memory_space<vmem>>, %arg16: memref<2x128xf32, #tpu.memory_space<vmem>>, %arg17: memref<128xf32, #tpu.memory_space<vmem>>, %arg18: memref<128xf32, #tpu.memory_space<vmem>>, %arg19: memref<!tpu.dma_semaphore, #tpu.memory_space<semaphore_mem>>, %arg20: memref<!tpu.dma_semaphore, #tpu.memory_space<semaphore_mem>>) attributes {dimension_semantics = [#tpu.dimension_semantics<core_parallel>, #tpu.dimension_semantics<subcore_parallel>], iteration_bounds = array<i64: 2, 16>, scalar_prefetch = 0 : i64, scratch_operands = 14 : i64, tpu.core_type = #tpu.core_type<sc_vector_subcore>, window_params = [{transform_indices = #map}, {transform_indices = #map}, {transform_indices = #map}, {transform_indices = #map1}, {transform_indices = #map}]} {
    %mul3A = arith.constant 2 : i32
    %mul3A_0 = arith.muli %arg1, %mul3A : i32
    %add3A = arith.addi %mul3A_0, %arg0 : i32
    %mul3A_1 = arith.constant 6400 : i32
    %mul3A_2 = arith.muli %add3A, %mul3A_1 : i32
    "tpu.region"() ({
      %run_scoped3A = tpu.sem_alloc : memref<!tpu.dma_semaphore, #tpu.memory_space<semaphore_mem>>
      %dma_start3A_131 = arith.constant 0 : i32
      %dma_start3A_132 = arith.constant 0 : i32
      %dma_start3A_133 = tpu.memref_slice %arg5[%dma_start3A_131, %dma_start3A_132] : memref<100000x128xf32, #tpu.memory_space<hbm>> -> memref<2x128xf32, #tpu.memory_space<hbm>>
      %dma_start3A_134 = arith.constant 0 : i32
      %dma_start3A_135 = arith.constant 0 : i32
      %dma_start3A_136 = tpu.memref_slice %arg5[%dma_start3A_134, %dma_start3A_135] : memref<100000x128xf32, #tpu.memory_space<hbm>> -> memref<2x128xf32, #tpu.memory_space<hbm>>
      tpu.enqueue_dma source(%dma_start3A_136 : memref<2x128xf32, #tpu.memory_space<hbm>>) target(%arg16 : memref<2x128xf32, #tpu.memory_space<vmem>>) target_semaphore(%run_scoped3A : memref<!tpu.dma_semaphore, #tpu.memory_space<semaphore_mem>>)
      %dma_wait3A = arith.constant 0 : i32
      %dma_wait3A_137 = arith.constant 0 : i32
      %dma_wait3A_138 = tpu.memref_slice %arg5[%dma_wait3A, %dma_wait3A_137] : memref<100000x128xf32, #tpu.memory_space<hbm>> -> memref<2x128xf32, #tpu.memory_space<hbm>>
      %dma_wait3A_139 = arith.constant 0 : i32
      %dma_wait3A_140 = arith.constant 0 : i32
      %dma_wait3A_141 = tpu.memref_slice %arg5[%dma_wait3A_139, %dma_wait3A_140] : memref<100000x128xf32, #tpu.memory_space<hbm>> -> memref<2x128xf32, #tpu.memory_space<hbm>>
      tpu.wait_dma2 semaphore(%run_scoped3A : memref<!tpu.dma_semaphore, #tpu.memory_space<semaphore_mem>>) src(%dma_wait3A_141 : memref<2x128xf32, #tpu.memory_space<hbm>>) dst(%arg16 : memref<2x128xf32, #tpu.memory_space<vmem>>)
      tpu.yield
    }) : () -> ()
    %get3A = arith.constant 1 : i32
    %get3A_3 = arith.index_cast %get3A : i32 to index
    %get3A_4 = arith.constant 0 : index
    %get3A_5 = tpu.vector_load %arg16[%get3A_3, %get3A_4] {strides = array<i32>} : memref<2x128xf32, #tpu.memory_space<vmem>>, vector<16xf32>,
    %get3A_6 = arith.constant 0 : i32
    %get3A_7 = arith.index_cast %get3A_6 : i32 to index
    %get3A_8 = arith.constant 0 : index
    %get3A_9 = tpu.vector_load %arg16[%get3A_7, %get3A_8] {strides = array<i32>} : memref<2x128xf32, #tpu.memory_space<vmem>>, vector<16xf32>,
    %sub3A = arith.subf %get3A_5, %get3A_9 : vector<16xf32>
    %mul3A_10 = arith.constant 5.000000e-01 : f32
    %mul3A_11 = vector.broadcast %mul3A_10 : f32 to vector<16xf32>
    %mul3A_12 = arith.mulf %mul3A_11, %sub3A : vector<16xf32>
    %swap3A = arith.constant 0 : index
    %swap3A_13 = tpu.vector_load %arg17[%swap3A] {strides = array<i32>} : memref<128xf32, #tpu.memory_space<vmem>>, vector<16xf32>,
    tpu.vector_store %arg17[%swap3A], %mul3A_12 {strides = array<i32>} : memref<128xf32, #tpu.memory_space<vmem>>, vector<16xf32>,
    %get3A_14 = arith.constant 1 : i32
    %get3A_15 = arith.index_cast %get3A_14 : i32 to index
    %get3A_16 = arith.constant 16 : index
    %get3A_17 = tpu.vector_load %arg16[%get3A_15, %get3A_16] {strides = array<i32>} : memref<2x128xf32, #tpu.memory_space<vmem>>, vector<16xf32>,
    %get3A_18 = arith.constant 0 : i32
    %get3A_19 = arith.index_cast %get3A_18 : i32 to index
    %get3A_20 = arith.constant 16 : index
    %get3A_21 = tpu.vector_load %arg16[%get3A_19, %get3A_20] {strides = array<i32>} : memref<2x128xf32, #tpu.memory_space<vmem>>, vector<16xf32>,
    %sub3A_22 = arith.subf %get3A_17, %get3A_21 : vector<16xf32>
    %mul3A_23 = arith.constant 5.000000e-01 : f32
    %mul3A_24 = vector.broadcast %mul3A_23 : f32 to vector<16xf32>
    %mul3A_25 = arith.mulf %mul3A_24, %sub3A_22 : vector<16xf32>
    %swap3A_26 = arith.constant 16 : index
    %swap3A_27 = tpu.vector_load %arg17[%swap3A_26] {strides = array<i32>} : memref<128xf32, #tpu.memory_space<vmem>>, vector<16xf32>,
    tpu.vector_store %arg17[%swap3A_26], %mul3A_25 {strides = array<i32>} : memref<128xf32, #tpu.memory_space<vmem>>, vector<16xf32>,
    %get3A_28 = arith.constant 1 : i32
    %get3A_29 = arith.index_cast %get3A_28 : i32 to index
    %get3A_30 = arith.constant 32 : index
    %get3A_31 = tpu.vector_load %arg16[%get3A_29, %get3A_30] {strides = array<i32>} : memref<2x128xf32, #tpu.memory_space<vmem>>, vector<16xf32>,
    %get3A_32 = arith.constant 0 : i32
    %get3A_33 = arith.index_cast %get3A_32 : i32 to index
    %get3A_34 = arith.constant 32 : index
    %get3A_35 = tpu.vector_load %arg16[%get3A_33, %get3A_34] {strides = array<i32>} : memref<2x128xf32, #tpu.memory_space<vmem>>, vector<16xf32>,
    %sub3A_36 = arith.subf %get3A_31, %get3A_35 : vector<16xf32>
    %mul3A_37 = arith.constant 5.000000e-01 : f32
    %mul3A_38 = vector.broadcast %mul3A_37 : f32 to vector<16xf32>
    %mul3A_39 = arith.mulf %mul3A_38, %sub3A_36 : vector<16xf32>
    %swap3A_40 = arith.constant 32 : index
    %swap3A_41 = tpu.vector_load %arg17[%swap3A_40] {strides = array<i32>} : memref<128xf32, #tpu.memory_space<vmem>>, vector<16xf32>,
    tpu.vector_store %arg17[%swap3A_40], %mul3A_39 {strides = array<i32>} : memref<128xf32, #tpu.memory_space<vmem>>, vector<16xf32>,
    %get3A_42 = arith.constant 1 : i32
    %get3A_43 = arith.index_cast %get3A_42 : i32 to index
    %get3A_44 = arith.constant 48 : index
    %get3A_45 = tpu.vector_load %arg16[%get3A_43, %get3A_44] {strides = array<i32>} : memref<2x128xf32, #tpu.memory_space<vmem>>, vector<16xf32>,
    %get3A_46 = arith.constant 0 : i32
    %get3A_47 = arith.index_cast %get3A_46 : i32 to index
    %get3A_48 = arith.constant 48 : index
    %get3A_49 = tpu.vector_load %arg16[%get3A_47, %get3A_48] {strides = array<i32>} : memref<2x128xf32, #tpu.memory_space<vmem>>, vector<16xf32>,
    %sub3A_50 = arith.subf %get3A_45, %get3A_49 : vector<16xf32>
    %mul3A_51 = arith.constant 5.000000e-01 : f32
    %mul3A_52 = vector.broadcast %mul3A_51 : f32 to vector<16xf32>
    %mul3A_53 = arith.mulf %mul3A_52, %sub3A_50 : vector<16xf32>
    %swap3A_54 = arith.constant 48 : index
    %swap3A_55 = tpu.vector_load %arg17[%swap3A_54] {strides = array<i32>} : memref<128xf32, #tpu.memory_space<vmem>>, vector<16xf32>,
    tpu.vector_store %arg17[%swap3A_54], %mul3A_53 {strides = array<i32>} : memref<128xf32, #tpu.memory_space<vmem>>, vector<16xf32>,
    %get3A_56 = arith.constant 1 : i32
    %get3A_57 = arith.index_cast %get3A_56 : i32 to index
    %get3A_58 = arith.constant 64 : index
    %get3A_59 = tpu.vector_load %arg16[%get3A_57, %get3A_58] {strides = array<i32>} : memref<2x128xf32, #tpu.memory_space<vmem>>, vector<16xf32>,
    %get3A_60 = arith.constant 0 : i32
    %get3A_61 = arith.index_cast %get3A_60 : i32 to index
    %get3A_62 = arith.constant 64 : index
    %get3A_63 = tpu.vector_load %arg16[%get3A_61, %get3A_62] {strides = array<i32>} : memref<2x128xf32, #tpu.memory_space<vmem>>, vector<16xf32>,
    %sub3A_64 = arith.subf %get3A_59, %get3A_63 : vector<16xf32>
    %mul3A_65 = arith.constant 5.000000e-01 : f32
    %mul3A_66 = vector.broadcast %mul3A_65 : f32 to vector<16xf32>
    %mul3A_67 = arith.mulf %mul3A_66, %sub3A_64 : vector<16xf32>
    %swap3A_68 = arith.constant 64 : index
    %swap3A_69 = tpu.vector_load %arg17[%swap3A_68] {strides = array<i32>} : memref<128xf32, #tpu.memory_space<vmem>>, vector<16xf32>,
    tpu.vector_store %arg17[%swap3A_68], %mul3A_67 {strides = array<i32>} : memref<128xf32, #tpu.memory_space<vmem>>, vector<16xf32>,
    %get3A_70 = arith.constant 1 : i32
    %get3A_71 = arith.index_cast %get3A_70 : i32 to index
    %get3A_72 = arith.constant 80 : index
    %get3A_73 = tpu.vector_load %arg16[%get3A_71, %get3A_72] {strides = array<i32>} : memref<2x128xf32, #tpu.memory_space<vmem>>, vector<16xf32>,
    %get3A_74 = arith.constant 0 : i32
    %get3A_75 = arith.index_cast %get3A_74 : i32 to index
    %get3A_76 = arith.constant 80 : index
    %get3A_77 = tpu.vector_load %arg16[%get3A_75, %get3A_76] {strides = array<i32>} : memref<2x128xf32, #tpu.memory_space<vmem>>, vector<16xf32>,
    %sub3A_78 = arith.subf %get3A_73, %get3A_77 : vector<16xf32>
    %mul3A_79 = arith.constant 5.000000e-01 : f32
    %mul3A_80 = vector.broadcast %mul3A_79 : f32 to vector<16xf32>
    %mul3A_81 = arith.mulf %mul3A_80, %sub3A_78 : vector<16xf32>
    %swap3A_82 = arith.constant 80 : index
    %swap3A_83 = tpu.vector_load %arg17[%swap3A_82] {strides = array<i32>} : memref<128xf32, #tpu.memory_space<vmem>>, vector<16xf32>,
    tpu.vector_store %arg17[%swap3A_82], %mul3A_81 {strides = array<i32>} : memref<128xf32, #tpu.memory_space<vmem>>, vector<16xf32>,
    %get3A_84 = arith.constant 1 : i32
    %get3A_85 = arith.index_cast %get3A_84 : i32 to index
    %get3A_86 = arith.constant 96 : index
    %get3A_87 = tpu.vector_load %arg16[%get3A_85, %get3A_86] {strides = array<i32>} : memref<2x128xf32, #tpu.memory_space<vmem>>, vector<16xf32>,
    %get3A_88 = arith.constant 0 : i32
    %get3A_89 = arith.index_cast %get3A_88 : i32 to index
    %get3A_90 = arith.constant 96 : index
    %get3A_91 = tpu.vector_load %arg16[%get3A_89, %get3A_90] {strides = array<i32>} : memref<2x128xf32, #tpu.memory_space<vmem>>, vector<16xf32>,
    %sub3A_92 = arith.subf %get3A_87, %get3A_91 : vector<16xf32>
    %mul3A_93 = arith.constant 5.000000e-01 : f32
    %mul3A_94 = vector.broadcast %mul3A_93 : f32 to vector<16xf32>
    %mul3A_95 = arith.mulf %mul3A_94, %sub3A_92 : vector<16xf32>
    %swap3A_96 = arith.constant 96 : index
    %swap3A_97 = tpu.vector_load %arg17[%swap3A_96] {strides = array<i32>} : memref<128xf32, #tpu.memory_space<vmem>>, vector<16xf32>,
    tpu.vector_store %arg17[%swap3A_96], %mul3A_95 {strides = array<i32>} : memref<128xf32, #tpu.memory_space<vmem>>, vector<16xf32>,
    %get3A_98 = arith.constant 1 : i32
    %get3A_99 = arith.index_cast %get3A_98 : i32 to index
    %get3A_100 = arith.constant 112 : index
    %get3A_101 = tpu.vector_load %arg16[%get3A_99, %get3A_100] {strides = array<i32>} : memref<2x128xf32, #tpu.memory_space<vmem>>, vector<16xf32>,
    %get3A_102 = arith.constant 0 : i32
    %get3A_103 = arith.index_cast %get3A_102 : i32 to index
    %get3A_104 = arith.constant 112 : index
    %get3A_105 = tpu.vector_load %arg16[%get3A_103, %get3A_104] {strides = array<i32>} : memref<2x128xf32, #tpu.memory_space<vmem>>, vector<16xf32>,
    %sub3A_106 = arith.subf %get3A_101, %get3A_105 : vector<16xf32>
    %mul3A_107 = arith.constant 5.000000e-01 : f32
    %mul3A_108 = vector.broadcast %mul3A_107 : f32 to vector<16xf32>
    %mul3A_109 = arith.mulf %mul3A_108, %sub3A_106 : vector<16xf32>
    %swap3A_110 = arith.constant 112 : index
    %swap3A_111 = tpu.vector_load %arg17[%swap3A_110] {strides = array<i32>} : memref<128xf32, #tpu.memory_space<vmem>>, vector<16xf32>,
    tpu.vector_store %arg17[%swap3A_110], %mul3A_109 {strides = array<i32>} : memref<128xf32, #tpu.memory_space<vmem>>, vector<16xf32>,
    "tpu.region"() ({
      %run_scoped3A = tpu.sem_alloc : memref<!tpu.dma_semaphore, #tpu.memory_space<semaphore_mem>>
      %dma_start3A_131 = tpu.memref_slice %arg2[%mul3A_2] : memref<204800xi32, #tpu.memory_space<hbm>> -> memref<6400xi32, #tpu.memory_space<hbm>>
      %dma_start3A_132 = tpu.memref_slice %arg2[%mul3A_2] : memref<204800xi32, #tpu.memory_space<hbm>> -> memref<6400xi32, #tpu.memory_space<hbm>>
      tpu.enqueue_dma source(%dma_start3A_132 : memref<6400xi32, #tpu.memory_space<hbm>>) target(%arg7 : memref<6400xi32, #tpu.memory_space<vmem>>) target_semaphore(%run_scoped3A : memref<!tpu.dma_semaphore, #tpu.memory_space<semaphore_mem>>)
      %dma_wait3A = tpu.memref_slice %arg2[%mul3A_2] : memref<204800xi32, #tpu.memory_space<hbm>> -> memref<6400xi32, #tpu.memory_space<hbm>>
      %dma_wait3A_133 = tpu.memref_slice %arg2[%mul3A_2] : memref<204800xi32, #tpu.memory_space<hbm>> -> memref<6400xi32, #tpu.memory_space<hbm>>
      tpu.wait_dma2 semaphore(%run_scoped3A : memref<!tpu.dma_semaphore, #tpu.memory_space<semaphore_mem>>) src(%dma_wait3A_133 : memref<6400xi32, #tpu.memory_space<hbm>>) dst(%arg7 : memref<6400xi32, #tpu.memory_space<vmem>>)
      tpu.yield
    }) : () -> ()
    "tpu.region"() ({
      %run_scoped3A = tpu.sem_alloc : memref<!tpu.dma_semaphore, #tpu.memory_space<semaphore_mem>>
      %dma_start3A_131 = tpu.memref_slice %arg3[%mul3A_2] : memref<204800xi32, #tpu.memory_space<hbm>> -> memref<6400xi32, #tpu.memory_space<hbm>>
      %dma_start3A_132 = tpu.memref_slice %arg3[%mul3A_2] : memref<204800xi32, #tpu.memory_space<hbm>> -> memref<6400xi32, #tpu.memory_space<hbm>>
      tpu.enqueue_dma source(%dma_start3A_132 : memref<6400xi32, #tpu.memory_space<hbm>>) target(%arg8 : memref<6400xi32, #tpu.memory_space<vmem>>) target_semaphore(%run_scoped3A : memref<!tpu.dma_semaphore, #tpu.memory_space<semaphore_mem>>)
      %dma_wait3A = tpu.memref_slice %arg3[%mul3A_2] : memref<204800xi32, #tpu.memory_space<hbm>> -> memref<6400xi32, #tpu.memory_space<hbm>>
      %dma_wait3A_133 = tpu.memref_slice %arg3[%mul3A_2] : memref<204800xi32, #tpu.memory_space<hbm>> -> memref<6400xi32, #tpu.memory_space<hbm>>
      tpu.wait_dma2 semaphore(%run_scoped3A : memref<!tpu.dma_semaphore, #tpu.memory_space<semaphore_mem>>) src(%dma_wait3A_133 : memref<6400xi32, #tpu.memory_space<hbm>>) dst(%arg8 : memref<6400xi32, #tpu.memory_space<vmem>>)
      tpu.yield
    }) : () -> ()
    "tpu.region"() ({
      %run_scoped3A = tpu.sem_alloc : memref<!tpu.dma_semaphore, #tpu.memory_space<semaphore_mem>>
      %dma_start3A_131 = tpu.memref_slice %arg4[%mul3A_2] : memref<204800xi32, #tpu.memory_space<hbm>> -> memref<6400xi32, #tpu.memory_space<hbm>>
      %dma_start3A_132 = tpu.memref_slice %arg4[%mul3A_2] : memref<204800xi32, #tpu.memory_space<hbm>> -> memref<6400xi32, #tpu.memory_space<hbm>>
      tpu.enqueue_dma source(%dma_start3A_132 : memref<6400xi32, #tpu.memory_space<hbm>>) target(%arg9 : memref<6400xi32, #tpu.memory_space<vmem>>) target_semaphore(%run_scoped3A : memref<!tpu.dma_semaphore, #tpu.memory_space<semaphore_mem>>)
      %dma_wait3A = tpu.memref_slice %arg4[%mul3A_2] : memref<204800xi32, #tpu.memory_space<hbm>> -> memref<6400xi32, #tpu.memory_space<hbm>>
      %dma_wait3A_133 = tpu.memref_slice %arg4[%mul3A_2] : memref<204800xi32, #tpu.memory_space<hbm>> -> memref<6400xi32, #tpu.memory_space<hbm>>
      tpu.wait_dma2 semaphore(%run_scoped3A : memref<!tpu.dma_semaphore, #tpu.memory_space<semaphore_mem>>) src(%dma_wait3A_133 : memref<6400xi32, #tpu.memory_space<hbm>>) dst(%arg9 : memref<6400xi32, #tpu.memory_space<vmem>>)
      tpu.yield
    }) : () -> ()
    %dma_start3A = arith.constant 0 : i32
    %dma_start3A_112 = tpu.memref_slice %arg7[%dma_start3A] : memref<6400xi32, #tpu.memory_space<vmem>> -> memref<128xi32, #tpu.memory_space<vmem>>
    %dma_start3A_113 = arith.constant 0 : i32
    %dma_start3A_114 = arith.constant 0 : i32
    %dma_start3A_115 = tpu.memref_slice %arg5[%dma_start3A_113, %dma_start3A_114] : memref<100000x128xf32, #tpu.memory_space<hbm>> -> memref<100000x128xf32, #tpu.memory_space<hbm>>
    tpu.enqueue_indirect_dma source(%dma_start3A_115 : memref<100000x128xf32, #tpu.memory_space<hbm>>) target(%arg10 : memref<128x128xf32, #tpu.memory_space<vmem>>) offsets(%dma_start3A_112 : memref<128xi32, #tpu.memory_space<vmem>>) semaphore(%arg19 : memref<!tpu.dma_semaphore, #tpu.memory_space<semaphore_mem>>)
    %dma_start3A_116 = arith.constant 0 : i32
    %dma_start3A_117 = tpu.memref_slice %arg8[%dma_start3A_116] : memref<6400xi32, #tpu.memory_space<vmem>> -> memref<128xi32, #tpu.memory_space<vmem>>
    %dma_start3A_118 = arith.constant 0 : i32
    %dma_start3A_119 = arith.constant 0 : i32
    %dma_start3A_120 = tpu.memref_slice %arg5[%dma_start3A_118, %dma_start3A_119] : memref<100000x128xf32, #tpu.memory_space<hbm>> -> memref<100000x128xf32, #tpu.memory_space<hbm>>
    tpu.enqueue_indirect_dma source(%dma_start3A_120 : memref<100000x128xf32, #tpu.memory_space<hbm>>) target(%arg11 : memref<128x128xf32, #tpu.memory_space<vmem>>) offsets(%dma_start3A_117 : memref<128xi32, #tpu.memory_space<vmem>>) semaphore(%arg19 : memref<!tpu.dma_semaphore, #tpu.memory_space<semaphore_mem>>)
    %dma_start3A_121 = arith.constant 0 : i32
    %dma_start3A_122 = tpu.memref_slice %arg9[%dma_start3A_121] : memref<6400xi32, #tpu.memory_space<vmem>> -> memref<128xi32, #tpu.memory_space<vmem>>
    %dma_start3A_123 = arith.constant 0 : i32
    %dma_start3A_124 = arith.constant 0 : i32
    %dma_start3A_125 = tpu.memref_slice %arg5[%dma_start3A_123, %dma_start3A_124] : memref<100000x128xf32, #tpu.memory_space<hbm>> -> memref<100000x128xf32, #tpu.memory_space<hbm>>
    tpu.enqueue_indirect_dma source(%dma_start3A_125 : memref<100000x128xf32, #tpu.memory_space<hbm>>) target(%arg12 : memref<128x128xf32, #tpu.memory_space<vmem>>) offsets(%dma_start3A_122 : memref<128xi32, #tpu.memory_space<vmem>>) semaphore(%arg19 : memref<!tpu.dma_semaphore, #tpu.memory_space<semaphore_mem>>)
    %scan3A = arith.constant 0 : i32
    %scan3A_126 = arith.constant 0 : i32
    %scan3A_127 = arith.constant 25 : i32
    %scan3A_128 = arith.addi %scan3A_126, %scan3A_127 : i32
    %scan3A_129 = arith.constant 1 : i32
    scf.for %scan3A_131 = %scan3A_126 to %scan3A_128 step %scan3A_129  : i32 {
      %mul3A_132 = arith.constant 2 : i32
      %mul3A_133 = arith.muli %mul3A_132, %scan3A_131 : i32
      %add3A_134 = arith.constant 1 : i32
      %add3A_135 = arith.addi %mul3A_133, %add3A_134 : i32
      %mul3A_136 = arith.constant 128 : i32
      %mul3A_137 = arith.muli %add3A_135, %mul3A_136 : i32
      %dma_start3A_138 = tpu.memref_slice %arg7[%mul3A_137] : memref<6400xi32, #tpu.memory_space<vmem>> -> memref<128xi32, #tpu.memory_space<vmem>>
      %dma_start3A_139 = arith.constant 0 : i32
      %dma_start3A_140 = arith.constant 0 : i32
      %dma_start3A_141 = tpu.memref_slice %arg5[%dma_start3A_139, %dma_start3A_140] : memref<100000x128xf32, #tpu.memory_space<hbm>> -> memref<100000x128xf32, #tpu.memory_space<hbm>>
      tpu.enqueue_indirect_dma source(%dma_start3A_141 : memref<100000x128xf32, #tpu.memory_space<hbm>>) target(%arg13 : memref<128x128xf32, #tpu.memory_space<vmem>>) offsets(%dma_start3A_138 : memref<128xi32, #tpu.memory_space<vmem>>) semaphore(%arg20 : memref<!tpu.dma_semaphore, #tpu.memory_space<semaphore_mem>>)
      %dma_start3A_142 = tpu.memref_slice %arg8[%mul3A_137] : memref<6400xi32, #tpu.memory_space<vmem>> -> memref<128xi32, #tpu.memory_space<vmem>>
      %dma_start3A_143 = arith.constant 0 : i32
      %dma_start3A_144 = arith.constant 0 : i32
      %dma_start3A_145 = tpu.memref_slice %arg5[%dma_start3A_143, %dma_start3A_144] : memref<100000x128xf32, #tpu.memory_space<hbm>> -> memref<100000x128xf32, #tpu.memory_space<hbm>>
      tpu.enqueue_indirect_dma source(%dma_start3A_145 : memref<100000x128xf32, #tpu.memory_space<hbm>>) target(%arg14 : memref<128x128xf32, #tpu.memory_space<vmem>>) offsets(%dma_start3A_142 : memref<128xi32, #tpu.memory_space<vmem>>) semaphore(%arg20 : memref<!tpu.dma_semaphore, #tpu.memory_space<semaphore_mem>>)
      %dma_start3A_146 = tpu.memref_slice %arg9[%mul3A_137] : memref<6400xi32, #tpu.memory_space<vmem>> -> memref<128xi32, #tpu.memory_space<vmem>>
      %dma_start3A_147 = arith.constant 0 : i32
      %dma_start3A_148 = arith.constant 0 : i32
      %dma_start3A_149 = tpu.memref_slice %arg5[%dma_start3A_147, %dma_start3A_148] : memref<100000x128xf32, #tpu.memory_space<hbm>> -> memref<100000x128xf32, #tpu.memory_space<hbm>>
      tpu.enqueue_indirect_dma source(%dma_start3A_149 : memref<100000x128xf32, #tpu.memory_space<hbm>>) target(%arg15 : memref<128x128xf32, #tpu.memory_space<vmem>>) offsets(%dma_start3A_146 : memref<128xi32, #tpu.memory_space<vmem>>) semaphore(%arg20 : memref<!tpu.dma_semaphore, #tpu.memory_space<semaphore_mem>>)
      %mul3A_150 = arith.constant 128 : i32
      %mul3A_151 = arith.muli %mul3A_133, %mul3A_150 : i32
      %dma_wait3A = tpu.memref_slice %arg7[%mul3A_151] : memref<6400xi32, #tpu.memory_space<vmem>> -> memref<128xi32, #tpu.memory_space<vmem>>
      %dma_wait3A_152 = arith.constant 0 : i32
      %dma_wait3A_153 = arith.constant 0 : i32
      %dma_wait3A_154 = tpu.memref_slice %arg5[%dma_wait3A_152, %dma_wait3A_153] : memref<100000x128xf32, #tpu.memory_space<hbm>> -> memref<100000x128xf32, #tpu.memory_space<hbm>>
      tpu.wait_indirect_dma semaphore(%arg19 : memref<!tpu.dma_semaphore, #tpu.memory_space<semaphore_mem>>) src(%dma_wait3A_154 : memref<100000x128xf32, #tpu.memory_space<hbm>>) dst(%arg10 : memref<128x128xf32, #tpu.memory_space<vmem>>)
      %dma_wait3A_155 = tpu.memref_slice %arg8[%mul3A_151] : memref<6400xi32, #tpu.memory_space<vmem>> -> memref<128xi32, #tpu.memory_space<vmem>>
      %dma_wait3A_156 = arith.constant 0 : i32
      %dma_wait3A_157 = arith.constant 0 : i32
      %dma_wait3A_158 = tpu.memref_slice %arg5[%dma_wait3A_156, %dma_wait3A_157] : memref<100000x128xf32, #tpu.memory_space<hbm>> -> memref<100000x128xf32, #tpu.memory_space<hbm>>
      tpu.wait_indirect_dma semaphore(%arg19 : memref<!tpu.dma_semaphore, #tpu.memory_space<semaphore_mem>>) src(%dma_wait3A_158 : memref<100000x128xf32, #tpu.memory_space<hbm>>) dst(%arg11 : memref<128x128xf32, #tpu.memory_space<vmem>>)
      %dma_wait3A_159 = tpu.memref_slice %arg9[%mul3A_151] : memref<6400xi32, #tpu.memory_space<vmem>> -> memref<128xi32, #tpu.memory_space<vmem>>
      %dma_wait3A_160 = arith.constant 0 : i32
      %dma_wait3A_161 = arith.constant 0 : i32
      %dma_wait3A_162 = tpu.memref_slice %arg5[%dma_wait3A_160, %dma_wait3A_161] : memref<100000x128xf32, #tpu.memory_space<hbm>> -> memref<100000x128xf32, #tpu.memory_space<hbm>>
      tpu.wait_indirect_dma semaphore(%arg19 : memref<!tpu.dma_semaphore, #tpu.memory_space<semaphore_mem>>) src(%dma_wait3A_162 : memref<100000x128xf32, #tpu.memory_space<hbm>>) dst(%arg12 : memref<128x128xf32, #tpu.memory_space<vmem>>)
      %iota3A = tpu.iota {dimensions = array<i32: 0>} : vector<16xi32>
      %broadcast_in_dim3A = arith.constant 0 : i32
      %broadcast_in_dim3A_163 = vector.broadcast %broadcast_in_dim3A : i32 to vector<16xi32>
      %add3A_164 = arith.addi %broadcast_in_dim3A_163, %iota3A : vector<16xi32>
      %broadcast_in_dim3A_165 = arith.constant 16 : i32
      %broadcast_in_dim3A_166 = vector.broadcast %broadcast_in_dim3A_165 : i32 to vector<16xi32>
      %add3A_167 = arith.addi %broadcast_in_dim3A_166, %iota3A : vector<16xi32>
      %broadcast_in_dim3A_168 = arith.constant 32 : i32
      %broadcast_in_dim3A_169 = vector.broadcast %broadcast_in_dim3A_168 : i32 to vector<16xi32>
      %add3A_170 = arith.addi %broadcast_in_dim3A_169, %iota3A : vector<16xi32>
      %broadcast_in_dim3A_171 = arith.constant 48 : i32
      %broadcast_in_dim3A_172 = vector.broadcast %broadcast_in_dim3A_171 : i32 to vector<16xi32>
      %add3A_173 = arith.addi %broadcast_in_dim3A_172, %iota3A : vector<16xi32>
      %broadcast_in_dim3A_174 = arith.constant 64 : i32
      %broadcast_in_dim3A_175 = vector.broadcast %broadcast_in_dim3A_174 : i32 to vector<16xi32>
      %add3A_176 = arith.addi %broadcast_in_dim3A_175, %iota3A : vector<16xi32>
      %broadcast_in_dim3A_177 = arith.constant 80 : i32
      %broadcast_in_dim3A_178 = vector.broadcast %broadcast_in_dim3A_177 : i32 to vector<16xi32>
      %add3A_179 = arith.addi %broadcast_in_dim3A_178, %iota3A : vector<16xi32>
      %broadcast_in_dim3A_180 = arith.constant 96 : i32
      %broadcast_in_dim3A_181 = vector.broadcast %broadcast_in_dim3A_180 : i32 to vector<16xi32>
      %add3A_182 = arith.addi %broadcast_in_dim3A_181, %iota3A : vector<16xi32>
      %broadcast_in_dim3A_183 = arith.constant 112 : i32
      %broadcast_in_dim3A_184 = vector.broadcast %broadcast_in_dim3A_183 : i32 to vector<16xi32>
      %add3A_185 = arith.addi %broadcast_in_dim3A_184, %iota3A : vector<16xi32>
      %broadcast_in_dim3A_186 = arith.constant 0.000000e+00 : f32
      %broadcast_in_dim3A_187 = vector.broadcast %broadcast_in_dim3A_186 : f32 to vector<16xf32>
      %broadcast_in_dim3A_188 = arith.constant 0.000000e+00 : f32
      %broadcast_in_dim3A_189 = vector.broadcast %broadcast_in_dim3A_188 : f32 to vector<16xf32>
      %broadcast_in_dim3A_190 = arith.constant 0.000000e+00 : f32
      %broadcast_in_dim3A_191 = vector.broadcast %broadcast_in_dim3A_190 : f32 to vector<16xf32>
      %broadcast_in_dim3A_192 = arith.constant 0.000000e+00 : f32
      %broadcast_in_dim3A_193 = vector.broadcast %broadcast_in_dim3A_192 : f32 to vector<16xf32>
      %broadcast_in_dim3A_194 = arith.constant 0.000000e+00 : f32
      %broadcast_in_dim3A_195 = vector.broadcast %broadcast_in_dim3A_194 : f32 to vector<16xf32>
      %broadcast_in_dim3A_196 = arith.constant 0.000000e+00 : f32
      %broadcast_in_dim3A_197 = vector.broadcast %broadcast_in_dim3A_196 : f32 to vector<16xf32>
      %broadcast_in_dim3A_198 = arith.constant 0.000000e+00 : f32
      %broadcast_in_dim3A_199 = vector.broadcast %broadcast_in_dim3A_198 : f32 to vector<16xf32>
      %broadcast_in_dim3A_200 = arith.constant 0.000000e+00 : f32
      %broadcast_in_dim3A_201 = vector.broadcast %broadcast_in_dim3A_200 : f32 to vector<16xf32>
      %broadcast_in_dim3A_202 = arith.constant 0.000000e+00 : f32
      %broadcast_in_dim3A_203 = vector.broadcast %broadcast_in_dim3A_202 : f32 to vector<16xf32>
      %broadcast_in_dim3A_204 = arith.constant 0.000000e+00 : f32
      %broadcast_in_dim3A_205 = vector.broadcast %broadcast_in_dim3A_204 : f32 to vector<16xf32>
      %broadcast_in_dim3A_206 = arith.constant 0.000000e+00 : f32
      %broadcast_in_dim3A_207 = vector.broadcast %broadcast_in_dim3A_206 : f32 to vector<16xf32>
      %broadcast_in_dim3A_208 = arith.constant 0.000000e+00 : f32
      %broadcast_in_dim3A_209 = vector.broadcast %broadcast_in_dim3A_208 : f32 to vector<16xf32>
      %broadcast_in_dim3A_210 = arith.constant 0.000000e+00 : f32
      %broadcast_in_dim3A_211 = vector.broadcast %broadcast_in_dim3A_210 : f32 to vector<16xf32>
      %broadcast_in_dim3A_212 = arith.constant 0.000000e+00 : f32
      %broadcast_in_dim3A_213 = vector.broadcast %broadcast_in_dim3A_212 : f32 to vector<16xf32>
      %broadcast_in_dim3A_214 = arith.constant 0.000000e+00 : f32
      %broadcast_in_dim3A_215 = vector.broadcast %broadcast_in_dim3A_214 : f32 to vector<16xf32>
      %broadcast_in_dim3A_216 = arith.constant 0.000000e+00 : f32
      %broadcast_in_dim3A_217 = vector.broadcast %broadcast_in_dim3A_216 : f32 to vector<16xf32>
      %scan3A_218 = arith.constant 0 : i32
      %scan3A_219 = arith.constant 128 : i32
      %scan3A_220 = arith.addi %scan3A_218, %scan3A_219 : i32
      %scan3A_221 = arith.constant 4 : i32
      %scan3A_222:16 = scf.for %scan3A_985 = %scan3A_218 to %scan3A_220 step %scan3A_221 iter_args(%scan3A_986 = %broadcast_in_dim3A_187, %scan3A_987 = %broadcast_in_dim3A_189, %scan3A_988 = %broadcast_in_dim3A_191, %scan3A_989 = %broadcast_in_dim3A_193, %scan3A_990 = %broadcast_in_dim3A_195, %scan3A_991 = %broadcast_in_dim3A_197, %scan3A_992 = %broadcast_in_dim3A_199, %scan3A_993 = %broadcast_in_dim3A_201, %scan3A_994 = %broadcast_in_dim3A_203, %scan3A_995 = %broadcast_in_dim3A_205, %scan3A_996 = %broadcast_in_dim3A_207, %scan3A_997 = %broadcast_in_dim3A_209, %scan3A_998 = %broadcast_in_dim3A_211, %scan3A_999 = %broadcast_in_dim3A_213, %scan3A_1000 = %broadcast_in_dim3A_215, %scan3A_1001 = %broadcast_in_dim3A_217) -> (vector<16xf32>, vector<16xf32>, vector<16xf32>, vector<16xf32>, vector<16xf32>, vector<16xf32>, vector<16xf32>, vector<16xf32>, vector<16xf32>, vector<16xf32>, vector<16xf32>, vector<16xf32>, vector<16xf32>, vector<16xf32>, vector<16xf32>, vector<16xf32>)  : i32 {
        %broadcast_in_dim3A_1002 = vector.broadcast %scan3A_985 : i32 to vector<16xi32>
        %add3A_1003 = arith.addi %broadcast_in_dim3A_1002, %iota3A : vector<16xi32>
        %and3A = arith.constant 127 : i32
        %and3A_1004 = vector.broadcast %and3A : i32 to vector<16xi32>
        %and3A_1005 = arith.andi %add3A_1003, %and3A_1004 : vector<16xi32>
        %gather3A = tpu.vector_load_idx %arg17[%and3A_1005] : memref<128xf32, #tpu.memory_space<vmem>>[vector<16xi32>], vector<16xf32>,
        %gather3A_1006 = tpu.vector_load_idx %arg10[%add3A_164, %and3A_1005] : memref<128x128xf32, #tpu.memory_space<vmem>>[vector<16xi32>, vector<16xi32>], vector<16xf32>,
        %gather3A_1007 = tpu.vector_load_idx %arg11[%add3A_164, %and3A_1005] : memref<128x128xf32, #tpu.memory_space<vmem>>[vector<16xi32>, vector<16xi32>], vector<16xf32>,
        %gather3A_1008 = tpu.vector_load_idx %arg12[%add3A_164, %and3A_1005] : memref<128x128xf32, #tpu.memory_space<vmem>>[vector<16xi32>, vector<16xi32>], vector<16xf32>,
        %add3A_1009 = arith.addf %gather3A_1006, %gather3A_1007 : vector<16xf32>
        %mul3A_1010 = arith.constant 5.000000e-01 : f32
        %mul3A_1011 = vector.broadcast %mul3A_1010 : f32 to vector<16xf32>
        %mul3A_1012 = arith.mulf %mul3A_1011, %add3A_1009 : vector<16xf32>
        %sub3A_1013 = arith.subf %mul3A_1012, %gather3A_1008 : vector<16xf32>
        %mul3A_1014 = arith.mulf %sub3A_1013, %sub3A_1013 : vector<16xf32>
        %add3A_1015 = arith.addf %scan3A_986, %mul3A_1014 : vector<16xf32>
        %mul3A_1016 = arith.mulf %add3A_1009, %gather3A : vector<16xf32>
        %add3A_1017 = arith.addf %scan3A_987, %mul3A_1016 : vector<16xf32>
        %gather3A_1018 = tpu.vector_load_idx %arg10[%add3A_167, %and3A_1005] : memref<128x128xf32, #tpu.memory_space<vmem>>[vector<16xi32>, vector<16xi32>], vector<16xf32>,
        %gather3A_1019 = tpu.vector_load_idx %arg11[%add3A_167, %and3A_1005] : memref<128x128xf32, #tpu.memory_space<vmem>>[vector<16xi32>, vector<16xi32>], vector<16xf32>,
        %gather3A_1020 = tpu.vector_load_idx %arg12[%add3A_167, %and3A_1005] : memref<128x128xf32, #tpu.memory_space<vmem>>[vector<16xi32>, vector<16xi32>], vector<16xf32>,
        %add3A_1021 = arith.addf %gather3A_1018, %gather3A_1019 : vector<16xf32>
        %mul3A_1022 = arith.constant 5.000000e-01 : f32
        %mul3A_1023 = vector.broadcast %mul3A_1022 : f32 to vector<16xf32>
        %mul3A_1024 = arith.mulf %mul3A_1023, %add3A_1021 : vector<16xf32>
        %sub3A_1025 = arith.subf %mul3A_1024, %gather3A_1020 : vector<16xf32>
        %mul3A_1026 = arith.mulf %sub3A_1025, %sub3A_1025 : vector<16xf32>
        %add3A_1027 = arith.addf %scan3A_988, %mul3A_1026 : vector<16xf32>
        %mul3A_1028 = arith.mulf %add3A_1021, %gather3A : vector<16xf32>
        %add3A_1029 = arith.addf %scan3A_989, %mul3A_1028 : vector<16xf32>
        %gather3A_1030 = tpu.vector_load_idx %arg10[%add3A_170, %and3A_1005] : memref<128x128xf32, #tpu.memory_space<vmem>>[vector<16xi32>, vector<16xi32>], vector<16xf32>,
        %gather3A_1031 = tpu.vector_load_idx %arg11[%add3A_170, %and3A_1005] : memref<128x128xf32, #tpu.memory_space<vmem>>[vector<16xi32>, vector<16xi32>], vector<16xf32>,
        %gather3A_1032 = tpu.vector_load_idx %arg12[%add3A_170, %and3A_1005] : memref<128x128xf32, #tpu.memory_space<vmem>>[vector<16xi32>, vector<16xi32>], vector<16xf32>,
        %add3A_1033 = arith.addf %gather3A_1030, %gather3A_1031 : vector<16xf32>
        %mul3A_1034 = arith.constant 5.000000e-01 : f32
        %mul3A_1035 = vector.broadcast %mul3A_1034 : f32 to vector<16xf32>
        %mul3A_1036 = arith.mulf %mul3A_1035, %add3A_1033 : vector<16xf32>
        %sub3A_1037 = arith.subf %mul3A_1036, %gather3A_1032 : vector<16xf32>
        %mul3A_1038 = arith.mulf %sub3A_1037, %sub3A_1037 : vector<16xf32>
        %add3A_1039 = arith.addf %scan3A_990, %mul3A_1038 : vector<16xf32>
        %mul3A_1040 = arith.mulf %add3A_1033, %gather3A : vector<16xf32>
        %add3A_1041 = arith.addf %scan3A_991, %mul3A_1040 : vector<16xf32>
        %gather3A_1042 = tpu.vector_load_idx %arg10[%add3A_173, %and3A_1005] : memref<128x128xf32, #tpu.memory_space<vmem>>[vector<16xi32>, vector<16xi32>], vector<16xf32>,
        %gather3A_1043 = tpu.vector_load_idx %arg11[%add3A_173, %and3A_1005] : memref<128x128xf32, #tpu.memory_space<vmem>>[vector<16xi32>, vector<16xi32>], vector<16xf32>,
        %gather3A_1044 = tpu.vector_load_idx %arg12[%add3A_173, %and3A_1005] : memref<128x128xf32, #tpu.memory_space<vmem>>[vector<16xi32>, vector<16xi32>], vector<16xf32>,
        %add3A_1045 = arith.addf %gather3A_1042, %gather3A_1043 : vector<16xf32>
        %mul3A_1046 = arith.constant 5.000000e-01 : f32
        %mul3A_1047 = vector.broadcast %mul3A_1046 : f32 to vector<16xf32>
        %mul3A_1048 = arith.mulf %mul3A_1047, %add3A_1045 : vector<16xf32>
        %sub3A_1049 = arith.subf %mul3A_1048, %gather3A_1044 : vector<16xf32>
        %mul3A_1050 = arith.mulf %sub3A_1049, %sub3A_1049 : vector<16xf32>
        %add3A_1051 = arith.addf %scan3A_992, %mul3A_1050 : vector<16xf32>
        %mul3A_1052 = arith.mulf %add3A_1045, %gather3A : vector<16xf32>
        %add3A_1053 = arith.addf %scan3A_993, %mul3A_1052 : vector<16xf32>
        %gather3A_1054 = tpu.vector_load_idx %arg10[%add3A_176, %and3A_1005] : memref<128x128xf32, #tpu.memory_space<vmem>>[vector<16xi32>, vector<16xi32>], vector<16xf32>,
        %gather3A_1055 = tpu.vector_load_idx %arg11[%add3A_176, %and3A_1005] : memref<128x128xf32, #tpu.memory_space<vmem>>[vector<16xi32>, vector<16xi32>], vector<16xf32>,
        %gather3A_1056 = tpu.vector_load_idx %arg12[%add3A_176, %and3A_1005] : memref<128x128xf32, #tpu.memory_space<vmem>>[vector<16xi32>, vector<16xi32>], vector<16xf32>,
        %add3A_1057 = arith.addf %gather3A_1054, %gather3A_1055 : vector<16xf32>
        %mul3A_1058 = arith.constant 5.000000e-01 : f32
        %mul3A_1059 = vector.broadcast %mul3A_1058 : f32 to vector<16xf32>
        %mul3A_1060 = arith.mulf %mul3A_1059, %add3A_1057 : vector<16xf32>
        %sub3A_1061 = arith.subf %mul3A_1060, %gather3A_1056 : vector<16xf32>
        %mul3A_1062 = arith.mulf %sub3A_1061, %sub3A_1061 : vector<16xf32>
        %add3A_1063 = arith.addf %scan3A_994, %mul3A_1062 : vector<16xf32>
        %mul3A_1064 = arith.mulf %add3A_1057, %gather3A : vector<16xf32>
        %add3A_1065 = arith.addf %scan3A_995, %mul3A_1064 : vector<16xf32>
        %gather3A_1066 = tpu.vector_load_idx %arg10[%add3A_179, %and3A_1005] : memref<128x128xf32, #tpu.memory_space<vmem>>[vector<16xi32>, vector<16xi32>], vector<16xf32>,
        %gather3A_1067 = tpu.vector_load_idx %arg11[%add3A_179, %and3A_1005] : memref<128x128xf32, #tpu.memory_space<vmem>>[vector<16xi32>, vector<16xi32>], vector<16xf32>,
        %gather3A_1068 = tpu.vector_load_idx %arg12[%add3A_179, %and3A_1005] : memref<128x128xf32, #tpu.memory_space<vmem>>[vector<16xi32>, vector<16xi32>], vector<16xf32>,
        %add3A_1069 = arith.addf %gather3A_1066, %gather3A_1067 : vector<16xf32>
        %mul3A_1070 = arith.constant 5.000000e-01 : f32
        %mul3A_1071 = vector.broadcast %mul3A_1070 : f32 to vector<16xf32>
        %mul3A_1072 = arith.mulf %mul3A_1071, %add3A_1069 : vector<16xf32>
        %sub3A_1073 = arith.subf %mul3A_1072, %gather3A_1068 : vector<16xf32>
        %mul3A_1074 = arith.mulf %sub3A_1073, %sub3A_1073 : vector<16xf32>
        %add3A_1075 = arith.addf %scan3A_996, %mul3A_1074 : vector<16xf32>
        %mul3A_1076 = arith.mulf %add3A_1069, %gather3A : vector<16xf32>
        %add3A_1077 = arith.addf %scan3A_997, %mul3A_1076 : vector<16xf32>
        %gather3A_1078 = tpu.vector_load_idx %arg10[%add3A_182, %and3A_1005] : memref<128x128xf32, #tpu.memory_space<vmem>>[vector<16xi32>, vector<16xi32>], vector<16xf32>,
        %gather3A_1079 = tpu.vector_load_idx %arg11[%add3A_182, %and3A_1005] : memref<128x128xf32, #tpu.memory_space<vmem>>[vector<16xi32>, vector<16xi32>], vector<16xf32>,
        %gather3A_1080 = tpu.vector_load_idx %arg12[%add3A_182, %and3A_1005] : memref<128x128xf32, #tpu.memory_space<vmem>>[vector<16xi32>, vector<16xi32>], vector<16xf32>,
        %add3A_1081 = arith.addf %gather3A_1078, %gather3A_1079 : vector<16xf32>
        %mul3A_1082 = arith.constant 5.000000e-01 : f32
        %mul3A_1083 = vector.broadcast %mul3A_1082 : f32 to vector<16xf32>
        %mul3A_1084 = arith.mulf %mul3A_1083, %add3A_1081 : vector<16xf32>
        %sub3A_1085 = arith.subf %mul3A_1084, %gather3A_1080 : vector<16xf32>
        %mul3A_1086 = arith.mulf %sub3A_1085, %sub3A_1085 : vector<16xf32>
        %add3A_1087 = arith.addf %scan3A_998, %mul3A_1086 : vector<16xf32>
        %mul3A_1088 = arith.mulf %add3A_1081, %gather3A : vector<16xf32>
        %add3A_1089 = arith.addf %scan3A_999, %mul3A_1088 : vector<16xf32>
        %gather3A_1090 = tpu.vector_load_idx %arg10[%add3A_185, %and3A_1005] : memref<128x128xf32, #tpu.memory_space<vmem>>[vector<16xi32>, vector<16xi32>], vector<16xf32>,
        %gather3A_1091 = tpu.vector_load_idx %arg11[%add3A_185, %and3A_1005] : memref<128x128xf32, #tpu.memory_space<vmem>>[vector<16xi32>, vector<16xi32>], vector<16xf32>,
        %gather3A_1092 = tpu.vector_load_idx %arg12[%add3A_185, %and3A_1005] : memref<128x128xf32, #tpu.memory_space<vmem>>[vector<16xi32>, vector<16xi32>], vector<16xf32>,
        %add3A_1093 = arith.addf %gather3A_1090, %gather3A_1091 : vector<16xf32>
        %mul3A_1094 = arith.constant 5.000000e-01 : f32
        %mul3A_1095 = vector.broadcast %mul3A_1094 : f32 to vector<16xf32>
        %mul3A_1096 = arith.mulf %mul3A_1095, %add3A_1093 : vector<16xf32>
        %sub3A_1097 = arith.subf %mul3A_1096, %gather3A_1092 : vector<16xf32>
        %mul3A_1098 = arith.mulf %sub3A_1097, %sub3A_1097 : vector<16xf32>
        %add3A_1099 = arith.addf %scan3A_1000, %mul3A_1098 : vector<16xf32>
        %mul3A_1100 = arith.mulf %add3A_1093, %gather3A : vector<16xf32>
        %add3A_1101 = arith.addf %scan3A_1001, %mul3A_1100 : vector<16xf32>
        %scan3A_1102 = arith.constant 1 : i32
        %scan3A_1103 = arith.addi %scan3A_985, %scan3A_1102 : i32
        %broadcast_in_dim3A_1104 = vector.broadcast %scan3A_1103 : i32 to vector<16xi32>
        %add3A_1105 = arith.addi %broadcast_in_dim3A_1104, %iota3A : vector<16xi32>
        %and3A_1106 = arith.constant 127 : i32
        %and3A_1107 = vector.broadcast %and3A_1106 : i32 to vector<16xi32>
        %and3A_1108 = arith.andi %add3A_1105, %and3A_1107 : vector<16xi32>
        %gather3A_1109 = tpu.vector_load_idx %arg17[%and3A_1108] : memref<128xf32, #tpu.memory_space<vmem>>[vector<16xi32>], vector<16xf32>,
        %gather3A_1110 = tpu.vector_load_idx %arg10[%add3A_164, %and3A_1108] : memref<128x128xf32, #tpu.memory_space<vmem>>[vector<16xi32>, vector<16xi32>], vector<16xf32>,
        %gather3A_1111 = tpu.vector_load_idx %arg11[%add3A_164, %and3A_1108] : memref<128x128xf32, #tpu.memory_space<vmem>>[vector<16xi32>, vector<16xi32>], vector<16xf32>,
        %gather3A_1112 = tpu.vector_load_idx %arg12[%add3A_164, %and3A_1108] : memref<128x128xf32, #tpu.memory_space<vmem>>[vector<16xi32>, vector<16xi32>], vector<16xf32>,
        %add3A_1113 = arith.addf %gather3A_1110, %gather3A_1111 : vector<16xf32>
        %mul3A_1114 = arith.constant 5.000000e-01 : f32
        %mul3A_1115 = vector.broadcast %mul3A_1114 : f32 to vector<16xf32>
        %mul3A_1116 = arith.mulf %mul3A_1115, %add3A_1113 : vector<16xf32>
        %sub3A_1117 = arith.subf %mul3A_1116, %gather3A_1112 : vector<16xf32>
        %mul3A_1118 = arith.mulf %sub3A_1117, %sub3A_1117 : vector<16xf32>
        %add3A_1119 = arith.addf %add3A_1015, %mul3A_1118 : vector<16xf32>
        %mul3A_1120 = arith.mulf %add3A_1113, %gather3A_1109 : vector<16xf32>
        %add3A_1121 = arith.addf %add3A_1017, %mul3A_1120 : vector<16xf32>
        %gather3A_1122 = tpu.vector_load_idx %arg10[%add3A_167, %and3A_1108] : memref<128x128xf32, #tpu.memory_space<vmem>>[vector<16xi32>, vector<16xi32>], vector<16xf32>,
        %gather3A_1123 = tpu.vector_load_idx %arg11[%add3A_167, %and3A_1108] : memref<128x128xf32, #tpu.memory_space<vmem>>[vector<16xi32>, vector<16xi32>], vector<16xf32>,
        %gather3A_1124 = tpu.vector_load_idx %arg12[%add3A_167, %and3A_1108] : memref<128x128xf32, #tpu.memory_space<vmem>>[vector<16xi32>, vector<16xi32>], vector<16xf32>,
        %add3A_1125 = arith.addf %gather3A_1122, %gather3A_1123 : vector<16xf32>
        %mul3A_1126 = arith.constant 5.000000e-01 : f32
        %mul3A_1127 = vector.broadcast %mul3A_1126 : f32 to vector<16xf32>
        %mul3A_1128 = arith.mulf %mul3A_1127, %add3A_1125 : vector<16xf32>
        %sub3A_1129 = arith.subf %mul3A_1128, %gather3A_1124 : vector<16xf32>
        %mul3A_1130 = arith.mulf %sub3A_1129, %sub3A_1129 : vector<16xf32>
        %add3A_1131 = arith.addf %add3A_1027, %mul3A_1130 : vector<16xf32>
        %mul3A_1132 = arith.mulf %add3A_1125, %gather3A_1109 : vector<16xf32>
        %add3A_1133 = arith.addf %add3A_1029, %mul3A_1132 : vector<16xf32>
        %gather3A_1134 = tpu.vector_load_idx %arg10[%add3A_170, %and3A_1108] : memref<128x128xf32, #tpu.memory_space<vmem>>[vector<16xi32>, vector<16xi32>], vector<16xf32>,
        %gather3A_1135 = tpu.vector_load_idx %arg11[%add3A_170, %and3A_1108] : memref<128x128xf32, #tpu.memory_space<vmem>>[vector<16xi32>, vector<16xi32>], vector<16xf32>,
        %gather3A_1136 = tpu.vector_load_idx %arg12[%add3A_170, %and3A_1108] : memref<128x128xf32, #tpu.memory_space<vmem>>[vector<16xi32>, vector<16xi32>], vector<16xf32>,
        %add3A_1137 = arith.addf %gather3A_1134, %gather3A_1135 : vector<16xf32>
        %mul3A_1138 = arith.constant 5.000000e-01 : f32
        %mul3A_1139 = vector.broadcast %mul3A_1138 : f32 to vector<16xf32>
        %mul3A_1140 = arith.mulf %mul3A_1139, %add3A_1137 : vector<16xf32>
        %sub3A_1141 = arith.subf %mul3A_1140, %gather3A_1136 : vector<16xf32>
        %mul3A_1142 = arith.mulf %sub3A_1141, %sub3A_1141 : vector<16xf32>
        %add3A_1143 = arith.addf %add3A_1039, %mul3A_1142 : vector<16xf32>
        %mul3A_1144 = arith.mulf %add3A_1137, %gather3A_1109 : vector<16xf32>
        %add3A_1145 = arith.addf %add3A_1041, %mul3A_1144 : vector<16xf32>
        %gather3A_1146 = tpu.vector_load_idx %arg10[%add3A_173, %and3A_1108] : memref<128x128xf32, #tpu.memory_space<vmem>>[vector<16xi32>, vector<16xi32>], vector<16xf32>,
        %gather3A_1147 = tpu.vector_load_idx %arg11[%add3A_173, %and3A_1108] : memref<128x128xf32, #tpu.memory_space<vmem>>[vector<16xi32>, vector<16xi32>], vector<16xf32>,
        %gather3A_1148 = tpu.vector_load_idx %arg12[%add3A_173, %and3A_1108] : memref<128x128xf32, #tpu.memory_space<vmem>>[vector<16xi32>, vector<16xi32>], vector<16xf32>,
        %add3A_1149 = arith.addf %gather3A_1146, %gather3A_1147 : vector<16xf32>
        %mul3A_1150 = arith.constant 5.000000e-01 : f32
        %mul3A_1151 = vector.broadcast %mul3A_1150 : f32 to vector<16xf32>
        %mul3A_1152 = arith.mulf %mul3A_1151, %add3A_1149 : vector<16xf32>
        %sub3A_1153 = arith.subf %mul3A_1152, %gather3A_1148 : vector<16xf32>
        %mul3A_1154 = arith.mulf %sub3A_1153, %sub3A_1153 : vector<16xf32>
        %add3A_1155 = arith.addf %add3A_1051, %mul3A_1154 : vector<16xf32>
        %mul3A_1156 = arith.mulf %add3A_1149, %gather3A_1109 : vector<16xf32>
        %add3A_1157 = arith.addf %add3A_1053, %mul3A_1156 : vector<16xf32>
        %gather3A_1158 = tpu.vector_load_idx %arg10[%add3A_176, %and3A_1108] : memref<128x128xf32, #tpu.memory_space<vmem>>[vector<16xi32>, vector<16xi32>], vector<16xf32>,
        %gather3A_1159 = tpu.vector_load_idx %arg11[%add3A_176, %and3A_1108] : memref<128x128xf32, #tpu.memory_space<vmem>>[vector<16xi32>, vector<16xi32>], vector<16xf32>,
        %gather3A_1160 = tpu.vector_load_idx %arg12[%add3A_176, %and3A_1108] : memref<128x128xf32, #tpu.memory_space<vmem>>[vector<16xi32>, vector<16xi32>], vector<16xf32>,
        %add3A_1161 = arith.addf %gather3A_1158, %gather3A_1159 : vector<16xf32>
        %mul3A_1162 = arith.constant 5.000000e-01 : f32
        %mul3A_1163 = vector.broadcast %mul3A_1162 : f32 to vector<16xf32>
        %mul3A_1164 = arith.mulf %mul3A_1163, %add3A_1161 : vector<16xf32>
        %sub3A_1165 = arith.subf %mul3A_1164, %gather3A_1160 : vector<16xf32>
        %mul3A_1166 = arith.mulf %sub3A_1165, %sub3A_1165 : vector<16xf32>
        %add3A_1167 = arith.addf %add3A_1063, %mul3A_1166 : vector<16xf32>
        %mul3A_1168 = arith.mulf %add3A_1161, %gather3A_1109 : vector<16xf32>
        %add3A_1169 = arith.addf %add3A_1065, %mul3A_1168 : vector<16xf32>
        %gather3A_1170 = tpu.vector_load_idx %arg10[%add3A_179, %and3A_1108] : memref<128x128xf32, #tpu.memory_space<vmem>>[vector<16xi32>, vector<16xi32>], vector<16xf32>,
        %gather3A_1171 = tpu.vector_load_idx %arg11[%add3A_179, %and3A_1108] : memref<128x128xf32, #tpu.memory_space<vmem>>[vector<16xi32>, vector<16xi32>], vector<16xf32>,
        %gather3A_1172 = tpu.vector_load_idx %arg12[%add3A_179, %and3A_1108] : memref<128x128xf32, #tpu.memory_space<vmem>>[vector<16xi32>, vector<16xi32>], vector<16xf32>,
        %add3A_1173 = arith.addf %gather3A_1170, %gather3A_1171 : vector<16xf32>
        %mul3A_1174 = arith.constant 5.000000e-01 : f32
        %mul3A_1175 = vector.broadcast %mul3A_1174 : f32 to vector<16xf32>
        %mul3A_1176 = arith.mulf %mul3A_1175, %add3A_1173 : vector<16xf32>
        %sub3A_1177 = arith.subf %mul3A_1176, %gather3A_1172 : vector<16xf32>
        %mul3A_1178 = arith.mulf %sub3A_1177, %sub3A_1177 : vector<16xf32>
        %add3A_1179 = arith.addf %add3A_1075, %mul3A_1178 : vector<16xf32>
        %mul3A_1180 = arith.mulf %add3A_1173, %gather3A_1109 : vector<16xf32>
        %add3A_1181 = arith.addf %add3A_1077, %mul3A_1180 : vector<16xf32>
        %gather3A_1182 = tpu.vector_load_idx %arg10[%add3A_182, %and3A_1108] : memref<128x128xf32, #tpu.memory_space<vmem>>[vector<16xi32>, vector<16xi32>], vector<16xf32>,
        %gather3A_1183 = tpu.vector_load_idx %arg11[%add3A_182, %and3A_1108] : memref<128x128xf32, #tpu.memory_space<vmem>>[vector<16xi32>, vector<16xi32>], vector<16xf32>,
        %gather3A_1184 = tpu.vector_load_idx %arg12[%add3A_182, %and3A_1108] : memref<128x128xf32, #tpu.memory_space<vmem>>[vector<16xi32>, vector<16xi32>], vector<16xf32>,
        %add3A_1185 = arith.addf %gather3A_1182, %gather3A_1183 : vector<16xf32>
        %mul3A_1186 = arith.constant 5.000000e-01 : f32
        %mul3A_1187 = vector.broadcast %mul3A_1186 : f32 to vector<16xf32>
        %mul3A_1188 = arith.mulf %mul3A_1187, %add3A_1185 : vector<16xf32>
        %sub3A_1189 = arith.subf %mul3A_1188, %gather3A_1184 : vector<16xf32>
        %mul3A_1190 = arith.mulf %sub3A_1189, %sub3A_1189 : vector<16xf32>
        %add3A_1191 = arith.addf %add3A_1087, %mul3A_1190 : vector<16xf32>
        %mul3A_1192 = arith.mulf %add3A_1185, %gather3A_1109 : vector<16xf32>
        %add3A_1193 = arith.addf %add3A_1089, %mul3A_1192 : vector<16xf32>
        %gather3A_1194 = tpu.vector_load_idx %arg10[%add3A_185, %and3A_1108] : memref<128x128xf32, #tpu.memory_space<vmem>>[vector<16xi32>, vector<16xi32>], vector<16xf32>,
        %gather3A_1195 = tpu.vector_load_idx %arg11[%add3A_185, %and3A_1108] : memref<128x128xf32, #tpu.memory_space<vmem>>[vector<16xi32>, vector<16xi32>], vector<16xf32>,
        %gather3A_1196 = tpu.vector_load_idx %arg12[%add3A_185, %and3A_1108] : memref<128x128xf32, #tpu.memory_space<vmem>>[vector<16xi32>, vector<16xi32>], vector<16xf32>,
        %add3A_1197 = arith.addf %gather3A_1194, %gather3A_1195 : vector<16xf32>
        %mul3A_1198 = arith.constant 5.000000e-01 : f32
        %mul3A_1199 = vector.broadcast %mul3A_1198 : f32 to vector<16xf32>
        %mul3A_1200 = arith.mulf %mul3A_1199, %add3A_1197 : vector<16xf32>
        %sub3A_1201 = arith.subf %mul3A_1200, %gather3A_1196 : vector<16xf32>
        %mul3A_1202 = arith.mulf %sub3A_1201, %sub3A_1201 : vector<16xf32>
        %add3A_1203 = arith.addf %add3A_1099, %mul3A_1202 : vector<16xf32>
        %mul3A_1204 = arith.mulf %add3A_1197, %gather3A_1109 : vector<16xf32>
        %add3A_1205 = arith.addf %add3A_1101, %mul3A_1204 : vector<16xf32>
        %scan3A_1206 = arith.constant 2 : i32
        %scan3A_1207 = arith.addi %scan3A_985, %scan3A_1206 : i32
        %broadcast_in_dim3A_1208 = vector.broadcast %scan3A_1207 : i32 to vector<16xi32>
        %add3A_1209 = arith.addi %broadcast_in_dim3A_1208, %iota3A : vector<16xi32>
        %and3A_1210 = arith.constant 127 : i32
        %and3A_1211 = vector.broadcast %and3A_1210 : i32 to vector<16xi32>
        %and3A_1212 = arith.andi %add3A_1209, %and3A_1211 : vector<16xi32>
        %gather3A_1213 = tpu.vector_load_idx %arg17[%and3A_1212] : memref<128xf32, #tpu.memory_space<vmem>>[vector<16xi32>], vector<16xf32>,
        %gather3A_1214 = tpu.vector_load_idx %arg10[%add3A_164, %and3A_1212] : memref<128x128xf32, #tpu.memory_space<vmem>>[vector<16xi32>, vector<16xi32>], vector<16xf32>,
        %gather3A_1215 = tpu.vector_load_idx %arg11[%add3A_164, %and3A_1212] : memref<128x128xf32, #tpu.memory_space<vmem>>[vector<16xi32>, vector<16xi32>], vector<16xf32>,
        %gather3A_1216 = tpu.vector_load_idx %arg12[%add3A_164, %and3A_1212] : memref<128x128xf32, #tpu.memory_space<vmem>>[vector<16xi32>, vector<16xi32>], vector<16xf32>,
        %add3A_1217 = arith.addf %gather3A_1214, %gather3A_1215 : vector<16xf32>
        %mul3A_1218 = arith.constant 5.000000e-01 : f32
        %mul3A_1219 = vector.broadcast %mul3A_1218 : f32 to vector<16xf32>
        %mul3A_1220 = arith.mulf %mul3A_1219, %add3A_1217 : vector<16xf32>
        %sub3A_1221 = arith.subf %mul3A_1220, %gather3A_1216 : vector<16xf32>
        %mul3A_1222 = arith.mulf %sub3A_1221, %sub3A_1221 : vector<16xf32>
        %add3A_1223 = arith.addf %add3A_1119, %mul3A_1222 : vector<16xf32>
        %mul3A_1224 = arith.mulf %add3A_1217, %gather3A_1213 : vector<16xf32>
        %add3A_1225 = arith.addf %add3A_1121, %mul3A_1224 : vector<16xf32>
        %gather3A_1226 = tpu.vector_load_idx %arg10[%add3A_167, %and3A_1212] : memref<128x128xf32, #tpu.memory_space<vmem>>[vector<16xi32>, vector<16xi32>], vector<16xf32>,
        %gather3A_1227 = tpu.vector_load_idx %arg11[%add3A_167, %and3A_1212] : memref<128x128xf32, #tpu.memory_space<vmem>>[vector<16xi32>, vector<16xi32>], vector<16xf32>,
        %gather3A_1228 = tpu.vector_load_idx %arg12[%add3A_167, %and3A_1212] : memref<128x128xf32, #tpu.memory_space<vmem>>[vector<16xi32>, vector<16xi32>], vector<16xf32>,
        %add3A_1229 = arith.addf %gather3A_1226, %gather3A_1227 : vector<16xf32>
        %mul3A_1230 = arith.constant 5.000000e-01 : f32
        %mul3A_1231 = vector.broadcast %mul3A_1230 : f32 to vector<16xf32>
        %mul3A_1232 = arith.mulf %mul3A_1231, %add3A_1229 : vector<16xf32>
        %sub3A_1233 = arith.subf %mul3A_1232, %gather3A_1228 : vector<16xf32>
        %mul3A_1234 = arith.mulf %sub3A_1233, %sub3A_1233 : vector<16xf32>
        %add3A_1235 = arith.addf %add3A_1131, %mul3A_1234 : vector<16xf32>
        %mul3A_1236 = arith.mulf %add3A_1229, %gather3A_1213 : vector<16xf32>
        %add3A_1237 = arith.addf %add3A_1133, %mul3A_1236 : vector<16xf32>
        %gather3A_1238 = tpu.vector_load_idx %arg10[%add3A_170, %and3A_1212] : memref<128x128xf32, #tpu.memory_space<vmem>>[vector<16xi32>, vector<16xi32>], vector<16xf32>,
        %gather3A_1239 = tpu.vector_load_idx %arg11[%add3A_170, %and3A_1212] : memref<128x128xf32, #tpu.memory_space<vmem>>[vector<16xi32>, vector<16xi32>], vector<16xf32>,
        %gather3A_1240 = tpu.vector_load_idx %arg12[%add3A_170, %and3A_1212] : memref<128x128xf32, #tpu.memory_space<vmem>>[vector<16xi32>, vector<16xi32>], vector<16xf32>,
        %add3A_1241 = arith.addf %gather3A_1238, %gather3A_1239 : vector<16xf32>
        %mul3A_1242 = arith.constant 5.000000e-01 : f32
        %mul3A_1243 = vector.broadcast %mul3A_1242 : f32 to vector<16xf32>
        %mul3A_1244 = arith.mulf %mul3A_1243, %add3A_1241 : vector<16xf32>
        %sub3A_1245 = arith.subf %mul3A_1244, %gather3A_1240 : vector<16xf32>
        %mul3A_1246 = arith.mulf %sub3A_1245, %sub3A_1245 : vector<16xf32>
        %add3A_1247 = arith.addf %add3A_1143, %mul3A_1246 : vector<16xf32>
        %mul3A_1248 = arith.mulf %add3A_1241, %gather3A_1213 : vector<16xf32>
        %add3A_1249 = arith.addf %add3A_1145, %mul3A_1248 : vector<16xf32>
        %gather3A_1250 = tpu.vector_load_idx %arg10[%add3A_173, %and3A_1212] : memref<128x128xf32, #tpu.memory_space<vmem>>[vector<16xi32>, vector<16xi32>], vector<16xf32>,
        %gather3A_1251 = tpu.vector_load_idx %arg11[%add3A_173, %and3A_1212] : memref<128x128xf32, #tpu.memory_space<vmem>>[vector<16xi32>, vector<16xi32>], vector<16xf32>,
        %gather3A_1252 = tpu.vector_load_idx %arg12[%add3A_173, %and3A_1212] : memref<128x128xf32, #tpu.memory_space<vmem>>[vector<16xi32>, vector<16xi32>], vector<16xf32>,
        %add3A_1253 = arith.addf %gather3A_1250, %gather3A_1251 : vector<16xf32>
        %mul3A_1254 = arith.constant 5.000000e-01 : f32
        %mul3A_1255 = vector.broadcast %mul3A_1254 : f32 to vector<16xf32>
        %mul3A_1256 = arith.mulf %mul3A_1255, %add3A_1253 : vector<16xf32>
        %sub3A_1257 = arith.subf %mul3A_1256, %gather3A_1252 : vector<16xf32>
        %mul3A_1258 = arith.mulf %sub3A_1257, %sub3A_1257 : vector<16xf32>
        %add3A_1259 = arith.addf %add3A_1155, %mul3A_1258 : vector<16xf32>
        %mul3A_1260 = arith.mulf %add3A_1253, %gather3A_1213 : vector<16xf32>
        %add3A_1261 = arith.addf %add3A_1157, %mul3A_1260 : vector<16xf32>
        %gather3A_1262 = tpu.vector_load_idx %arg10[%add3A_176, %and3A_1212] : memref<128x128xf32, #tpu.memory_space<vmem>>[vector<16xi32>, vector<16xi32>], vector<16xf32>,
        %gather3A_1263 = tpu.vector_load_idx %arg11[%add3A_176, %and3A_1212] : memref<128x128xf32, #tpu.memory_space<vmem>>[vector<16xi32>, vector<16xi32>], vector<16xf32>,
        %gather3A_1264 = tpu.vector_load_idx %arg12[%add3A_176, %and3A_1212] : memref<128x128xf32, #tpu.memory_space<vmem>>[vector<16xi32>, vector<16xi32>], vector<16xf32>,
        %add3A_1265 = arith.addf %gather3A_1262, %gather3A_1263 : vector<16xf32>
        %mul3A_1266 = arith.constant 5.000000e-01 : f32
        %mul3A_1267 = vector.broadcast %mul3A_1266 : f32 to vector<16xf32>
        %mul3A_1268 = arith.mulf %mul3A_1267, %add3A_1265 : vector<16xf32>
        %sub3A_1269 = arith.subf %mul3A_1268, %gather3A_1264 : vector<16xf32>
        %mul3A_1270 = arith.mulf %sub3A_1269, %sub3A_1269 : vector<16xf32>
        %add3A_1271 = arith.addf %add3A_1167, %mul3A_1270 : vector<16xf32>
        %mul3A_1272 = arith.mulf %add3A_1265, %gather3A_1213 : vector<16xf32>
        %add3A_1273 = arith.addf %add3A_1169, %mul3A_1272 : vector<16xf32>
        %gather3A_1274 = tpu.vector_load_idx %arg10[%add3A_179, %and3A_1212] : memref<128x128xf32, #tpu.memory_space<vmem>>[vector<16xi32>, vector<16xi32>], vector<16xf32>,
        %gather3A_1275 = tpu.vector_load_idx %arg11[%add3A_179, %and3A_1212] : memref<128x128xf32, #tpu.memory_space<vmem>>[vector<16xi32>, vector<16xi32>], vector<16xf32>,
        %gather3A_1276 = tpu.vector_load_idx %arg12[%add3A_179, %and3A_1212] : memref<128x128xf32, #tpu.memory_space<vmem>>[vector<16xi32>, vector<16xi32>], vector<16xf32>,
        %add3A_1277 = arith.addf %gather3A_1274, %gather3A_1275 : vector<16xf32>
        %mul3A_1278 = arith.constant 5.000000e-01 : f32
        %mul3A_1279 = vector.broadcast %mul3A_1278 : f32 to vector<16xf32>
        %mul3A_1280 = arith.mulf %mul3A_1279, %add3A_1277 : vector<16xf32>
        %sub3A_1281 = arith.subf %mul3A_1280, %gather3A_1276 : vector<16xf32>
        %mul3A_1282 = arith.mulf %sub3A_1281, %sub3A_1281 : vector<16xf32>
        %add3A_1283 = arith.addf %add3A_1179, %mul3A_1282 : vector<16xf32>
        %mul3A_1284 = arith.mulf %add3A_1277, %gather3A_1213 : vector<16xf32>
        %add3A_1285 = arith.addf %add3A_1181, %mul3A_1284 : vector<16xf32>
        %gather3A_1286 = tpu.vector_load_idx %arg10[%add3A_182, %and3A_1212] : memref<128x128xf32, #tpu.memory_space<vmem>>[vector<16xi32>, vector<16xi32>], vector<16xf32>,
        %gather3A_1287 = tpu.vector_load_idx %arg11[%add3A_182, %and3A_1212] : memref<128x128xf32, #tpu.memory_space<vmem>>[vector<16xi32>, vector<16xi32>], vector<16xf32>,
        %gather3A_1288 = tpu.vector_load_idx %arg12[%add3A_182, %and3A_1212] : memref<128x128xf32, #tpu.memory_space<vmem>>[vector<16xi32>, vector<16xi32>], vector<16xf32>,
        %add3A_1289 = arith.addf %gather3A_1286, %gather3A_1287 : vector<16xf32>
        %mul3A_1290 = arith.constant 5.000000e-01 : f32
        %mul3A_1291 = vector.broadcast %mul3A_1290 : f32 to vector<16xf32>
        %mul3A_1292 = arith.mulf %mul3A_1291, %add3A_1289 : vector<16xf32>
        %sub3A_1293 = arith.subf %mul3A_1292, %gather3A_1288 : vector<16xf32>
        %mul3A_1294 = arith.mulf %sub3A_1293, %sub3A_1293 : vector<16xf32>
        %add3A_1295 = arith.addf %add3A_1191, %mul3A_1294 : vector<16xf32>
        %mul3A_1296 = arith.mulf %add3A_1289, %gather3A_1213 : vector<16xf32>
        %add3A_1297 = arith.addf %add3A_1193, %mul3A_1296 : vector<16xf32>
        %gather3A_1298 = tpu.vector_load_idx %arg10[%add3A_185, %and3A_1212] : memref<128x128xf32, #tpu.memory_space<vmem>>[vector<16xi32>, vector<16xi32>], vector<16xf32>,
        %gather3A_1299 = tpu.vector_load_idx %arg11[%add3A_185, %and3A_1212] : memref<128x128xf32, #tpu.memory_space<vmem>>[vector<16xi32>, vector<16xi32>], vector<16xf32>,
        %gather3A_1300 = tpu.vector_load_idx %arg12[%add3A_185, %and3A_1212] : memref<128x128xf32, #tpu.memory_space<vmem>>[vector<16xi32>, vector<16xi32>], vector<16xf32>,
        %add3A_1301 = arith.addf %gather3A_1298, %gather3A_1299 : vector<16xf32>
        %mul3A_1302 = arith.constant 5.000000e-01 : f32
        %mul3A_1303 = vector.broadcast %mul3A_1302 : f32 to vector<16xf32>
        %mul3A_1304 = arith.mulf %mul3A_1303, %add3A_1301 : vector<16xf32>
        %sub3A_1305 = arith.subf %mul3A_1304, %gather3A_1300 : vector<16xf32>
        %mul3A_1306 = arith.mulf %sub3A_1305, %sub3A_1305 : vector<16xf32>
        %add3A_1307 = arith.addf %add3A_1203, %mul3A_1306 : vector<16xf32>
        %mul3A_1308 = arith.mulf %add3A_1301, %gather3A_1213 : vector<16xf32>
        %add3A_1309 = arith.addf %add3A_1205, %mul3A_1308 : vector<16xf32>
        %scan3A_1310 = arith.constant 3 : i32
        %scan3A_1311 = arith.addi %scan3A_985, %scan3A_1310 : i32
        %broadcast_in_dim3A_1312 = vector.broadcast %scan3A_1311 : i32 to vector<16xi32>
        %add3A_1313 = arith.addi %broadcast_in_dim3A_1312, %iota3A : vector<16xi32>
        %and3A_1314 = arith.constant 127 : i32
        %and3A_1315 = vector.broadcast %and3A_1314 : i32 to vector<16xi32>
        %and3A_1316 = arith.andi %add3A_1313, %and3A_1315 : vector<16xi32>
        %gather3A_1317 = tpu.vector_load_idx %arg17[%and3A_1316] : memref<128xf32, #tpu.memory_space<vmem>>[vector<16xi32>], vector<16xf32>,
        %gather3A_1318 = tpu.vector_load_idx %arg10[%add3A_164, %and3A_1316] : memref<128x128xf32, #tpu.memory_space<vmem>>[vector<16xi32>, vector<16xi32>], vector<16xf32>,
        %gather3A_1319 = tpu.vector_load_idx %arg11[%add3A_164, %and3A_1316] : memref<128x128xf32, #tpu.memory_space<vmem>>[vector<16xi32>, vector<16xi32>], vector<16xf32>,
        %gather3A_1320 = tpu.vector_load_idx %arg12[%add3A_164, %and3A_1316] : memref<128x128xf32, #tpu.memory_space<vmem>>[vector<16xi32>, vector<16xi32>], vector<16xf32>,
        %add3A_1321 = arith.addf %gather3A_1318, %gather3A_1319 : vector<16xf32>
        %mul3A_1322 = arith.constant 5.000000e-01 : f32
        %mul3A_1323 = vector.broadcast %mul3A_1322 : f32 to vector<16xf32>
        %mul3A_1324 = arith.mulf %mul3A_1323, %add3A_1321 : vector<16xf32>
        %sub3A_1325 = arith.subf %mul3A_1324, %gather3A_1320 : vector<16xf32>
        %mul3A_1326 = arith.mulf %sub3A_1325, %sub3A_1325 : vector<16xf32>
        %add3A_1327 = arith.addf %add3A_1223, %mul3A_1326 : vector<16xf32>
        %mul3A_1328 = arith.mulf %add3A_1321, %gather3A_1317 : vector<16xf32>
        %add3A_1329 = arith.addf %add3A_1225, %mul3A_1328 : vector<16xf32>
        %gather3A_1330 = tpu.vector_load_idx %arg10[%add3A_167, %and3A_1316] : memref<128x128xf32, #tpu.memory_space<vmem>>[vector<16xi32>, vector<16xi32>], vector<16xf32>,
        %gather3A_1331 = tpu.vector_load_idx %arg11[%add3A_167, %and3A_1316] : memref<128x128xf32, #tpu.memory_space<vmem>>[vector<16xi32>, vector<16xi32>], vector<16xf32>,
        %gather3A_1332 = tpu.vector_load_idx %arg12[%add3A_167, %and3A_1316] : memref<128x128xf32, #tpu.memory_space<vmem>>[vector<16xi32>, vector<16xi32>], vector<16xf32>,
        %add3A_1333 = arith.addf %gather3A_1330, %gather3A_1331 : vector<16xf32>
        %mul3A_1334 = arith.constant 5.000000e-01 : f32
        %mul3A_1335 = vector.broadcast %mul3A_1334 : f32 to vector<16xf32>
        %mul3A_1336 = arith.mulf %mul3A_1335, %add3A_1333 : vector<16xf32>
        %sub3A_1337 = arith.subf %mul3A_1336, %gather3A_1332 : vector<16xf32>
        %mul3A_1338 = arith.mulf %sub3A_1337, %sub3A_1337 : vector<16xf32>
        %add3A_1339 = arith.addf %add3A_1235, %mul3A_1338 : vector<16xf32>
        %mul3A_1340 = arith.mulf %add3A_1333, %gather3A_1317 : vector<16xf32>
        %add3A_1341 = arith.addf %add3A_1237, %mul3A_1340 : vector<16xf32>
        %gather3A_1342 = tpu.vector_load_idx %arg10[%add3A_170, %and3A_1316] : memref<128x128xf32, #tpu.memory_space<vmem>>[vector<16xi32>, vector<16xi32>], vector<16xf32>,
        %gather3A_1343 = tpu.vector_load_idx %arg11[%add3A_170, %and3A_1316] : memref<128x128xf32, #tpu.memory_space<vmem>>[vector<16xi32>, vector<16xi32>], vector<16xf32>,
        %gather3A_1344 = tpu.vector_load_idx %arg12[%add3A_170, %and3A_1316] : memref<128x128xf32, #tpu.memory_space<vmem>>[vector<16xi32>, vector<16xi32>], vector<16xf32>,
        %add3A_1345 = arith.addf %gather3A_1342, %gather3A_1343 : vector<16xf32>
        %mul3A_1346 = arith.constant 5.000000e-01 : f32
        %mul3A_1347 = vector.broadcast %mul3A_1346 : f32 to vector<16xf32>
        %mul3A_1348 = arith.mulf %mul3A_1347, %add3A_1345 : vector<16xf32>
        %sub3A_1349 = arith.subf %mul3A_1348, %gather3A_1344 : vector<16xf32>
        %mul3A_1350 = arith.mulf %sub3A_1349, %sub3A_1349 : vector<16xf32>
        %add3A_1351 = arith.addf %add3A_1247, %mul3A_1350 : vector<16xf32>
        %mul3A_1352 = arith.mulf %add3A_1345, %gather3A_1317 : vector<16xf32>
        %add3A_1353 = arith.addf %add3A_1249, %mul3A_1352 : vector<16xf32>
        %gather3A_1354 = tpu.vector_load_idx %arg10[%add3A_173, %and3A_1316] : memref<128x128xf32, #tpu.memory_space<vmem>>[vector<16xi32>, vector<16xi32>], vector<16xf32>,
        %gather3A_1355 = tpu.vector_load_idx %arg11[%add3A_173, %and3A_1316] : memref<128x128xf32, #tpu.memory_space<vmem>>[vector<16xi32>, vector<16xi32>], vector<16xf32>,
        %gather3A_1356 = tpu.vector_load_idx %arg12[%add3A_173, %and3A_1316] : memref<128x128xf32, #tpu.memory_space<vmem>>[vector<16xi32>, vector<16xi32>], vector<16xf32>,
        %add3A_1357 = arith.addf %gather3A_1354, %gather3A_1355 : vector<16xf32>
        %mul3A_1358 = arith.constant 5.000000e-01 : f32
        %mul3A_1359 = vector.broadcast %mul3A_1358 : f32 to vector<16xf32>
        %mul3A_1360 = arith.mulf %mul3A_1359, %add3A_1357 : vector<16xf32>
        %sub3A_1361 = arith.subf %mul3A_1360, %gather3A_1356 : vector<16xf32>
        %mul3A_1362 = arith.mulf %sub3A_1361, %sub3A_1361 : vector<16xf32>
        %add3A_1363 = arith.addf %add3A_1259, %mul3A_1362 : vector<16xf32>
        %mul3A_1364 = arith.mulf %add3A_1357, %gather3A_1317 : vector<16xf32>
        %add3A_1365 = arith.addf %add3A_1261, %mul3A_1364 : vector<16xf32>
        %gather3A_1366 = tpu.vector_load_idx %arg10[%add3A_176, %and3A_1316] : memref<128x128xf32, #tpu.memory_space<vmem>>[vector<16xi32>, vector<16xi32>], vector<16xf32>,
        %gather3A_1367 = tpu.vector_load_idx %arg11[%add3A_176, %and3A_1316] : memref<128x128xf32, #tpu.memory_space<vmem>>[vector<16xi32>, vector<16xi32>], vector<16xf32>,
        %gather3A_1368 = tpu.vector_load_idx %arg12[%add3A_176, %and3A_1316] : memref<128x128xf32, #tpu.memory_space<vmem>>[vector<16xi32>, vector<16xi32>], vector<16xf32>,
        %add3A_1369 = arith.addf %gather3A_1366, %gather3A_1367 : vector<16xf32>
        %mul3A_1370 = arith.constant 5.000000e-01 : f32
        %mul3A_1371 = vector.broadcast %mul3A_1370 : f32 to vector<16xf32>
        %mul3A_1372 = arith.mulf %mul3A_1371, %add3A_1369 : vector<16xf32>
        %sub3A_1373 = arith.subf %mul3A_1372, %gather3A_1368 : vector<16xf32>
        %mul3A_1374 = arith.mulf %sub3A_1373, %sub3A_1373 : vector<16xf32>
        %add3A_1375 = arith.addf %add3A_1271, %mul3A_1374 : vector<16xf32>
        %mul3A_1376 = arith.mulf %add3A_1369, %gather3A_1317 : vector<16xf32>
        %add3A_1377 = arith.addf %add3A_1273, %mul3A_1376 : vector<16xf32>
        %gather3A_1378 = tpu.vector_load_idx %arg10[%add3A_179, %and3A_1316] : memref<128x128xf32, #tpu.memory_space<vmem>>[vector<16xi32>, vector<16xi32>], vector<16xf32>,
        %gather3A_1379 = tpu.vector_load_idx %arg11[%add3A_179, %and3A_1316] : memref<128x128xf32, #tpu.memory_space<vmem>>[vector<16xi32>, vector<16xi32>], vector<16xf32>,
        %gather3A_1380 = tpu.vector_load_idx %arg12[%add3A_179, %and3A_1316] : memref<128x128xf32, #tpu.memory_space<vmem>>[vector<16xi32>, vector<16xi32>], vector<16xf32>,
        %add3A_1381 = arith.addf %gather3A_1378, %gather3A_1379 : vector<16xf32>
        %mul3A_1382 = arith.constant 5.000000e-01 : f32
        %mul3A_1383 = vector.broadcast %mul3A_1382 : f32 to vector<16xf32>
        %mul3A_1384 = arith.mulf %mul3A_1383, %add3A_1381 : vector<16xf32>
        %sub3A_1385 = arith.subf %mul3A_1384, %gather3A_1380 : vector<16xf32>
        %mul3A_1386 = arith.mulf %sub3A_1385, %sub3A_1385 : vector<16xf32>
        %add3A_1387 = arith.addf %add3A_1283, %mul3A_1386 : vector<16xf32>
        %mul3A_1388 = arith.mulf %add3A_1381, %gather3A_1317 : vector<16xf32>
        %add3A_1389 = arith.addf %add3A_1285, %mul3A_1388 : vector<16xf32>
        %gather3A_1390 = tpu.vector_load_idx %arg10[%add3A_182, %and3A_1316] : memref<128x128xf32, #tpu.memory_space<vmem>>[vector<16xi32>, vector<16xi32>], vector<16xf32>,
        %gather3A_1391 = tpu.vector_load_idx %arg11[%add3A_182, %and3A_1316] : memref<128x128xf32, #tpu.memory_space<vmem>>[vector<16xi32>, vector<16xi32>], vector<16xf32>,
        %gather3A_1392 = tpu.vector_load_idx %arg12[%add3A_182, %and3A_1316] : memref<128x128xf32, #tpu.memory_space<vmem>>[vector<16xi32>, vector<16xi32>], vector<16xf32>,
        %add3A_1393 = arith.addf %gather3A_1390, %gather3A_1391 : vector<16xf32>
        %mul3A_1394 = arith.constant 5.000000e-01 : f32
        %mul3A_1395 = vector.broadcast %mul3A_1394 : f32 to vector<16xf32>
        %mul3A_1396 = arith.mulf %mul3A_1395, %add3A_1393 : vector<16xf32>
        %sub3A_1397 = arith.subf %mul3A_1396, %gather3A_1392 : vector<16xf32>
        %mul3A_1398 = arith.mulf %sub3A_1397, %sub3A_1397 : vector<16xf32>
        %add3A_1399 = arith.addf %add3A_1295, %mul3A_1398 : vector<16xf32>
        %mul3A_1400 = arith.mulf %add3A_1393, %gather3A_1317 : vector<16xf32>
        %add3A_1401 = arith.addf %add3A_1297, %mul3A_1400 : vector<16xf32>
        %gather3A_1402 = tpu.vector_load_idx %arg10[%add3A_185, %and3A_1316] : memref<128x128xf32, #tpu.memory_space<vmem>>[vector<16xi32>, vector<16xi32>], vector<16xf32>,
        %gather3A_1403 = tpu.vector_load_idx %arg11[%add3A_185, %and3A_1316] : memref<128x128xf32, #tpu.memory_space<vmem>>[vector<16xi32>, vector<16xi32>], vector<16xf32>,
        %gather3A_1404 = tpu.vector_load_idx %arg12[%add3A_185, %and3A_1316] : memref<128x128xf32, #tpu.memory_space<vmem>>[vector<16xi32>, vector<16xi32>], vector<16xf32>,
        %add3A_1405 = arith.addf %gather3A_1402, %gather3A_1403 : vector<16xf32>
        %mul3A_1406 = arith.constant 5.000000e-01 : f32
        %mul3A_1407 = vector.broadcast %mul3A_1406 : f32 to vector<16xf32>
        %mul3A_1408 = arith.mulf %mul3A_1407, %add3A_1405 : vector<16xf32>
        %sub3A_1409 = arith.subf %mul3A_1408, %gather3A_1404 : vector<16xf32>
        %mul3A_1410 = arith.mulf %sub3A_1409, %sub3A_1409 : vector<16xf32>
        %add3A_1411 = arith.addf %add3A_1307, %mul3A_1410 : vector<16xf32>
        %mul3A_1412 = arith.mulf %add3A_1405, %gather3A_1317 : vector<16xf32>
        %add3A_1413 = arith.addf %add3A_1309, %mul3A_1412 : vector<16xf32>
        scf.yield %add3A_1327, %add3A_1329, %add3A_1339, %add3A_1341, %add3A_1351, %add3A_1353, %add3A_1363, %add3A_1365, %add3A_1375, %add3A_1377, %add3A_1387, %add3A_1389, %add3A_1399, %add3A_1401, %add3A_1411, %add3A_1413 : vector<16xf32>, vector<16xf32>, vector<16xf32>, vector<16xf32>, vector<16xf32>, vector<16xf32>, vector<16xf32>, vector<16xf32>, vector<16xf32>, vector<16xf32>, vector<16xf32>, vector<16xf32>, vector<16xf32>, vector<16xf32>, vector<16xf32>, vector<16xf32>
      }
      %scan3A_223 = arith.constant 128 : i32
      %add3A_224 = arith.constant 9.99999996E-13 : f32
      %add3A_225 = vector.broadcast %add3A_224 : f32 to vector<16xf32>
      %add3A_226 = arith.addf %scan3A_222#0, %add3A_225 : vector<16xf32>
      %bitcast3A = vector.bitcast %add3A_226 : vector<16xf32> to vector<16xi32>
      %broadcast_in_dim3A_227 = arith.constant 1597463007 : i32
      %broadcast_in_dim3A_228 = vector.broadcast %broadcast_in_dim3A_227 : i32 to vector<16xi32>
      %shift_right_arithmetic3A = arith.constant 1 : i32
      %shift_right_arithmetic3A_229 = vector.broadcast %shift_right_arithmetic3A : i32 to vector<16xi32>
      %shift_right_arithmetic3A_230 = arith.shrsi %bitcast3A, %shift_right_arithmetic3A_229 : vector<16xi32>
      %sub3A_231 = arith.subi %broadcast_in_dim3A_228, %shift_right_arithmetic3A_230 : vector<16xi32>
      %bitcast3A_232 = vector.bitcast %sub3A_231 : vector<16xi32> to vector<16xf32>
      %mul3A_233 = arith.constant 5.000000e-01 : f32
      %mul3A_234 = vector.broadcast %mul3A_233 : f32 to vector<16xf32>
      %mul3A_235 = arith.mulf %mul3A_234, %add3A_226 : vector<16xf32>
      %mul3A_236 = arith.mulf %mul3A_235, %bitcast3A_232 : vector<16xf32>
      %mul3A_237 = arith.mulf %mul3A_236, %bitcast3A_232 : vector<16xf32>
      %sub3A_238 = arith.constant 1.500000e+00 : f32
      %sub3A_239 = vector.broadcast %sub3A_238 : f32 to vector<16xf32>
      %sub3A_240 = arith.subf %sub3A_239, %mul3A_237 : vector<16xf32>
      %mul3A_241 = arith.mulf %bitcast3A_232, %sub3A_240 : vector<16xf32>
      %mul3A_242 = arith.constant 5.000000e-01 : f32
      %mul3A_243 = vector.broadcast %mul3A_242 : f32 to vector<16xf32>
      %mul3A_244 = arith.mulf %mul3A_243, %add3A_226 : vector<16xf32>
      %mul3A_245 = arith.mulf %mul3A_244, %mul3A_241 : vector<16xf32>
      %mul3A_246 = arith.mulf %mul3A_245, %mul3A_241 : vector<16xf32>
      %sub3A_247 = arith.constant 1.500000e+00 : f32
      %sub3A_248 = vector.broadcast %sub3A_247 : f32 to vector<16xf32>
      %sub3A_249 = arith.subf %sub3A_248, %mul3A_246 : vector<16xf32>
      %mul3A_250 = arith.mulf %mul3A_241, %sub3A_249 : vector<16xf32>
      %mul3A_251 = arith.constant 5.000000e-01 : f32
      %mul3A_252 = vector.broadcast %mul3A_251 : f32 to vector<16xf32>
      %mul3A_253 = arith.mulf %mul3A_252, %add3A_226 : vector<16xf32>
      %mul3A_254 = arith.mulf %mul3A_253, %mul3A_250 : vector<16xf32>
      %mul3A_255 = arith.mulf %mul3A_254, %mul3A_250 : vector<16xf32>
      %sub3A_256 = arith.constant 1.500000e+00 : f32
      %sub3A_257 = vector.broadcast %sub3A_256 : f32 to vector<16xf32>
      %sub3A_258 = arith.subf %sub3A_257, %mul3A_255 : vector<16xf32>
      %mul3A_259 = arith.mulf %mul3A_250, %sub3A_258 : vector<16xf32>
      %mul3A_260 = arith.mulf %add3A_226, %mul3A_259 : vector<16xf32>
      %sub3A_261 = arith.subf %scan3A_222#1, %mul3A_260 : vector<16xf32>
      %swap3A_262 = arith.constant 0 : index
      %swap3A_263 = tpu.vector_load %arg18[%swap3A_262] {strides = array<i32>} : memref<128xf32, #tpu.memory_space<vmem>>, vector<16xf32>,
      tpu.vector_store %arg18[%swap3A_262], %sub3A_261 {strides = array<i32>} : memref<128xf32, #tpu.memory_space<vmem>>, vector<16xf32>,
      %add3A_264 = arith.constant 9.99999996E-13 : f32
      %add3A_265 = vector.broadcast %add3A_264 : f32 to vector<16xf32>
      %add3A_266 = arith.addf %scan3A_222#2, %add3A_265 : vector<16xf32>
      %bitcast3A_267 = vector.bitcast %add3A_266 : vector<16xf32> to vector<16xi32>
      %broadcast_in_dim3A_268 = arith.constant 1597463007 : i32
      %broadcast_in_dim3A_269 = vector.broadcast %broadcast_in_dim3A_268 : i32 to vector<16xi32>
      %shift_right_arithmetic3A_270 = arith.constant 1 : i32
      %shift_right_arithmetic3A_271 = vector.broadcast %shift_right_arithmetic3A_270 : i32 to vector<16xi32>
      %shift_right_arithmetic3A_272 = arith.shrsi %bitcast3A_267, %shift_right_arithmetic3A_271 : vector<16xi32>
      %sub3A_273 = arith.subi %broadcast_in_dim3A_269, %shift_right_arithmetic3A_272 : vector<16xi32>
      %bitcast3A_274 = vector.bitcast %sub3A_273 : vector<16xi32> to vector<16xf32>
      %mul3A_275 = arith.constant 5.000000e-01 : f32
      %mul3A_276 = vector.broadcast %mul3A_275 : f32 to vector<16xf32>
      %mul3A_277 = arith.mulf %mul3A_276, %add3A_266 : vector<16xf32>
      %mul3A_278 = arith.mulf %mul3A_277, %bitcast3A_274 : vector<16xf32>
      %mul3A_279 = arith.mulf %mul3A_278, %bitcast3A_274 : vector<16xf32>
      %sub3A_280 = arith.constant 1.500000e+00 : f32
      %sub3A_281 = vector.broadcast %sub3A_280 : f32 to vector<16xf32>
      %sub3A_282 = arith.subf %sub3A_281, %mul3A_279 : vector<16xf32>
      %mul3A_283 = arith.mulf %bitcast3A_274, %sub3A_282 : vector<16xf32>
      %mul3A_284 = arith.constant 5.000000e-01 : f32
      %mul3A_285 = vector.broadcast %mul3A_284 : f32 to vector<16xf32>
      %mul3A_286 = arith.mulf %mul3A_285, %add3A_266 : vector<16xf32>
      %mul3A_287 = arith.mulf %mul3A_286, %mul3A_283 : vector<16xf32>
      %mul3A_288 = arith.mulf %mul3A_287, %mul3A_283 : vector<16xf32>
      %sub3A_289 = arith.constant 1.500000e+00 : f32
      %sub3A_290 = vector.broadcast %sub3A_289 : f32 to vector<16xf32>
      %sub3A_291 = arith.subf %sub3A_290, %mul3A_288 : vector<16xf32>
      %mul3A_292 = arith.mulf %mul3A_283, %sub3A_291 : vector<16xf32>
      %mul3A_293 = arith.constant 5.000000e-01 : f32
      %mul3A_294 = vector.broadcast %mul3A_293 : f32 to vector<16xf32>
      %mul3A_295 = arith.mulf %mul3A_294, %add3A_266 : vector<16xf32>
      %mul3A_296 = arith.mulf %mul3A_295, %mul3A_292 : vector<16xf32>
      %mul3A_297 = arith.mulf %mul3A_296, %mul3A_292 : vector<16xf32>
      %sub3A_298 = arith.constant 1.500000e+00 : f32
      %sub3A_299 = vector.broadcast %sub3A_298 : f32 to vector<16xf32>
      %sub3A_300 = arith.subf %sub3A_299, %mul3A_297 : vector<16xf32>
      %mul3A_301 = arith.mulf %mul3A_292, %sub3A_300 : vector<16xf32>
      %mul3A_302 = arith.mulf %add3A_266, %mul3A_301 : vector<16xf32>
      %sub3A_303 = arith.subf %scan3A_222#3, %mul3A_302 : vector<16xf32>
      %swap3A_304 = arith.constant 16 : index
      %swap3A_305 = tpu.vector_load %arg18[%swap3A_304] {strides = array<i32>} : memref<128xf32, #tpu.memory_space<vmem>>, vector<16xf32>,
      tpu.vector_store %arg18[%swap3A_304], %sub3A_303 {strides = array<i32>} : memref<128xf32, #tpu.memory_space<vmem>>, vector<16xf32>,
      %add3A_306 = arith.constant 9.99999996E-13 : f32
      %add3A_307 = vector.broadcast %add3A_306 : f32 to vector<16xf32>
      %add3A_308 = arith.addf %scan3A_222#4, %add3A_307 : vector<16xf32>
      %bitcast3A_309 = vector.bitcast %add3A_308 : vector<16xf32> to vector<16xi32>
      %broadcast_in_dim3A_310 = arith.constant 1597463007 : i32
      %broadcast_in_dim3A_311 = vector.broadcast %broadcast_in_dim3A_310 : i32 to vector<16xi32>
      %shift_right_arithmetic3A_312 = arith.constant 1 : i32
      %shift_right_arithmetic3A_313 = vector.broadcast %shift_right_arithmetic3A_312 : i32 to vector<16xi32>
      %shift_right_arithmetic3A_314 = arith.shrsi %bitcast3A_309, %shift_right_arithmetic3A_313 : vector<16xi32>
      %sub3A_315 = arith.subi %broadcast_in_dim3A_311, %shift_right_arithmetic3A_314 : vector<16xi32>
      %bitcast3A_316 = vector.bitcast %sub3A_315 : vector<16xi32> to vector<16xf32>
      %mul3A_317 = arith.constant 5.000000e-01 : f32
      %mul3A_318 = vector.broadcast %mul3A_317 : f32 to vector<16xf32>
      %mul3A_319 = arith.mulf %mul3A_318, %add3A_308 : vector<16xf32>
      %mul3A_320 = arith.mulf %mul3A_319, %bitcast3A_316 : vector<16xf32>
      %mul3A_321 = arith.mulf %mul3A_320, %bitcast3A_316 : vector<16xf32>
      %sub3A_322 = arith.constant 1.500000e+00 : f32
      %sub3A_323 = vector.broadcast %sub3A_322 : f32 to vector<16xf32>
      %sub3A_324 = arith.subf %sub3A_323, %mul3A_321 : vector<16xf32>
      %mul3A_325 = arith.mulf %bitcast3A_316, %sub3A_324 : vector<16xf32>
      %mul3A_326 = arith.constant 5.000000e-01 : f32
      %mul3A_327 = vector.broadcast %mul3A_326 : f32 to vector<16xf32>
      %mul3A_328 = arith.mulf %mul3A_327, %add3A_308 : vector<16xf32>
      %mul3A_329 = arith.mulf %mul3A_328, %mul3A_325 : vector<16xf32>
      %mul3A_330 = arith.mulf %mul3A_329, %mul3A_325 : vector<16xf32>
      %sub3A_331 = arith.constant 1.500000e+00 : f32
      %sub3A_332 = vector.broadcast %sub3A_331 : f32 to vector<16xf32>
      %sub3A_333 = arith.subf %sub3A_332, %mul3A_330 : vector<16xf32>
      %mul3A_334 = arith.mulf %mul3A_325, %sub3A_333 : vector<16xf32>
      %mul3A_335 = arith.constant 5.000000e-01 : f32
      %mul3A_336 = vector.broadcast %mul3A_335 : f32 to vector<16xf32>
      %mul3A_337 = arith.mulf %mul3A_336, %add3A_308 : vector<16xf32>
      %mul3A_338 = arith.mulf %mul3A_337, %mul3A_334 : vector<16xf32>
      %mul3A_339 = arith.mulf %mul3A_338, %mul3A_334 : vector<16xf32>
      %sub3A_340 = arith.constant 1.500000e+00 : f32
      %sub3A_341 = vector.broadcast %sub3A_340 : f32 to vector<16xf32>
      %sub3A_342 = arith.subf %sub3A_341, %mul3A_339 : vector<16xf32>
      %mul3A_343 = arith.mulf %mul3A_334, %sub3A_342 : vector<16xf32>
      %mul3A_344 = arith.mulf %add3A_308, %mul3A_343 : vector<16xf32>
      %sub3A_345 = arith.subf %scan3A_222#5, %mul3A_344 : vector<16xf32>
      %swap3A_346 = arith.constant 32 : index
      %swap3A_347 = tpu.vector_load %arg18[%swap3A_346] {strides = array<i32>} : memref<128xf32, #tpu.memory_space<vmem>>, vector<16xf32>,
      tpu.vector_store %arg18[%swap3A_346], %sub3A_345 {strides = array<i32>} : memref<128xf32, #tpu.memory_space<vmem>>, vector<16xf32>,
      %add3A_348 = arith.constant 9.99999996E-13 : f32
      %add3A_349 = vector.broadcast %add3A_348 : f32 to vector<16xf32>
      %add3A_350 = arith.addf %scan3A_222#6, %add3A_349 : vector<16xf32>
      %bitcast3A_351 = vector.bitcast %add3A_350 : vector<16xf32> to vector<16xi32>
      %broadcast_in_dim3A_352 = arith.constant 1597463007 : i32
      %broadcast_in_dim3A_353 = vector.broadcast %broadcast_in_dim3A_352 : i32 to vector<16xi32>
      %shift_right_arithmetic3A_354 = arith.constant 1 : i32
      %shift_right_arithmetic3A_355 = vector.broadcast %shift_right_arithmetic3A_354 : i32 to vector<16xi32>
      %shift_right_arithmetic3A_356 = arith.shrsi %bitcast3A_351, %shift_right_arithmetic3A_355 : vector<16xi32>
      %sub3A_357 = arith.subi %broadcast_in_dim3A_353, %shift_right_arithmetic3A_356 : vector<16xi32>
      %bitcast3A_358 = vector.bitcast %sub3A_357 : vector<16xi32> to vector<16xf32>
      %mul3A_359 = arith.constant 5.000000e-01 : f32
      %mul3A_360 = vector.broadcast %mul3A_359 : f32 to vector<16xf32>
      %mul3A_361 = arith.mulf %mul3A_360, %add3A_350 : vector<16xf32>
      %mul3A_362 = arith.mulf %mul3A_361, %bitcast3A_358 : vector<16xf32>
      %mul3A_363 = arith.mulf %mul3A_362, %bitcast3A_358 : vector<16xf32>
      %sub3A_364 = arith.constant 1.500000e+00 : f32
      %sub3A_365 = vector.broadcast %sub3A_364 : f32 to vector<16xf32>
      %sub3A_366 = arith.subf %sub3A_365, %mul3A_363 : vector<16xf32>
      %mul3A_367 = arith.mulf %bitcast3A_358, %sub3A_366 : vector<16xf32>
      %mul3A_368 = arith.constant 5.000000e-01 : f32
      %mul3A_369 = vector.broadcast %mul3A_368 : f32 to vector<16xf32>
      %mul3A_370 = arith.mulf %mul3A_369, %add3A_350 : vector<16xf32>
      %mul3A_371 = arith.mulf %mul3A_370, %mul3A_367 : vector<16xf32>
      %mul3A_372 = arith.mulf %mul3A_371, %mul3A_367 : vector<16xf32>
      %sub3A_373 = arith.constant 1.500000e+00 : f32
      %sub3A_374 = vector.broadcast %sub3A_373 : f32 to vector<16xf32>
      %sub3A_375 = arith.subf %sub3A_374, %mul3A_372 : vector<16xf32>
      %mul3A_376 = arith.mulf %mul3A_367, %sub3A_375 : vector<16xf32>
      %mul3A_377 = arith.constant 5.000000e-01 : f32
      %mul3A_378 = vector.broadcast %mul3A_377 : f32 to vector<16xf32>
      %mul3A_379 = arith.mulf %mul3A_378, %add3A_350 : vector<16xf32>
      %mul3A_380 = arith.mulf %mul3A_379, %mul3A_376 : vector<16xf32>
      %mul3A_381 = arith.mulf %mul3A_380, %mul3A_376 : vector<16xf32>
      %sub3A_382 = arith.constant 1.500000e+00 : f32
      %sub3A_383 = vector.broadcast %sub3A_382 : f32 to vector<16xf32>
      %sub3A_384 = arith.subf %sub3A_383, %mul3A_381 : vector<16xf32>
      %mul3A_385 = arith.mulf %mul3A_376, %sub3A_384 : vector<16xf32>
      %mul3A_386 = arith.mulf %add3A_350, %mul3A_385 : vector<16xf32>
      %sub3A_387 = arith.subf %scan3A_222#7, %mul3A_386 : vector<16xf32>
      %swap3A_388 = arith.constant 48 : index
      %swap3A_389 = tpu.vector_load %arg18[%swap3A_388] {strides = array<i32>} : memref<128xf32, #tpu.memory_space<vmem>>, vector<16xf32>,
      tpu.vector_store %arg18[%swap3A_388], %sub3A_387 {strides = array<i32>} : memref<128xf32, #tpu.memory_space<vmem>>, vector<16xf32>,
      %add3A_390 = arith.constant 9.99999996E-13 : f32
      %add3A_391 = vector.broadcast %add3A_390 : f32 to vector<16xf32>
      %add3A_392 = arith.addf %scan3A_222#8, %add3A_391 : vector<16xf32>
      %bitcast3A_393 = vector.bitcast %add3A_392 : vector<16xf32> to vector<16xi32>
      %broadcast_in_dim3A_394 = arith.constant 1597463007 : i32
      %broadcast_in_dim3A_395 = vector.broadcast %broadcast_in_dim3A_394 : i32 to vector<16xi32>
      %shift_right_arithmetic3A_396 = arith.constant 1 : i32
      %shift_right_arithmetic3A_397 = vector.broadcast %shift_right_arithmetic3A_396 : i32 to vector<16xi32>
      %shift_right_arithmetic3A_398 = arith.shrsi %bitcast3A_393, %shift_right_arithmetic3A_397 : vector<16xi32>
      %sub3A_399 = arith.subi %broadcast_in_dim3A_395, %shift_right_arithmetic3A_398 : vector<16xi32>
      %bitcast3A_400 = vector.bitcast %sub3A_399 : vector<16xi32> to vector<16xf32>
      %mul3A_401 = arith.constant 5.000000e-01 : f32
      %mul3A_402 = vector.broadcast %mul3A_401 : f32 to vector<16xf32>
      %mul3A_403 = arith.mulf %mul3A_402, %add3A_392 : vector<16xf32>
      %mul3A_404 = arith.mulf %mul3A_403, %bitcast3A_400 : vector<16xf32>
      %mul3A_405 = arith.mulf %mul3A_404, %bitcast3A_400 : vector<16xf32>
      %sub3A_406 = arith.constant 1.500000e+00 : f32
      %sub3A_407 = vector.broadcast %sub3A_406 : f32 to vector<16xf32>
      %sub3A_408 = arith.subf %sub3A_407, %mul3A_405 : vector<16xf32>
      %mul3A_409 = arith.mulf %bitcast3A_400, %sub3A_408 : vector<16xf32>
      %mul3A_410 = arith.constant 5.000000e-01 : f32
      %mul3A_411 = vector.broadcast %mul3A_410 : f32 to vector<16xf32>
      %mul3A_412 = arith.mulf %mul3A_411, %add3A_392 : vector<16xf32>
      %mul3A_413 = arith.mulf %mul3A_412, %mul3A_409 : vector<16xf32>
      %mul3A_414 = arith.mulf %mul3A_413, %mul3A_409 : vector<16xf32>
      %sub3A_415 = arith.constant 1.500000e+00 : f32
      %sub3A_416 = vector.broadcast %sub3A_415 : f32 to vector<16xf32>
      %sub3A_417 = arith.subf %sub3A_416, %mul3A_414 : vector<16xf32>
      %mul3A_418 = arith.mulf %mul3A_409, %sub3A_417 : vector<16xf32>
      %mul3A_419 = arith.constant 5.000000e-01 : f32
      %mul3A_420 = vector.broadcast %mul3A_419 : f32 to vector<16xf32>
      %mul3A_421 = arith.mulf %mul3A_420, %add3A_392 : vector<16xf32>
      %mul3A_422 = arith.mulf %mul3A_421, %mul3A_418 : vector<16xf32>
      %mul3A_423 = arith.mulf %mul3A_422, %mul3A_418 : vector<16xf32>
      %sub3A_424 = arith.constant 1.500000e+00 : f32
      %sub3A_425 = vector.broadcast %sub3A_424 : f32 to vector<16xf32>
      %sub3A_426 = arith.subf %sub3A_425, %mul3A_423 : vector<16xf32>
      %mul3A_427 = arith.mulf %mul3A_418, %sub3A_426 : vector<16xf32>
      %mul3A_428 = arith.mulf %add3A_392, %mul3A_427 : vector<16xf32>
      %sub3A_429 = arith.subf %scan3A_222#9, %mul3A_428 : vector<16xf32>
      %swap3A_430 = arith.constant 64 : index
      %swap3A_431 = tpu.vector_load %arg18[%swap3A_430] {strides = array<i32>} : memref<128xf32, #tpu.memory_space<vmem>>, vector<16xf32>,
      tpu.vector_store %arg18[%swap3A_430], %sub3A_429 {strides = array<i32>} : memref<128xf32, #tpu.memory_space<vmem>>, vector<16xf32>,
      %add3A_432 = arith.constant 9.99999996E-13 : f32
      %add3A_433 = vector.broadcast %add3A_432 : f32 to vector<16xf32>
      %add3A_434 = arith.addf %scan3A_222#10, %add3A_433 : vector<16xf32>
      %bitcast3A_435 = vector.bitcast %add3A_434 : vector<16xf32> to vector<16xi32>
      %broadcast_in_dim3A_436 = arith.constant 1597463007 : i32
      %broadcast_in_dim3A_437 = vector.broadcast %broadcast_in_dim3A_436 : i32 to vector<16xi32>
      %shift_right_arithmetic3A_438 = arith.constant 1 : i32
      %shift_right_arithmetic3A_439 = vector.broadcast %shift_right_arithmetic3A_438 : i32 to vector<16xi32>
      %shift_right_arithmetic3A_440 = arith.shrsi %bitcast3A_435, %shift_right_arithmetic3A_439 : vector<16xi32>
      %sub3A_441 = arith.subi %broadcast_in_dim3A_437, %shift_right_arithmetic3A_440 : vector<16xi32>
      %bitcast3A_442 = vector.bitcast %sub3A_441 : vector<16xi32> to vector<16xf32>
      %mul3A_443 = arith.constant 5.000000e-01 : f32
      %mul3A_444 = vector.broadcast %mul3A_443 : f32 to vector<16xf32>
      %mul3A_445 = arith.mulf %mul3A_444, %add3A_434 : vector<16xf32>
      %mul3A_446 = arith.mulf %mul3A_445, %bitcast3A_442 : vector<16xf32>
      %mul3A_447 = arith.mulf %mul3A_446, %bitcast3A_442 : vector<16xf32>
      %sub3A_448 = arith.constant 1.500000e+00 : f32
      %sub3A_449 = vector.broadcast %sub3A_448 : f32 to vector<16xf32>
      %sub3A_450 = arith.subf %sub3A_449, %mul3A_447 : vector<16xf32>
      %mul3A_451 = arith.mulf %bitcast3A_442, %sub3A_450 : vector<16xf32>
      %mul3A_452 = arith.constant 5.000000e-01 : f32
      %mul3A_453 = vector.broadcast %mul3A_452 : f32 to vector<16xf32>
      %mul3A_454 = arith.mulf %mul3A_453, %add3A_434 : vector<16xf32>
      %mul3A_455 = arith.mulf %mul3A_454, %mul3A_451 : vector<16xf32>
      %mul3A_456 = arith.mulf %mul3A_455, %mul3A_451 : vector<16xf32>
      %sub3A_457 = arith.constant 1.500000e+00 : f32
      %sub3A_458 = vector.broadcast %sub3A_457 : f32 to vector<16xf32>
      %sub3A_459 = arith.subf %sub3A_458, %mul3A_456 : vector<16xf32>
      %mul3A_460 = arith.mulf %mul3A_451, %sub3A_459 : vector<16xf32>
      %mul3A_461 = arith.constant 5.000000e-01 : f32
      %mul3A_462 = vector.broadcast %mul3A_461 : f32 to vector<16xf32>
      %mul3A_463 = arith.mulf %mul3A_462, %add3A_434 : vector<16xf32>
      %mul3A_464 = arith.mulf %mul3A_463, %mul3A_460 : vector<16xf32>
      %mul3A_465 = arith.mulf %mul3A_464, %mul3A_460 : vector<16xf32>
      %sub3A_466 = arith.constant 1.500000e+00 : f32
      %sub3A_467 = vector.broadcast %sub3A_466 : f32 to vector<16xf32>
      %sub3A_468 = arith.subf %sub3A_467, %mul3A_465 : vector<16xf32>
      %mul3A_469 = arith.mulf %mul3A_460, %sub3A_468 : vector<16xf32>
      %mul3A_470 = arith.mulf %add3A_434, %mul3A_469 : vector<16xf32>
      %sub3A_471 = arith.subf %scan3A_222#11, %mul3A_470 : vector<16xf32>
      %swap3A_472 = arith.constant 80 : index
      %swap3A_473 = tpu.vector_load %arg18[%swap3A_472] {strides = array<i32>} : memref<128xf32, #tpu.memory_space<vmem>>, vector<16xf32>,
      tpu.vector_store %arg18[%swap3A_472], %sub3A_471 {strides = array<i32>} : memref<128xf32, #tpu.memory_space<vmem>>, vector<16xf32>,
      %add3A_474 = arith.constant 9.99999996E-13 : f32
      %add3A_475 = vector.broadcast %add3A_474 : f32 to vector<16xf32>
      %add3A_476 = arith.addf %scan3A_222#12, %add3A_475 : vector<16xf32>
      %bitcast3A_477 = vector.bitcast %add3A_476 : vector<16xf32> to vector<16xi32>
      %broadcast_in_dim3A_478 = arith.constant 1597463007 : i32
      %broadcast_in_dim3A_479 = vector.broadcast %broadcast_in_dim3A_478 : i32 to vector<16xi32>
      %shift_right_arithmetic3A_480 = arith.constant 1 : i32
      %shift_right_arithmetic3A_481 = vector.broadcast %shift_right_arithmetic3A_480 : i32 to vector<16xi32>
      %shift_right_arithmetic3A_482 = arith.shrsi %bitcast3A_477, %shift_right_arithmetic3A_481 : vector<16xi32>
      %sub3A_483 = arith.subi %broadcast_in_dim3A_479, %shift_right_arithmetic3A_482 : vector<16xi32>
      %bitcast3A_484 = vector.bitcast %sub3A_483 : vector<16xi32> to vector<16xf32>
      %mul3A_485 = arith.constant 5.000000e-01 : f32
      %mul3A_486 = vector.broadcast %mul3A_485 : f32 to vector<16xf32>
      %mul3A_487 = arith.mulf %mul3A_486, %add3A_476 : vector<16xf32>
      %mul3A_488 = arith.mulf %mul3A_487, %bitcast3A_484 : vector<16xf32>
      %mul3A_489 = arith.mulf %mul3A_488, %bitcast3A_484 : vector<16xf32>
      %sub3A_490 = arith.constant 1.500000e+00 : f32
      %sub3A_491 = vector.broadcast %sub3A_490 : f32 to vector<16xf32>
      %sub3A_492 = arith.subf %sub3A_491, %mul3A_489 : vector<16xf32>
      %mul3A_493 = arith.mulf %bitcast3A_484, %sub3A_492 : vector<16xf32>
      %mul3A_494 = arith.constant 5.000000e-01 : f32
      %mul3A_495 = vector.broadcast %mul3A_494 : f32 to vector<16xf32>
      %mul3A_496 = arith.mulf %mul3A_495, %add3A_476 : vector<16xf32>
      %mul3A_497 = arith.mulf %mul3A_496, %mul3A_493 : vector<16xf32>
      %mul3A_498 = arith.mulf %mul3A_497, %mul3A_493 : vector<16xf32>
      %sub3A_499 = arith.constant 1.500000e+00 : f32
      %sub3A_500 = vector.broadcast %sub3A_499 : f32 to vector<16xf32>
      %sub3A_501 = arith.subf %sub3A_500, %mul3A_498 : vector<16xf32>
      %mul3A_502 = arith.mulf %mul3A_493, %sub3A_501 : vector<16xf32>
      %mul3A_503 = arith.constant 5.000000e-01 : f32
      %mul3A_504 = vector.broadcast %mul3A_503 : f32 to vector<16xf32>
      %mul3A_505 = arith.mulf %mul3A_504, %add3A_476 : vector<16xf32>
      %mul3A_506 = arith.mulf %mul3A_505, %mul3A_502 : vector<16xf32>
      %mul3A_507 = arith.mulf %mul3A_506, %mul3A_502 : vector<16xf32>
      %sub3A_508 = arith.constant 1.500000e+00 : f32
      %sub3A_509 = vector.broadcast %sub3A_508 : f32 to vector<16xf32>
      %sub3A_510 = arith.subf %sub3A_509, %mul3A_507 : vector<16xf32>
      %mul3A_511 = arith.mulf %mul3A_502, %sub3A_510 : vector<16xf32>
      %mul3A_512 = arith.mulf %add3A_476, %mul3A_511 : vector<16xf32>
      %sub3A_513 = arith.subf %scan3A_222#13, %mul3A_512 : vector<16xf32>
      %swap3A_514 = arith.constant 96 : index
      %swap3A_515 = tpu.vector_load %arg18[%swap3A_514] {strides = array<i32>} : memref<128xf32, #tpu.memory_space<vmem>>, vector<16xf32>,
      tpu.vector_store %arg18[%swap3A_514], %sub3A_513 {strides = array<i32>} : memref<128xf32, #tpu.memory_space<vmem>>, vector<16xf32>,
      %add3A_516 = arith.constant 9.99999996E-13 : f32
      %add3A_517 = vector.broadcast %add3A_516 : f32 to vector<16xf32>
      %add3A_518 = arith.addf %scan3A_222#14, %add3A_517 : vector<16xf32>
      %bitcast3A_519 = vector.bitcast %add3A_518 : vector<16xf32> to vector<16xi32>
      %broadcast_in_dim3A_520 = arith.constant 1597463007 : i32
      %broadcast_in_dim3A_521 = vector.broadcast %broadcast_in_dim3A_520 : i32 to vector<16xi32>
      %shift_right_arithmetic3A_522 = arith.constant 1 : i32
      %shift_right_arithmetic3A_523 = vector.broadcast %shift_right_arithmetic3A_522 : i32 to vector<16xi32>
      %shift_right_arithmetic3A_524 = arith.shrsi %bitcast3A_519, %shift_right_arithmetic3A_523 : vector<16xi32>
      %sub3A_525 = arith.subi %broadcast_in_dim3A_521, %shift_right_arithmetic3A_524 : vector<16xi32>
      %bitcast3A_526 = vector.bitcast %sub3A_525 : vector<16xi32> to vector<16xf32>
      %mul3A_527 = arith.constant 5.000000e-01 : f32
      %mul3A_528 = vector.broadcast %mul3A_527 : f32 to vector<16xf32>
      %mul3A_529 = arith.mulf %mul3A_528, %add3A_518 : vector<16xf32>
      %mul3A_530 = arith.mulf %mul3A_529, %bitcast3A_526 : vector<16xf32>
      %mul3A_531 = arith.mulf %mul3A_530, %bitcast3A_526 : vector<16xf32>
      %sub3A_532 = arith.constant 1.500000e+00 : f32
      %sub3A_533 = vector.broadcast %sub3A_532 : f32 to vector<16xf32>
      %sub3A_534 = arith.subf %sub3A_533, %mul3A_531 : vector<16xf32>
      %mul3A_535 = arith.mulf %bitcast3A_526, %sub3A_534 : vector<16xf32>
      %mul3A_536 = arith.constant 5.000000e-01 : f32
      %mul3A_537 = vector.broadcast %mul3A_536 : f32 to vector<16xf32>
      %mul3A_538 = arith.mulf %mul3A_537, %add3A_518 : vector<16xf32>
      %mul3A_539 = arith.mulf %mul3A_538, %mul3A_535 : vector<16xf32>
      %mul3A_540 = arith.mulf %mul3A_539, %mul3A_535 : vector<16xf32>
      %sub3A_541 = arith.constant 1.500000e+00 : f32
      %sub3A_542 = vector.broadcast %sub3A_541 : f32 to vector<16xf32>
      %sub3A_543 = arith.subf %sub3A_542, %mul3A_540 : vector<16xf32>
      %mul3A_544 = arith.mulf %mul3A_535, %sub3A_543 : vector<16xf32>
      %mul3A_545 = arith.constant 5.000000e-01 : f32
      %mul3A_546 = vector.broadcast %mul3A_545 : f32 to vector<16xf32>
      %mul3A_547 = arith.mulf %mul3A_546, %add3A_518 : vector<16xf32>
      %mul3A_548 = arith.mulf %mul3A_547, %mul3A_544 : vector<16xf32>
      %mul3A_549 = arith.mulf %mul3A_548, %mul3A_544 : vector<16xf32>
      %sub3A_550 = arith.constant 1.500000e+00 : f32
      %sub3A_551 = vector.broadcast %sub3A_550 : f32 to vector<16xf32>
      %sub3A_552 = arith.subf %sub3A_551, %mul3A_549 : vector<16xf32>
      %mul3A_553 = arith.mulf %mul3A_544, %sub3A_552 : vector<16xf32>
      %mul3A_554 = arith.mulf %add3A_518, %mul3A_553 : vector<16xf32>
      %sub3A_555 = arith.subf %scan3A_222#15, %mul3A_554 : vector<16xf32>
      %swap3A_556 = arith.constant 112 : index
      %swap3A_557 = tpu.vector_load %arg18[%swap3A_556] {strides = array<i32>} : memref<128xf32, #tpu.memory_space<vmem>>, vector<16xf32>,
      tpu.vector_store %arg18[%swap3A_556], %sub3A_555 {strides = array<i32>} : memref<128xf32, #tpu.memory_space<vmem>>, vector<16xf32>,
      %mul3A_558 = arith.constant 128 : i32
      %mul3A_559 = arith.muli %mul3A_133, %mul3A_558 : i32
      %add3A_560 = arith.addi %mul3A_2, %mul3A_559 : i32
      "tpu.region"() ({
        %run_scoped3A = tpu.sem_alloc : memref<!tpu.dma_semaphore, #tpu.memory_space<semaphore_mem>>
        %dma_start3A_985 = tpu.memref_slice %arg6[%add3A_560] : memref<204800xf32, #tpu.memory_space<hbm>> -> memref<128xf32, #tpu.memory_space<hbm>>
        %dma_start3A_986 = tpu.memref_slice %arg6[%add3A_560] : memref<204800xf32, #tpu.memory_space<hbm>> -> memref<128xf32, #tpu.memory_space<hbm>>
        tpu.enqueue_dma source(%arg18 : memref<128xf32, #tpu.memory_space<vmem>>) target(%dma_start3A_986 : memref<128xf32, #tpu.memory_space<hbm>>) target_semaphore(%run_scoped3A : memref<!tpu.dma_semaphore, #tpu.memory_space<semaphore_mem>>)
        %dma_wait3A_987 = tpu.memref_slice %arg6[%add3A_560] : memref<204800xf32, #tpu.memory_space<hbm>> -> memref<128xf32, #tpu.memory_space<hbm>>
        %dma_wait3A_988 = tpu.memref_slice %arg6[%add3A_560] : memref<204800xf32, #tpu.memory_space<hbm>> -> memref<128xf32, #tpu.memory_space<hbm>>
        tpu.wait_dma2 semaphore(%run_scoped3A : memref<!tpu.dma_semaphore, #tpu.memory_space<semaphore_mem>>) src(%arg18 : memref<128xf32, #tpu.memory_space<vmem>>) dst(%dma_wait3A_988 : memref<128xf32, #tpu.memory_space<hbm>>)
        tpu.yield
      }) : () -> ()
      %add3A_561 = arith.constant 1 : i32
      %add3A_562 = arith.addi %scan3A_131, %add3A_561 : i32
      %lt3A = arith.constant 25 : i32
      %lt3A_563 = arith.cmpi slt, %add3A_562, %lt3A : i32
      %convert_element_type3A = arith.extui %lt3A_563 : i1 to i32
      %cond3A = arith.constant 0 : i32
      %cond3A_564 = arith.cmpi ne, %convert_element_type3A, %cond3A : i32
      scf.if %cond3A_564 {
        %add3A_985 = arith.constant 2 : i32
        %add3A_986 = arith.addi %mul3A_133, %add3A_985 : i32
        %mul3A_987 = arith.constant 128 : i32
        %mul3A_988 = arith.muli %add3A_986, %mul3A_987 : i32
        %dma_start3A_989 = tpu.memref_slice %arg7[%mul3A_988] : memref<6400xi32, #tpu.memory_space<vmem>> -> memref<128xi32, #tpu.memory_space<vmem>>
        %dma_start3A_990 = arith.constant 0 : i32
        %dma_start3A_991 = arith.constant 0 : i32
        %dma_start3A_992 = tpu.memref_slice %arg5[%dma_start3A_990, %dma_start3A_991] : memref<100000x128xf32, #tpu.memory_space<hbm>> -> memref<100000x128xf32, #tpu.memory_space<hbm>>
        tpu.enqueue_indirect_dma source(%dma_start3A_992 : memref<100000x128xf32, #tpu.memory_space<hbm>>) target(%arg10 : memref<128x128xf32, #tpu.memory_space<vmem>>) offsets(%dma_start3A_989 : memref<128xi32, #tpu.memory_space<vmem>>) semaphore(%arg19 : memref<!tpu.dma_semaphore, #tpu.memory_space<semaphore_mem>>)
        %dma_start3A_993 = tpu.memref_slice %arg8[%mul3A_988] : memref<6400xi32, #tpu.memory_space<vmem>> -> memref<128xi32, #tpu.memory_space<vmem>>
        %dma_start3A_994 = arith.constant 0 : i32
        %dma_start3A_995 = arith.constant 0 : i32
        %dma_start3A_996 = tpu.memref_slice %arg5[%dma_start3A_994, %dma_start3A_995] : memref<100000x128xf32, #tpu.memory_space<hbm>> -> memref<100000x128xf32, #tpu.memory_space<hbm>>
        tpu.enqueue_indirect_dma source(%dma_start3A_996 : memref<100000x128xf32, #tpu.memory_space<hbm>>) target(%arg11 : memref<128x128xf32, #tpu.memory_space<vmem>>) offsets(%dma_start3A_993 : memref<128xi32, #tpu.memory_space<vmem>>) semaphore(%arg19 : memref<!tpu.dma_semaphore, #tpu.memory_space<semaphore_mem>>)
        %dma_start3A_997 = tpu.memref_slice %arg9[%mul3A_988] : memref<6400xi32, #tpu.memory_space<vmem>> -> memref<128xi32, #tpu.memory_space<vmem>>
        %dma_start3A_998 = arith.constant 0 : i32
        %dma_start3A_999 = arith.constant 0 : i32
        %dma_start3A_1000 = tpu.memref_slice %arg5[%dma_start3A_998, %dma_start3A_999] : memref<100000x128xf32, #tpu.memory_space<hbm>> -> memref<100000x128xf32, #tpu.memory_space<hbm>>
        tpu.enqueue_indirect_dma source(%dma_start3A_1000 : memref<100000x128xf32, #tpu.memory_space<hbm>>) target(%arg12 : memref<128x128xf32, #tpu.memory_space<vmem>>) offsets(%dma_start3A_997 : memref<128xi32, #tpu.memory_space<vmem>>) semaphore(%arg19 : memref<!tpu.dma_semaphore, #tpu.memory_space<semaphore_mem>>)
      } else {
      }
      %add3A_565 = arith.constant 1 : i32
      %add3A_566 = arith.addi %mul3A_133, %add3A_565 : i32
      %mul3A_567 = arith.constant 128 : i32
      %mul3A_568 = arith.muli %add3A_566, %mul3A_567 : i32
      %dma_wait3A_569 = tpu.memref_slice %arg7[%mul3A_568] : memref<6400xi32, #tpu.memory_space<vmem>> -> memref<128xi32, #tpu.memory_space<vmem>>
      %dma_wait3A_570 = arith.constant 0 : i32
      %dma_wait3A_571 = arith.constant 0 : i32
      %dma_wait3A_572 = tpu.memref_slice %arg5[%dma_wait3A_570, %dma_wait3A_571] : memref<100000x128xf32, #tpu.memory_space<hbm>> -> memref<100000x128xf32, #tpu.memory_space<hbm>>
      tpu.wait_indirect_dma semaphore(%arg20 : memref<!tpu.dma_semaphore, #tpu.memory_space<semaphore_mem>>) src(%dma_wait3A_572 : memref<100000x128xf32, #tpu.memory_space<hbm>>) dst(%arg13 : memref<128x128xf32, #tpu.memory_space<vmem>>)
      %dma_wait3A_573 = tpu.memref_slice %arg8[%mul3A_568] : memref<6400xi32, #tpu.memory_space<vmem>> -> memref<128xi32, #tpu.memory_space<vmem>>
      %dma_wait3A_574 = arith.constant 0 : i32
      %dma_wait3A_575 = arith.constant 0 : i32
      %dma_wait3A_576 = tpu.memref_slice %arg5[%dma_wait3A_574, %dma_wait3A_575] : memref<100000x128xf32, #tpu.memory_space<hbm>> -> memref<100000x128xf32, #tpu.memory_space<hbm>>
      tpu.wait_indirect_dma semaphore(%arg20 : memref<!tpu.dma_semaphore, #tpu.memory_space<semaphore_mem>>) src(%dma_wait3A_576 : memref<100000x128xf32, #tpu.memory_space<hbm>>) dst(%arg14 : memref<128x128xf32, #tpu.memory_space<vmem>>)
      %dma_wait3A_577 = tpu.memref_slice %arg9[%mul3A_568] : memref<6400xi32, #tpu.memory_space<vmem>> -> memref<128xi32, #tpu.memory_space<vmem>>
      %dma_wait3A_578 = arith.constant 0 : i32
      %dma_wait3A_579 = arith.constant 0 : i32
      %dma_wait3A_580 = tpu.memref_slice %arg5[%dma_wait3A_578, %dma_wait3A_579] : memref<100000x128xf32, #tpu.memory_space<hbm>> -> memref<100000x128xf32, #tpu.memory_space<hbm>>
      tpu.wait_indirect_dma semaphore(%arg20 : memref<!tpu.dma_semaphore, #tpu.memory_space<semaphore_mem>>) src(%dma_wait3A_580 : memref<100000x128xf32, #tpu.memory_space<hbm>>) dst(%arg15 : memref<128x128xf32, #tpu.memory_space<vmem>>)
      %add3A_581 = arith.constant 1 : i32
      %add3A_582 = arith.addi %mul3A_133, %add3A_581 : i32
      %iota3A_583 = tpu.iota {dimensions = array<i32: 0>} : vector<16xi32>
      %broadcast_in_dim3A_584 = arith.constant 0 : i32
      %broadcast_in_dim3A_585 = vector.broadcast %broadcast_in_dim3A_584 : i32 to vector<16xi32>
      %add3A_586 = arith.addi %broadcast_in_dim3A_585, %iota3A_583 : vector<16xi32>
      %broadcast_in_dim3A_587 = arith.constant 16 : i32
      %broadcast_in_dim3A_588 = vector.broadcast %broadcast_in_dim3A_587 : i32 to vector<16xi32>
      %add3A_589 = arith.addi %broadcast_in_dim3A_588, %iota3A_583 : vector<16xi32>
      %broadcast_in_dim3A_590 = arith.constant 32 : i32
      %broadcast_in_dim3A_591 = vector.broadcast %broadcast_in_dim3A_590 : i32 to vector<16xi32>
      %add3A_592 = arith.addi %broadcast_in_dim3A_591, %iota3A_583 : vector<16xi32>
      %broadcast_in_dim3A_593 = arith.constant 48 : i32
      %broadcast_in_dim3A_594 = vector.broadcast %broadcast_in_dim3A_593 : i32 to vector<16xi32>
      %add3A_595 = arith.addi %broadcast_in_dim3A_594, %iota3A_583 : vector<16xi32>
      %broadcast_in_dim3A_596 = arith.constant 64 : i32
      %broadcast_in_dim3A_597 = vector.broadcast %broadcast_in_dim3A_596 : i32 to vector<16xi32>
      %add3A_598 = arith.addi %broadcast_in_dim3A_597, %iota3A_583 : vector<16xi32>
      %broadcast_in_dim3A_599 = arith.constant 80 : i32
      %broadcast_in_dim3A_600 = vector.broadcast %broadcast_in_dim3A_599 : i32 to vector<16xi32>
      %add3A_601 = arith.addi %broadcast_in_dim3A_600, %iota3A_583 : vector<16xi32>
      %broadcast_in_dim3A_602 = arith.constant 96 : i32
      %broadcast_in_dim3A_603 = vector.broadcast %broadcast_in_dim3A_602 : i32 to vector<16xi32>
      %add3A_604 = arith.addi %broadcast_in_dim3A_603, %iota3A_583 : vector<16xi32>
      %broadcast_in_dim3A_605 = arith.constant 112 : i32
      %broadcast_in_dim3A_606 = vector.broadcast %broadcast_in_dim3A_605 : i32 to vector<16xi32>
      %add3A_607 = arith.addi %broadcast_in_dim3A_606, %iota3A_583 : vector<16xi32>
      %broadcast_in_dim3A_608 = arith.constant 0.000000e+00 : f32
      %broadcast_in_dim3A_609 = vector.broadcast %broadcast_in_dim3A_608 : f32 to vector<16xf32>
      %broadcast_in_dim3A_610 = arith.constant 0.000000e+00 : f32
      %broadcast_in_dim3A_611 = vector.broadcast %broadcast_in_dim3A_610 : f32 to vector<16xf32>
      %broadcast_in_dim3A_612 = arith.constant 0.000000e+00 : f32
      %broadcast_in_dim3A_613 = vector.broadcast %broadcast_in_dim3A_612 : f32 to vector<16xf32>
      %broadcast_in_dim3A_614 = arith.constant 0.000000e+00 : f32
      %broadcast_in_dim3A_615 = vector.broadcast %broadcast_in_dim3A_614 : f32 to vector<16xf32>
      %broadcast_in_dim3A_616 = arith.constant 0.000000e+00 : f32
      %broadcast_in_dim3A_617 = vector.broadcast %broadcast_in_dim3A_616 : f32 to vector<16xf32>
      %broadcast_in_dim3A_618 = arith.constant 0.000000e+00 : f32
      %broadcast_in_dim3A_619 = vector.broadcast %broadcast_in_dim3A_618 : f32 to vector<16xf32>
      %broadcast_in_dim3A_620 = arith.constant 0.000000e+00 : f32
      %broadcast_in_dim3A_621 = vector.broadcast %broadcast_in_dim3A_620 : f32 to vector<16xf32>
      %broadcast_in_dim3A_622 = arith.constant 0.000000e+00 : f32
      %broadcast_in_dim3A_623 = vector.broadcast %broadcast_in_dim3A_622 : f32 to vector<16xf32>
      %broadcast_in_dim3A_624 = arith.constant 0.000000e+00 : f32
      %broadcast_in_dim3A_625 = vector.broadcast %broadcast_in_dim3A_624 : f32 to vector<16xf32>
      %broadcast_in_dim3A_626 = arith.constant 0.000000e+00 : f32
      %broadcast_in_dim3A_627 = vector.broadcast %broadcast_in_dim3A_626 : f32 to vector<16xf32>
      %broadcast_in_dim3A_628 = arith.constant 0.000000e+00 : f32
      %broadcast_in_dim3A_629 = vector.broadcast %broadcast_in_dim3A_628 : f32 to vector<16xf32>
      %broadcast_in_dim3A_630 = arith.constant 0.000000e+00 : f32
      %broadcast_in_dim3A_631 = vector.broadcast %broadcast_in_dim3A_630 : f32 to vector<16xf32>
      %broadcast_in_dim3A_632 = arith.constant 0.000000e+00 : f32
      %broadcast_in_dim3A_633 = vector.broadcast %broadcast_in_dim3A_632 : f32 to vector<16xf32>
      %broadcast_in_dim3A_634 = arith.constant 0.000000e+00 : f32
      %broadcast_in_dim3A_635 = vector.broadcast %broadcast_in_dim3A_634 : f32 to vector<16xf32>
      %broadcast_in_dim3A_636 = arith.constant 0.000000e+00 : f32
      %broadcast_in_dim3A_637 = vector.broadcast %broadcast_in_dim3A_636 : f32 to vector<16xf32>
      %broadcast_in_dim3A_638 = arith.constant 0.000000e+00 : f32
      %broadcast_in_dim3A_639 = vector.broadcast %broadcast_in_dim3A_638 : f32 to vector<16xf32>
      %scan3A_640 = arith.constant 0 : i32
      %scan3A_641 = arith.constant 128 : i32
      %scan3A_642 = arith.addi %scan3A_640, %scan3A_641 : i32
      %scan3A_643 = arith.constant 4 : i32
      %scan3A_644:16 = scf.for %scan3A_985 = %scan3A_640 to %scan3A_642 step %scan3A_643 iter_args(%scan3A_986 = %broadcast_in_dim3A_609, %scan3A_987 = %broadcast_in_dim3A_611, %scan3A_988 = %broadcast_in_dim3A_613, %scan3A_989 = %broadcast_in_dim3A_615, %scan3A_990 = %broadcast_in_dim3A_617, %scan3A_991 = %broadcast_in_dim3A_619, %scan3A_992 = %broadcast_in_dim3A_621, %scan3A_993 = %broadcast_in_dim3A_623, %scan3A_994 = %broadcast_in_dim3A_625, %scan3A_995 = %broadcast_in_dim3A_627, %scan3A_996 = %broadcast_in_dim3A_629, %scan3A_997 = %broadcast_in_dim3A_631, %scan3A_998 = %broadcast_in_dim3A_633, %scan3A_999 = %broadcast_in_dim3A_635, %scan3A_1000 = %broadcast_in_dim3A_637, %scan3A_1001 = %broadcast_in_dim3A_639) -> (vector<16xf32>, vector<16xf32>, vector<16xf32>, vector<16xf32>, vector<16xf32>, vector<16xf32>, vector<16xf32>, vector<16xf32>, vector<16xf32>, vector<16xf32>, vector<16xf32>, vector<16xf32>, vector<16xf32>, vector<16xf32>, vector<16xf32>, vector<16xf32>)  : i32 {
        %broadcast_in_dim3A_1002 = vector.broadcast %scan3A_985 : i32 to vector<16xi32>
        %add3A_1003 = arith.addi %broadcast_in_dim3A_1002, %iota3A_583 : vector<16xi32>
        %and3A = arith.constant 127 : i32
        %and3A_1004 = vector.broadcast %and3A : i32 to vector<16xi32>
        %and3A_1005 = arith.andi %add3A_1003, %and3A_1004 : vector<16xi32>
        %gather3A = tpu.vector_load_idx %arg17[%and3A_1005] : memref<128xf32, #tpu.memory_space<vmem>>[vector<16xi32>], vector<16xf32>,
        %gather3A_1006 = tpu.vector_load_idx %arg13[%add3A_586, %and3A_1005] : memref<128x128xf32, #tpu.memory_space<vmem>>[vector<16xi32>, vector<16xi32>], vector<16xf32>,
        %gather3A_1007 = tpu.vector_load_idx %arg14[%add3A_586, %and3A_1005] : memref<128x128xf32, #tpu.memory_space<vmem>>[vector<16xi32>, vector<16xi32>], vector<16xf32>,
        %gather3A_1008 = tpu.vector_load_idx %arg15[%add3A_586, %and3A_1005] : memref<128x128xf32, #tpu.memory_space<vmem>>[vector<16xi32>, vector<16xi32>], vector<16xf32>,
        %add3A_1009 = arith.addf %gather3A_1006, %gather3A_1007 : vector<16xf32>
        %mul3A_1010 = arith.constant 5.000000e-01 : f32
        %mul3A_1011 = vector.broadcast %mul3A_1010 : f32 to vector<16xf32>
        %mul3A_1012 = arith.mulf %mul3A_1011, %add3A_1009 : vector<16xf32>
        %sub3A_1013 = arith.subf %mul3A_1012, %gather3A_1008 : vector<16xf32>
        %mul3A_1014 = arith.mulf %sub3A_1013, %sub3A_1013 : vector<16xf32>
        %add3A_1015 = arith.addf %scan3A_986, %mul3A_1014 : vector<16xf32>
        %mul3A_1016 = arith.mulf %add3A_1009, %gather3A : vector<16xf32>
        %add3A_1017 = arith.addf %scan3A_987, %mul3A_1016 : vector<16xf32>
        %gather3A_1018 = tpu.vector_load_idx %arg13[%add3A_589, %and3A_1005] : memref<128x128xf32, #tpu.memory_space<vmem>>[vector<16xi32>, vector<16xi32>], vector<16xf32>,
        %gather3A_1019 = tpu.vector_load_idx %arg14[%add3A_589, %and3A_1005] : memref<128x128xf32, #tpu.memory_space<vmem>>[vector<16xi32>, vector<16xi32>], vector<16xf32>,
        %gather3A_1020 = tpu.vector_load_idx %arg15[%add3A_589, %and3A_1005] : memref<128x128xf32, #tpu.memory_space<vmem>>[vector<16xi32>, vector<16xi32>], vector<16xf32>,
        %add3A_1021 = arith.addf %gather3A_1018, %gather3A_1019 : vector<16xf32>
        %mul3A_1022 = arith.constant 5.000000e-01 : f32
        %mul3A_1023 = vector.broadcast %mul3A_1022 : f32 to vector<16xf32>
        %mul3A_1024 = arith.mulf %mul3A_1023, %add3A_1021 : vector<16xf32>
        %sub3A_1025 = arith.subf %mul3A_1024, %gather3A_1020 : vector<16xf32>
        %mul3A_1026 = arith.mulf %sub3A_1025, %sub3A_1025 : vector<16xf32>
        %add3A_1027 = arith.addf %scan3A_988, %mul3A_1026 : vector<16xf32>
        %mul3A_1028 = arith.mulf %add3A_1021, %gather3A : vector<16xf32>
        %add3A_1029 = arith.addf %scan3A_989, %mul3A_1028 : vector<16xf32>
        %gather3A_1030 = tpu.vector_load_idx %arg13[%add3A_592, %and3A_1005] : memref<128x128xf32, #tpu.memory_space<vmem>>[vector<16xi32>, vector<16xi32>], vector<16xf32>,
        %gather3A_1031 = tpu.vector_load_idx %arg14[%add3A_592, %and3A_1005] : memref<128x128xf32, #tpu.memory_space<vmem>>[vector<16xi32>, vector<16xi32>], vector<16xf32>,
        %gather3A_1032 = tpu.vector_load_idx %arg15[%add3A_592, %and3A_1005] : memref<128x128xf32, #tpu.memory_space<vmem>>[vector<16xi32>, vector<16xi32>], vector<16xf32>,
        %add3A_1033 = arith.addf %gather3A_1030, %gather3A_1031 : vector<16xf32>
        %mul3A_1034 = arith.constant 5.000000e-01 : f32
        %mul3A_1035 = vector.broadcast %mul3A_1034 : f32 to vector<16xf32>
        %mul3A_1036 = arith.mulf %mul3A_1035, %add3A_1033 : vector<16xf32>
        %sub3A_1037 = arith.subf %mul3A_1036, %gather3A_1032 : vector<16xf32>
        %mul3A_1038 = arith.mulf %sub3A_1037, %sub3A_1037 : vector<16xf32>
        %add3A_1039 = arith.addf %scan3A_990, %mul3A_1038 : vector<16xf32>
        %mul3A_1040 = arith.mulf %add3A_1033, %gather3A : vector<16xf32>
        %add3A_1041 = arith.addf %scan3A_991, %mul3A_1040 : vector<16xf32>
        %gather3A_1042 = tpu.vector_load_idx %arg13[%add3A_595, %and3A_1005] : memref<128x128xf32, #tpu.memory_space<vmem>>[vector<16xi32>, vector<16xi32>], vector<16xf32>,
        %gather3A_1043 = tpu.vector_load_idx %arg14[%add3A_595, %and3A_1005] : memref<128x128xf32, #tpu.memory_space<vmem>>[vector<16xi32>, vector<16xi32>], vector<16xf32>,
        %gather3A_1044 = tpu.vector_load_idx %arg15[%add3A_595, %and3A_1005] : memref<128x128xf32, #tpu.memory_space<vmem>>[vector<16xi32>, vector<16xi32>], vector<16xf32>,
        %add3A_1045 = arith.addf %gather3A_1042, %gather3A_1043 : vector<16xf32>
        %mul3A_1046 = arith.constant 5.000000e-01 : f32
        %mul3A_1047 = vector.broadcast %mul3A_1046 : f32 to vector<16xf32>
        %mul3A_1048 = arith.mulf %mul3A_1047, %add3A_1045 : vector<16xf32>
        %sub3A_1049 = arith.subf %mul3A_1048, %gather3A_1044 : vector<16xf32>
        %mul3A_1050 = arith.mulf %sub3A_1049, %sub3A_1049 : vector<16xf32>
        %add3A_1051 = arith.addf %scan3A_992, %mul3A_1050 : vector<16xf32>
        %mul3A_1052 = arith.mulf %add3A_1045, %gather3A : vector<16xf32>
        %add3A_1053 = arith.addf %scan3A_993, %mul3A_1052 : vector<16xf32>
        %gather3A_1054 = tpu.vector_load_idx %arg13[%add3A_598, %and3A_1005] : memref<128x128xf32, #tpu.memory_space<vmem>>[vector<16xi32>, vector<16xi32>], vector<16xf32>,
        %gather3A_1055 = tpu.vector_load_idx %arg14[%add3A_598, %and3A_1005] : memref<128x128xf32, #tpu.memory_space<vmem>>[vector<16xi32>, vector<16xi32>], vector<16xf32>,
        %gather3A_1056 = tpu.vector_load_idx %arg15[%add3A_598, %and3A_1005] : memref<128x128xf32, #tpu.memory_space<vmem>>[vector<16xi32>, vector<16xi32>], vector<16xf32>,
        %add3A_1057 = arith.addf %gather3A_1054, %gather3A_1055 : vector<16xf32>
        %mul3A_1058 = arith.constant 5.000000e-01 : f32
        %mul3A_1059 = vector.broadcast %mul3A_1058 : f32 to vector<16xf32>
        %mul3A_1060 = arith.mulf %mul3A_1059, %add3A_1057 : vector<16xf32>
        %sub3A_1061 = arith.subf %mul3A_1060, %gather3A_1056 : vector<16xf32>
        %mul3A_1062 = arith.mulf %sub3A_1061, %sub3A_1061 : vector<16xf32>
        %add3A_1063 = arith.addf %scan3A_994, %mul3A_1062 : vector<16xf32>
        %mul3A_1064 = arith.mulf %add3A_1057, %gather3A : vector<16xf32>
        %add3A_1065 = arith.addf %scan3A_995, %mul3A_1064 : vector<16xf32>
        %gather3A_1066 = tpu.vector_load_idx %arg13[%add3A_601, %and3A_1005] : memref<128x128xf32, #tpu.memory_space<vmem>>[vector<16xi32>, vector<16xi32>], vector<16xf32>,
        %gather3A_1067 = tpu.vector_load_idx %arg14[%add3A_601, %and3A_1005] : memref<128x128xf32, #tpu.memory_space<vmem>>[vector<16xi32>, vector<16xi32>], vector<16xf32>,
        %gather3A_1068 = tpu.vector_load_idx %arg15[%add3A_601, %and3A_1005] : memref<128x128xf32, #tpu.memory_space<vmem>>[vector<16xi32>, vector<16xi32>], vector<16xf32>,
        %add3A_1069 = arith.addf %gather3A_1066, %gather3A_1067 : vector<16xf32>
        %mul3A_1070 = arith.constant 5.000000e-01 : f32
        %mul3A_1071 = vector.broadcast %mul3A_1070 : f32 to vector<16xf32>
        %mul3A_1072 = arith.mulf %mul3A_1071, %add3A_1069 : vector<16xf32>
        %sub3A_1073 = arith.subf %mul3A_1072, %gather3A_1068 : vector<16xf32>
        %mul3A_1074 = arith.mulf %sub3A_1073, %sub3A_1073 : vector<16xf32>
        %add3A_1075 = arith.addf %scan3A_996, %mul3A_1074 : vector<16xf32>
        %mul3A_1076 = arith.mulf %add3A_1069, %gather3A : vector<16xf32>
        %add3A_1077 = arith.addf %scan3A_997, %mul3A_1076 : vector<16xf32>
        %gather3A_1078 = tpu.vector_load_idx %arg13[%add3A_604, %and3A_1005] : memref<128x128xf32, #tpu.memory_space<vmem>>[vector<16xi32>, vector<16xi32>], vector<16xf32>,
        %gather3A_1079 = tpu.vector_load_idx %arg14[%add3A_604, %and3A_1005] : memref<128x128xf32, #tpu.memory_space<vmem>>[vector<16xi32>, vector<16xi32>], vector<16xf32>,
        %gather3A_1080 = tpu.vector_load_idx %arg15[%add3A_604, %and3A_1005] : memref<128x128xf32, #tpu.memory_space<vmem>>[vector<16xi32>, vector<16xi32>], vector<16xf32>,
        %add3A_1081 = arith.addf %gather3A_1078, %gather3A_1079 : vector<16xf32>
        %mul3A_1082 = arith.constant 5.000000e-01 : f32
        %mul3A_1083 = vector.broadcast %mul3A_1082 : f32 to vector<16xf32>
        %mul3A_1084 = arith.mulf %mul3A_1083, %add3A_1081 : vector<16xf32>
        %sub3A_1085 = arith.subf %mul3A_1084, %gather3A_1080 : vector<16xf32>
        %mul3A_1086 = arith.mulf %sub3A_1085, %sub3A_1085 : vector<16xf32>
        %add3A_1087 = arith.addf %scan3A_998, %mul3A_1086 : vector<16xf32>
        %mul3A_1088 = arith.mulf %add3A_1081, %gather3A : vector<16xf32>
        %add3A_1089 = arith.addf %scan3A_999, %mul3A_1088 : vector<16xf32>
        %gather3A_1090 = tpu.vector_load_idx %arg13[%add3A_607, %and3A_1005] : memref<128x128xf32, #tpu.memory_space<vmem>>[vector<16xi32>, vector<16xi32>], vector<16xf32>,
        %gather3A_1091 = tpu.vector_load_idx %arg14[%add3A_607, %and3A_1005] : memref<128x128xf32, #tpu.memory_space<vmem>>[vector<16xi32>, vector<16xi32>], vector<16xf32>,
        %gather3A_1092 = tpu.vector_load_idx %arg15[%add3A_607, %and3A_1005] : memref<128x128xf32, #tpu.memory_space<vmem>>[vector<16xi32>, vector<16xi32>], vector<16xf32>,
        %add3A_1093 = arith.addf %gather3A_1090, %gather3A_1091 : vector<16xf32>
        %mul3A_1094 = arith.constant 5.000000e-01 : f32
        %mul3A_1095 = vector.broadcast %mul3A_1094 : f32 to vector<16xf32>
        %mul3A_1096 = arith.mulf %mul3A_1095, %add3A_1093 : vector<16xf32>
        %sub3A_1097 = arith.subf %mul3A_1096, %gather3A_1092 : vector<16xf32>
        %mul3A_1098 = arith.mulf %sub3A_1097, %sub3A_1097 : vector<16xf32>
        %add3A_1099 = arith.addf %scan3A_1000, %mul3A_1098 : vector<16xf32>
        %mul3A_1100 = arith.mulf %add3A_1093, %gather3A : vector<16xf32>
        %add3A_1101 = arith.addf %scan3A_1001, %mul3A_1100 : vector<16xf32>
        %scan3A_1102 = arith.constant 1 : i32
        %scan3A_1103 = arith.addi %scan3A_985, %scan3A_1102 : i32
        %broadcast_in_dim3A_1104 = vector.broadcast %scan3A_1103 : i32 to vector<16xi32>
        %add3A_1105 = arith.addi %broadcast_in_dim3A_1104, %iota3A_583 : vector<16xi32>
        %and3A_1106 = arith.constant 127 : i32
        %and3A_1107 = vector.broadcast %and3A_1106 : i32 to vector<16xi32>
        %and3A_1108 = arith.andi %add3A_1105, %and3A_1107 : vector<16xi32>
        %gather3A_1109 = tpu.vector_load_idx %arg17[%and3A_1108] : memref<128xf32, #tpu.memory_space<vmem>>[vector<16xi32>], vector<16xf32>,
        %gather3A_1110 = tpu.vector_load_idx %arg13[%add3A_586, %and3A_1108] : memref<128x128xf32, #tpu.memory_space<vmem>>[vector<16xi32>, vector<16xi32>], vector<16xf32>,
        %gather3A_1111 = tpu.vector_load_idx %arg14[%add3A_586, %and3A_1108] : memref<128x128xf32, #tpu.memory_space<vmem>>[vector<16xi32>, vector<16xi32>], vector<16xf32>,
        %gather3A_1112 = tpu.vector_load_idx %arg15[%add3A_586, %and3A_1108] : memref<128x128xf32, #tpu.memory_space<vmem>>[vector<16xi32>, vector<16xi32>], vector<16xf32>,
        %add3A_1113 = arith.addf %gather3A_1110, %gather3A_1111 : vector<16xf32>
        %mul3A_1114 = arith.constant 5.000000e-01 : f32
        %mul3A_1115 = vector.broadcast %mul3A_1114 : f32 to vector<16xf32>
        %mul3A_1116 = arith.mulf %mul3A_1115, %add3A_1113 : vector<16xf32>
        %sub3A_1117 = arith.subf %mul3A_1116, %gather3A_1112 : vector<16xf32>
        %mul3A_1118 = arith.mulf %sub3A_1117, %sub3A_1117 : vector<16xf32>
        %add3A_1119 = arith.addf %add3A_1015, %mul3A_1118 : vector<16xf32>
        %mul3A_1120 = arith.mulf %add3A_1113, %gather3A_1109 : vector<16xf32>
        %add3A_1121 = arith.addf %add3A_1017, %mul3A_1120 : vector<16xf32>
        %gather3A_1122 = tpu.vector_load_idx %arg13[%add3A_589, %and3A_1108] : memref<128x128xf32, #tpu.memory_space<vmem>>[vector<16xi32>, vector<16xi32>], vector<16xf32>,
        %gather3A_1123 = tpu.vector_load_idx %arg14[%add3A_589, %and3A_1108] : memref<128x128xf32, #tpu.memory_space<vmem>>[vector<16xi32>, vector<16xi32>], vector<16xf32>,
        %gather3A_1124 = tpu.vector_load_idx %arg15[%add3A_589, %and3A_1108] : memref<128x128xf32, #tpu.memory_space<vmem>>[vector<16xi32>, vector<16xi32>], vector<16xf32>,
        %add3A_1125 = arith.addf %gather3A_1122, %gather3A_1123 : vector<16xf32>
        %mul3A_1126 = arith.constant 5.000000e-01 : f32
        %mul3A_1127 = vector.broadcast %mul3A_1126 : f32 to vector<16xf32>
        %mul3A_1128 = arith.mulf %mul3A_1127, %add3A_1125 : vector<16xf32>
        %sub3A_1129 = arith.subf %mul3A_1128, %gather3A_1124 : vector<16xf32>
        %mul3A_1130 = arith.mulf %sub3A_1129, %sub3A_1129 : vector<16xf32>
        %add3A_1131 = arith.addf %add3A_1027, %mul3A_1130 : vector<16xf32>
        %mul3A_1132 = arith.mulf %add3A_1125, %gather3A_1109 : vector<16xf32>
        %add3A_1133 = arith.addf %add3A_1029, %mul3A_1132 : vector<16xf32>
        %gather3A_1134 = tpu.vector_load_idx %arg13[%add3A_592, %and3A_1108] : memref<128x128xf32, #tpu.memory_space<vmem>>[vector<16xi32>, vector<16xi32>], vector<16xf32>,
        %gather3A_1135 = tpu.vector_load_idx %arg14[%add3A_592, %and3A_1108] : memref<128x128xf32, #tpu.memory_space<vmem>>[vector<16xi32>, vector<16xi32>], vector<16xf32>,
        %gather3A_1136 = tpu.vector_load_idx %arg15[%add3A_592, %and3A_1108] : memref<128x128xf32, #tpu.memory_space<vmem>>[vector<16xi32>, vector<16xi32>], vector<16xf32>,
        %add3A_1137 = arith.addf %gather3A_1134, %gather3A_1135 : vector<16xf32>
        %mul3A_1138 = arith.constant 5.000000e-01 : f32
        %mul3A_1139 = vector.broadcast %mul3A_1138 : f32 to vector<16xf32>
        %mul3A_1140 = arith.mulf %mul3A_1139, %add3A_1137 : vector<16xf32>
        %sub3A_1141 = arith.subf %mul3A_1140, %gather3A_1136 : vector<16xf32>
        %mul3A_1142 = arith.mulf %sub3A_1141, %sub3A_1141 : vector<16xf32>
        %add3A_1143 = arith.addf %add3A_1039, %mul3A_1142 : vector<16xf32>
        %mul3A_1144 = arith.mulf %add3A_1137, %gather3A_1109 : vector<16xf32>
        %add3A_1145 = arith.addf %add3A_1041, %mul3A_1144 : vector<16xf32>
        %gather3A_1146 = tpu.vector_load_idx %arg13[%add3A_595, %and3A_1108] : memref<128x128xf32, #tpu.memory_space<vmem>>[vector<16xi32>, vector<16xi32>], vector<16xf32>,
        %gather3A_1147 = tpu.vector_load_idx %arg14[%add3A_595, %and3A_1108] : memref<128x128xf32, #tpu.memory_space<vmem>>[vector<16xi32>, vector<16xi32>], vector<16xf32>,
        %gather3A_1148 = tpu.vector_load_idx %arg15[%add3A_595, %and3A_1108] : memref<128x128xf32, #tpu.memory_space<vmem>>[vector<16xi32>, vector<16xi32>], vector<16xf32>,
        %add3A_1149 = arith.addf %gather3A_1146, %gather3A_1147 : vector<16xf32>
        %mul3A_1150 = arith.constant 5.000000e-01 : f32
        %mul3A_1151 = vector.broadcast %mul3A_1150 : f32 to vector<16xf32>
        %mul3A_1152 = arith.mulf %mul3A_1151, %add3A_1149 : vector<16xf32>
        %sub3A_1153 = arith.subf %mul3A_1152, %gather3A_1148 : vector<16xf32>
        %mul3A_1154 = arith.mulf %sub3A_1153, %sub3A_1153 : vector<16xf32>
        %add3A_1155 = arith.addf %add3A_1051, %mul3A_1154 : vector<16xf32>
        %mul3A_1156 = arith.mulf %add3A_1149, %gather3A_1109 : vector<16xf32>
        %add3A_1157 = arith.addf %add3A_1053, %mul3A_1156 : vector<16xf32>
        %gather3A_1158 = tpu.vector_load_idx %arg13[%add3A_598, %and3A_1108] : memref<128x128xf32, #tpu.memory_space<vmem>>[vector<16xi32>, vector<16xi32>], vector<16xf32>,
        %gather3A_1159 = tpu.vector_load_idx %arg14[%add3A_598, %and3A_1108] : memref<128x128xf32, #tpu.memory_space<vmem>>[vector<16xi32>, vector<16xi32>], vector<16xf32>,
        %gather3A_1160 = tpu.vector_load_idx %arg15[%add3A_598, %and3A_1108] : memref<128x128xf32, #tpu.memory_space<vmem>>[vector<16xi32>, vector<16xi32>], vector<16xf32>,
        %add3A_1161 = arith.addf %gather3A_1158, %gather3A_1159 : vector<16xf32>
        %mul3A_1162 = arith.constant 5.000000e-01 : f32
        %mul3A_1163 = vector.broadcast %mul3A_1162 : f32 to vector<16xf32>
        %mul3A_1164 = arith.mulf %mul3A_1163, %add3A_1161 : vector<16xf32>
        %sub3A_1165 = arith.subf %mul3A_1164, %gather3A_1160 : vector<16xf32>
        %mul3A_1166 = arith.mulf %sub3A_1165, %sub3A_1165 : vector<16xf32>
        %add3A_1167 = arith.addf %add3A_1063, %mul3A_1166 : vector<16xf32>
        %mul3A_1168 = arith.mulf %add3A_1161, %gather3A_1109 : vector<16xf32>
        %add3A_1169 = arith.addf %add3A_1065, %mul3A_1168 : vector<16xf32>
        %gather3A_1170 = tpu.vector_load_idx %arg13[%add3A_601, %and3A_1108] : memref<128x128xf32, #tpu.memory_space<vmem>>[vector<16xi32>, vector<16xi32>], vector<16xf32>,
        %gather3A_1171 = tpu.vector_load_idx %arg14[%add3A_601, %and3A_1108] : memref<128x128xf32, #tpu.memory_space<vmem>>[vector<16xi32>, vector<16xi32>], vector<16xf32>,
        %gather3A_1172 = tpu.vector_load_idx %arg15[%add3A_601, %and3A_1108] : memref<128x128xf32, #tpu.memory_space<vmem>>[vector<16xi32>, vector<16xi32>], vector<16xf32>,
        %add3A_1173 = arith.addf %gather3A_1170, %gather3A_1171 : vector<16xf32>
        %mul3A_1174 = arith.constant 5.000000e-01 : f32
        %mul3A_1175 = vector.broadcast %mul3A_1174 : f32 to vector<16xf32>
        %mul3A_1176 = arith.mulf %mul3A_1175, %add3A_1173 : vector<16xf32>
        %sub3A_1177 = arith.subf %mul3A_1176, %gather3A_1172 : vector<16xf32>
        %mul3A_1178 = arith.mulf %sub3A_1177, %sub3A_1177 : vector<16xf32>
        %add3A_1179 = arith.addf %add3A_1075, %mul3A_1178 : vector<16xf32>
        %mul3A_1180 = arith.mulf %add3A_1173, %gather3A_1109 : vector<16xf32>
        %add3A_1181 = arith.addf %add3A_1077, %mul3A_1180 : vector<16xf32>
        %gather3A_1182 = tpu.vector_load_idx %arg13[%add3A_604, %and3A_1108] : memref<128x128xf32, #tpu.memory_space<vmem>>[vector<16xi32>, vector<16xi32>], vector<16xf32>,
        %gather3A_1183 = tpu.vector_load_idx %arg14[%add3A_604, %and3A_1108] : memref<128x128xf32, #tpu.memory_space<vmem>>[vector<16xi32>, vector<16xi32>], vector<16xf32>,
        %gather3A_1184 = tpu.vector_load_idx %arg15[%add3A_604, %and3A_1108] : memref<128x128xf32, #tpu.memory_space<vmem>>[vector<16xi32>, vector<16xi32>], vector<16xf32>,
        %add3A_1185 = arith.addf %gather3A_1182, %gather3A_1183 : vector<16xf32>
        %mul3A_1186 = arith.constant 5.000000e-01 : f32
        %mul3A_1187 = vector.broadcast %mul3A_1186 : f32 to vector<16xf32>
        %mul3A_1188 = arith.mulf %mul3A_1187, %add3A_1185 : vector<16xf32>
        %sub3A_1189 = arith.subf %mul3A_1188, %gather3A_1184 : vector<16xf32>
        %mul3A_1190 = arith.mulf %sub3A_1189, %sub3A_1189 : vector<16xf32>
        %add3A_1191 = arith.addf %add3A_1087, %mul3A_1190 : vector<16xf32>
        %mul3A_1192 = arith.mulf %add3A_1185, %gather3A_1109 : vector<16xf32>
        %add3A_1193 = arith.addf %add3A_1089, %mul3A_1192 : vector<16xf32>
        %gather3A_1194 = tpu.vector_load_idx %arg13[%add3A_607, %and3A_1108] : memref<128x128xf32, #tpu.memory_space<vmem>>[vector<16xi32>, vector<16xi32>], vector<16xf32>,
        %gather3A_1195 = tpu.vector_load_idx %arg14[%add3A_607, %and3A_1108] : memref<128x128xf32, #tpu.memory_space<vmem>>[vector<16xi32>, vector<16xi32>], vector<16xf32>,
        %gather3A_1196 = tpu.vector_load_idx %arg15[%add3A_607, %and3A_1108] : memref<128x128xf32, #tpu.memory_space<vmem>>[vector<16xi32>, vector<16xi32>], vector<16xf32>,
        %add3A_1197 = arith.addf %gather3A_1194, %gather3A_1195 : vector<16xf32>
        %mul3A_1198 = arith.constant 5.000000e-01 : f32
        %mul3A_1199 = vector.broadcast %mul3A_1198 : f32 to vector<16xf32>
        %mul3A_1200 = arith.mulf %mul3A_1199, %add3A_1197 : vector<16xf32>
        %sub3A_1201 = arith.subf %mul3A_1200, %gather3A_1196 : vector<16xf32>
        %mul3A_1202 = arith.mulf %sub3A_1201, %sub3A_1201 : vector<16xf32>
        %add3A_1203 = arith.addf %add3A_1099, %mul3A_1202 : vector<16xf32>
        %mul3A_1204 = arith.mulf %add3A_1197, %gather3A_1109 : vector<16xf32>
        %add3A_1205 = arith.addf %add3A_1101, %mul3A_1204 : vector<16xf32>
        %scan3A_1206 = arith.constant 2 : i32
        %scan3A_1207 = arith.addi %scan3A_985, %scan3A_1206 : i32
        %broadcast_in_dim3A_1208 = vector.broadcast %scan3A_1207 : i32 to vector<16xi32>
        %add3A_1209 = arith.addi %broadcast_in_dim3A_1208, %iota3A_583 : vector<16xi32>
        %and3A_1210 = arith.constant 127 : i32
        %and3A_1211 = vector.broadcast %and3A_1210 : i32 to vector<16xi32>
        %and3A_1212 = arith.andi %add3A_1209, %and3A_1211 : vector<16xi32>
        %gather3A_1213 = tpu.vector_load_idx %arg17[%and3A_1212] : memref<128xf32, #tpu.memory_space<vmem>>[vector<16xi32>], vector<16xf32>,
        %gather3A_1214 = tpu.vector_load_idx %arg13[%add3A_586, %and3A_1212] : memref<128x128xf32, #tpu.memory_space<vmem>>[vector<16xi32>, vector<16xi32>], vector<16xf32>,
        %gather3A_1215 = tpu.vector_load_idx %arg14[%add3A_586, %and3A_1212] : memref<128x128xf32, #tpu.memory_space<vmem>>[vector<16xi32>, vector<16xi32>], vector<16xf32>,
        %gather3A_1216 = tpu.vector_load_idx %arg15[%add3A_586, %and3A_1212] : memref<128x128xf32, #tpu.memory_space<vmem>>[vector<16xi32>, vector<16xi32>], vector<16xf32>,
        %add3A_1217 = arith.addf %gather3A_1214, %gather3A_1215 : vector<16xf32>
        %mul3A_1218 = arith.constant 5.000000e-01 : f32
        %mul3A_1219 = vector.broadcast %mul3A_1218 : f32 to vector<16xf32>
        %mul3A_1220 = arith.mulf %mul3A_1219, %add3A_1217 : vector<16xf32>
        %sub3A_1221 = arith.subf %mul3A_1220, %gather3A_1216 : vector<16xf32>
        %mul3A_1222 = arith.mulf %sub3A_1221, %sub3A_1221 : vector<16xf32>
        %add3A_1223 = arith.addf %add3A_1119, %mul3A_1222 : vector<16xf32>
        %mul3A_1224 = arith.mulf %add3A_1217, %gather3A_1213 : vector<16xf32>
        %add3A_1225 = arith.addf %add3A_1121, %mul3A_1224 : vector<16xf32>
        %gather3A_1226 = tpu.vector_load_idx %arg13[%add3A_589, %and3A_1212] : memref<128x128xf32, #tpu.memory_space<vmem>>[vector<16xi32>, vector<16xi32>], vector<16xf32>,
        %gather3A_1227 = tpu.vector_load_idx %arg14[%add3A_589, %and3A_1212] : memref<128x128xf32, #tpu.memory_space<vmem>>[vector<16xi32>, vector<16xi32>], vector<16xf32>,
        %gather3A_1228 = tpu.vector_load_idx %arg15[%add3A_589, %and3A_1212] : memref<128x128xf32, #tpu.memory_space<vmem>>[vector<16xi32>, vector<16xi32>], vector<16xf32>,
        %add3A_1229 = arith.addf %gather3A_1226, %gather3A_1227 : vector<16xf32>
        %mul3A_1230 = arith.constant 5.000000e-01 : f32
        %mul3A_1231 = vector.broadcast %mul3A_1230 : f32 to vector<16xf32>
        %mul3A_1232 = arith.mulf %mul3A_1231, %add3A_1229 : vector<16xf32>
        %sub3A_1233 = arith.subf %mul3A_1232, %gather3A_1228 : vector<16xf32>
        %mul3A_1234 = arith.mulf %sub3A_1233, %sub3A_1233 : vector<16xf32>
        %add3A_1235 = arith.addf %add3A_1131, %mul3A_1234 : vector<16xf32>
        %mul3A_1236 = arith.mulf %add3A_1229, %gather3A_1213 : vector<16xf32>
        %add3A_1237 = arith.addf %add3A_1133, %mul3A_1236 : vector<16xf32>
        %gather3A_1238 = tpu.vector_load_idx %arg13[%add3A_592, %and3A_1212] : memref<128x128xf32, #tpu.memory_space<vmem>>[vector<16xi32>, vector<16xi32>], vector<16xf32>,
        %gather3A_1239 = tpu.vector_load_idx %arg14[%add3A_592, %and3A_1212] : memref<128x128xf32, #tpu.memory_space<vmem>>[vector<16xi32>, vector<16xi32>], vector<16xf32>,
        %gather3A_1240 = tpu.vector_load_idx %arg15[%add3A_592, %and3A_1212] : memref<128x128xf32, #tpu.memory_space<vmem>>[vector<16xi32>, vector<16xi32>], vector<16xf32>,
        %add3A_1241 = arith.addf %gather3A_1238, %gather3A_1239 : vector<16xf32>
        %mul3A_1242 = arith.constant 5.000000e-01 : f32
        %mul3A_1243 = vector.broadcast %mul3A_1242 : f32 to vector<16xf32>
        %mul3A_1244 = arith.mulf %mul3A_1243, %add3A_1241 : vector<16xf32>
        %sub3A_1245 = arith.subf %mul3A_1244, %gather3A_1240 : vector<16xf32>
        %mul3A_1246 = arith.mulf %sub3A_1245, %sub3A_1245 : vector<16xf32>
        %add3A_1247 = arith.addf %add3A_1143, %mul3A_1246 : vector<16xf32>
        %mul3A_1248 = arith.mulf %add3A_1241, %gather3A_1213 : vector<16xf32>
        %add3A_1249 = arith.addf %add3A_1145, %mul3A_1248 : vector<16xf32>
        %gather3A_1250 = tpu.vector_load_idx %arg13[%add3A_595, %and3A_1212] : memref<128x128xf32, #tpu.memory_space<vmem>>[vector<16xi32>, vector<16xi32>], vector<16xf32>,
        %gather3A_1251 = tpu.vector_load_idx %arg14[%add3A_595, %and3A_1212] : memref<128x128xf32, #tpu.memory_space<vmem>>[vector<16xi32>, vector<16xi32>], vector<16xf32>,
        %gather3A_1252 = tpu.vector_load_idx %arg15[%add3A_595, %and3A_1212] : memref<128x128xf32, #tpu.memory_space<vmem>>[vector<16xi32>, vector<16xi32>], vector<16xf32>,
        %add3A_1253 = arith.addf %gather3A_1250, %gather3A_1251 : vector<16xf32>
        %mul3A_1254 = arith.constant 5.000000e-01 : f32
        %mul3A_1255 = vector.broadcast %mul3A_1254 : f32 to vector<16xf32>
        %mul3A_1256 = arith.mulf %mul3A_1255, %add3A_1253 : vector<16xf32>
        %sub3A_1257 = arith.subf %mul3A_1256, %gather3A_1252 : vector<16xf32>
        %mul3A_1258 = arith.mulf %sub3A_1257, %sub3A_1257 : vector<16xf32>
        %add3A_1259 = arith.addf %add3A_1155, %mul3A_1258 : vector<16xf32>
        %mul3A_1260 = arith.mulf %add3A_1253, %gather3A_1213 : vector<16xf32>
        %add3A_1261 = arith.addf %add3A_1157, %mul3A_1260 : vector<16xf32>
        %gather3A_1262 = tpu.vector_load_idx %arg13[%add3A_598, %and3A_1212] : memref<128x128xf32, #tpu.memory_space<vmem>>[vector<16xi32>, vector<16xi32>], vector<16xf32>,
        %gather3A_1263 = tpu.vector_load_idx %arg14[%add3A_598, %and3A_1212] : memref<128x128xf32, #tpu.memory_space<vmem>>[vector<16xi32>, vector<16xi32>], vector<16xf32>,
        %gather3A_1264 = tpu.vector_load_idx %arg15[%add3A_598, %and3A_1212] : memref<128x128xf32, #tpu.memory_space<vmem>>[vector<16xi32>, vector<16xi32>], vector<16xf32>,
        %add3A_1265 = arith.addf %gather3A_1262, %gather3A_1263 : vector<16xf32>
        %mul3A_1266 = arith.constant 5.000000e-01 : f32
        %mul3A_1267 = vector.broadcast %mul3A_1266 : f32 to vector<16xf32>
        %mul3A_1268 = arith.mulf %mul3A_1267, %add3A_1265 : vector<16xf32>
        %sub3A_1269 = arith.subf %mul3A_1268, %gather3A_1264 : vector<16xf32>
        %mul3A_1270 = arith.mulf %sub3A_1269, %sub3A_1269 : vector<16xf32>
        %add3A_1271 = arith.addf %add3A_1167, %mul3A_1270 : vector<16xf32>
        %mul3A_1272 = arith.mulf %add3A_1265, %gather3A_1213 : vector<16xf32>
        %add3A_1273 = arith.addf %add3A_1169, %mul3A_1272 : vector<16xf32>
        %gather3A_1274 = tpu.vector_load_idx %arg13[%add3A_601, %and3A_1212] : memref<128x128xf32, #tpu.memory_space<vmem>>[vector<16xi32>, vector<16xi32>], vector<16xf32>,
        %gather3A_1275 = tpu.vector_load_idx %arg14[%add3A_601, %and3A_1212] : memref<128x128xf32, #tpu.memory_space<vmem>>[vector<16xi32>, vector<16xi32>], vector<16xf32>,
        %gather3A_1276 = tpu.vector_load_idx %arg15[%add3A_601, %and3A_1212] : memref<128x128xf32, #tpu.memory_space<vmem>>[vector<16xi32>, vector<16xi32>], vector<16xf32>,
        %add3A_1277 = arith.addf %gather3A_1274, %gather3A_1275 : vector<16xf32>
        %mul3A_1278 = arith.constant 5.000000e-01 : f32
        %mul3A_1279 = vector.broadcast %mul3A_1278 : f32 to vector<16xf32>
        %mul3A_1280 = arith.mulf %mul3A_1279, %add3A_1277 : vector<16xf32>
        %sub3A_1281 = arith.subf %mul3A_1280, %gather3A_1276 : vector<16xf32>
        %mul3A_1282 = arith.mulf %sub3A_1281, %sub3A_1281 : vector<16xf32>
        %add3A_1283 = arith.addf %add3A_1179, %mul3A_1282 : vector<16xf32>
        %mul3A_1284 = arith.mulf %add3A_1277, %gather3A_1213 : vector<16xf32>
        %add3A_1285 = arith.addf %add3A_1181, %mul3A_1284 : vector<16xf32>
        %gather3A_1286 = tpu.vector_load_idx %arg13[%add3A_604, %and3A_1212] : memref<128x128xf32, #tpu.memory_space<vmem>>[vector<16xi32>, vector<16xi32>], vector<16xf32>,
        %gather3A_1287 = tpu.vector_load_idx %arg14[%add3A_604, %and3A_1212] : memref<128x128xf32, #tpu.memory_space<vmem>>[vector<16xi32>, vector<16xi32>], vector<16xf32>,
        %gather3A_1288 = tpu.vector_load_idx %arg15[%add3A_604, %and3A_1212] : memref<128x128xf32, #tpu.memory_space<vmem>>[vector<16xi32>, vector<16xi32>], vector<16xf32>,
        %add3A_1289 = arith.addf %gather3A_1286, %gather3A_1287 : vector<16xf32>
        %mul3A_1290 = arith.constant 5.000000e-01 : f32
        %mul3A_1291 = vector.broadcast %mul3A_1290 : f32 to vector<16xf32>
        %mul3A_1292 = arith.mulf %mul3A_1291, %add3A_1289 : vector<16xf32>
        %sub3A_1293 = arith.subf %mul3A_1292, %gather3A_1288 : vector<16xf32>
        %mul3A_1294 = arith.mulf %sub3A_1293, %sub3A_1293 : vector<16xf32>
        %add3A_1295 = arith.addf %add3A_1191, %mul3A_1294 : vector<16xf32>
        %mul3A_1296 = arith.mulf %add3A_1289, %gather3A_1213 : vector<16xf32>
        %add3A_1297 = arith.addf %add3A_1193, %mul3A_1296 : vector<16xf32>
        %gather3A_1298 = tpu.vector_load_idx %arg13[%add3A_607, %and3A_1212] : memref<128x128xf32, #tpu.memory_space<vmem>>[vector<16xi32>, vector<16xi32>], vector<16xf32>,
        %gather3A_1299 = tpu.vector_load_idx %arg14[%add3A_607, %and3A_1212] : memref<128x128xf32, #tpu.memory_space<vmem>>[vector<16xi32>, vector<16xi32>], vector<16xf32>,
        %gather3A_1300 = tpu.vector_load_idx %arg15[%add3A_607, %and3A_1212] : memref<128x128xf32, #tpu.memory_space<vmem>>[vector<16xi32>, vector<16xi32>], vector<16xf32>,
        %add3A_1301 = arith.addf %gather3A_1298, %gather3A_1299 : vector<16xf32>
        %mul3A_1302 = arith.constant 5.000000e-01 : f32
        %mul3A_1303 = vector.broadcast %mul3A_1302 : f32 to vector<16xf32>
        %mul3A_1304 = arith.mulf %mul3A_1303, %add3A_1301 : vector<16xf32>
        %sub3A_1305 = arith.subf %mul3A_1304, %gather3A_1300 : vector<16xf32>
        %mul3A_1306 = arith.mulf %sub3A_1305, %sub3A_1305 : vector<16xf32>
        %add3A_1307 = arith.addf %add3A_1203, %mul3A_1306 : vector<16xf32>
        %mul3A_1308 = arith.mulf %add3A_1301, %gather3A_1213 : vector<16xf32>
        %add3A_1309 = arith.addf %add3A_1205, %mul3A_1308 : vector<16xf32>
        %scan3A_1310 = arith.constant 3 : i32
        %scan3A_1311 = arith.addi %scan3A_985, %scan3A_1310 : i32
        %broadcast_in_dim3A_1312 = vector.broadcast %scan3A_1311 : i32 to vector<16xi32>
        %add3A_1313 = arith.addi %broadcast_in_dim3A_1312, %iota3A_583 : vector<16xi32>
        %and3A_1314 = arith.constant 127 : i32
        %and3A_1315 = vector.broadcast %and3A_1314 : i32 to vector<16xi32>
        %and3A_1316 = arith.andi %add3A_1313, %and3A_1315 : vector<16xi32>
        %gather3A_1317 = tpu.vector_load_idx %arg17[%and3A_1316] : memref<128xf32, #tpu.memory_space<vmem>>[vector<16xi32>], vector<16xf32>,
        %gather3A_1318 = tpu.vector_load_idx %arg13[%add3A_586, %and3A_1316] : memref<128x128xf32, #tpu.memory_space<vmem>>[vector<16xi32>, vector<16xi32>], vector<16xf32>,
        %gather3A_1319 = tpu.vector_load_idx %arg14[%add3A_586, %and3A_1316] : memref<128x128xf32, #tpu.memory_space<vmem>>[vector<16xi32>, vector<16xi32>], vector<16xf32>,
        %gather3A_1320 = tpu.vector_load_idx %arg15[%add3A_586, %and3A_1316] : memref<128x128xf32, #tpu.memory_space<vmem>>[vector<16xi32>, vector<16xi32>], vector<16xf32>,
        %add3A_1321 = arith.addf %gather3A_1318, %gather3A_1319 : vector<16xf32>
        %mul3A_1322 = arith.constant 5.000000e-01 : f32
        %mul3A_1323 = vector.broadcast %mul3A_1322 : f32 to vector<16xf32>
        %mul3A_1324 = arith.mulf %mul3A_1323, %add3A_1321 : vector<16xf32>
        %sub3A_1325 = arith.subf %mul3A_1324, %gather3A_1320 : vector<16xf32>
        %mul3A_1326 = arith.mulf %sub3A_1325, %sub3A_1325 : vector<16xf32>
        %add3A_1327 = arith.addf %add3A_1223, %mul3A_1326 : vector<16xf32>
        %mul3A_1328 = arith.mulf %add3A_1321, %gather3A_1317 : vector<16xf32>
        %add3A_1329 = arith.addf %add3A_1225, %mul3A_1328 : vector<16xf32>
        %gather3A_1330 = tpu.vector_load_idx %arg13[%add3A_589, %and3A_1316] : memref<128x128xf32, #tpu.memory_space<vmem>>[vector<16xi32>, vector<16xi32>], vector<16xf32>,
        %gather3A_1331 = tpu.vector_load_idx %arg14[%add3A_589, %and3A_1316] : memref<128x128xf32, #tpu.memory_space<vmem>>[vector<16xi32>, vector<16xi32>], vector<16xf32>,
        %gather3A_1332 = tpu.vector_load_idx %arg15[%add3A_589, %and3A_1316] : memref<128x128xf32, #tpu.memory_space<vmem>>[vector<16xi32>, vector<16xi32>], vector<16xf32>,
        %add3A_1333 = arith.addf %gather3A_1330, %gather3A_1331 : vector<16xf32>
        %mul3A_1334 = arith.constant 5.000000e-01 : f32
        %mul3A_1335 = vector.broadcast %mul3A_1334 : f32 to vector<16xf32>
        %mul3A_1336 = arith.mulf %mul3A_1335, %add3A_1333 : vector<16xf32>
        %sub3A_1337 = arith.subf %mul3A_1336, %gather3A_1332 : vector<16xf32>
        %mul3A_1338 = arith.mulf %sub3A_1337, %sub3A_1337 : vector<16xf32>
        %add3A_1339 = arith.addf %add3A_1235, %mul3A_1338 : vector<16xf32>
        %mul3A_1340 = arith.mulf %add3A_1333, %gather3A_1317 : vector<16xf32>
        %add3A_1341 = arith.addf %add3A_1237, %mul3A_1340 : vector<16xf32>
        %gather3A_1342 = tpu.vector_load_idx %arg13[%add3A_592, %and3A_1316] : memref<128x128xf32, #tpu.memory_space<vmem>>[vector<16xi32>, vector<16xi32>], vector<16xf32>,
        %gather3A_1343 = tpu.vector_load_idx %arg14[%add3A_592, %and3A_1316] : memref<128x128xf32, #tpu.memory_space<vmem>>[vector<16xi32>, vector<16xi32>], vector<16xf32>,
        %gather3A_1344 = tpu.vector_load_idx %arg15[%add3A_592, %and3A_1316] : memref<128x128xf32, #tpu.memory_space<vmem>>[vector<16xi32>, vector<16xi32>], vector<16xf32>,
        %add3A_1345 = arith.addf %gather3A_1342, %gather3A_1343 : vector<16xf32>
        %mul3A_1346 = arith.constant 5.000000e-01 : f32
        %mul3A_1347 = vector.broadcast %mul3A_1346 : f32 to vector<16xf32>
        %mul3A_1348 = arith.mulf %mul3A_1347, %add3A_1345 : vector<16xf32>
        %sub3A_1349 = arith.subf %mul3A_1348, %gather3A_1344 : vector<16xf32>
        %mul3A_1350 = arith.mulf %sub3A_1349, %sub3A_1349 : vector<16xf32>
        %add3A_1351 = arith.addf %add3A_1247, %mul3A_1350 : vector<16xf32>
        %mul3A_1352 = arith.mulf %add3A_1345, %gather3A_1317 : vector<16xf32>
        %add3A_1353 = arith.addf %add3A_1249, %mul3A_1352 : vector<16xf32>
        %gather3A_1354 = tpu.vector_load_idx %arg13[%add3A_595, %and3A_1316] : memref<128x128xf32, #tpu.memory_space<vmem>>[vector<16xi32>, vector<16xi32>], vector<16xf32>,
        %gather3A_1355 = tpu.vector_load_idx %arg14[%add3A_595, %and3A_1316] : memref<128x128xf32, #tpu.memory_space<vmem>>[vector<16xi32>, vector<16xi32>], vector<16xf32>,
        %gather3A_1356 = tpu.vector_load_idx %arg15[%add3A_595, %and3A_1316] : memref<128x128xf32, #tpu.memory_space<vmem>>[vector<16xi32>, vector<16xi32>], vector<16xf32>,
        %add3A_1357 = arith.addf %gather3A_1354, %gather3A_1355 : vector<16xf32>
        %mul3A_1358 = arith.constant 5.000000e-01 : f32
        %mul3A_1359 = vector.broadcast %mul3A_1358 : f32 to vector<16xf32>
        %mul3A_1360 = arith.mulf %mul3A_1359, %add3A_1357 : vector<16xf32>
        %sub3A_1361 = arith.subf %mul3A_1360, %gather3A_1356 : vector<16xf32>
        %mul3A_1362 = arith.mulf %sub3A_1361, %sub3A_1361 : vector<16xf32>
        %add3A_1363 = arith.addf %add3A_1259, %mul3A_1362 : vector<16xf32>
        %mul3A_1364 = arith.mulf %add3A_1357, %gather3A_1317 : vector<16xf32>
        %add3A_1365 = arith.addf %add3A_1261, %mul3A_1364 : vector<16xf32>
        %gather3A_1366 = tpu.vector_load_idx %arg13[%add3A_598, %and3A_1316] : memref<128x128xf32, #tpu.memory_space<vmem>>[vector<16xi32>, vector<16xi32>], vector<16xf32>,
        %gather3A_1367 = tpu.vector_load_idx %arg14[%add3A_598, %and3A_1316] : memref<128x128xf32, #tpu.memory_space<vmem>>[vector<16xi32>, vector<16xi32>], vector<16xf32>,
        %gather3A_1368 = tpu.vector_load_idx %arg15[%add3A_598, %and3A_1316] : memref<128x128xf32, #tpu.memory_space<vmem>>[vector<16xi32>, vector<16xi32>], vector<16xf32>,
        %add3A_1369 = arith.addf %gather3A_1366, %gather3A_1367 : vector<16xf32>
        %mul3A_1370 = arith.constant 5.000000e-01 : f32
        %mul3A_1371 = vector.broadcast %mul3A_1370 : f32 to vector<16xf32>
        %mul3A_1372 = arith.mulf %mul3A_1371, %add3A_1369 : vector<16xf32>
        %sub3A_1373 = arith.subf %mul3A_1372, %gather3A_1368 : vector<16xf32>
        %mul3A_1374 = arith.mulf %sub3A_1373, %sub3A_1373 : vector<16xf32>
        %add3A_1375 = arith.addf %add3A_1271, %mul3A_1374 : vector<16xf32>
        %mul3A_1376 = arith.mulf %add3A_1369, %gather3A_1317 : vector<16xf32>
        %add3A_1377 = arith.addf %add3A_1273, %mul3A_1376 : vector<16xf32>
        %gather3A_1378 = tpu.vector_load_idx %arg13[%add3A_601, %and3A_1316] : memref<128x128xf32, #tpu.memory_space<vmem>>[vector<16xi32>, vector<16xi32>], vector<16xf32>,
        %gather3A_1379 = tpu.vector_load_idx %arg14[%add3A_601, %and3A_1316] : memref<128x128xf32, #tpu.memory_space<vmem>>[vector<16xi32>, vector<16xi32>], vector<16xf32>,
        %gather3A_1380 = tpu.vector_load_idx %arg15[%add3A_601, %and3A_1316] : memref<128x128xf32, #tpu.memory_space<vmem>>[vector<16xi32>, vector<16xi32>], vector<16xf32>,
        %add3A_1381 = arith.addf %gather3A_1378, %gather3A_1379 : vector<16xf32>
        %mul3A_1382 = arith.constant 5.000000e-01 : f32
        %mul3A_1383 = vector.broadcast %mul3A_1382 : f32 to vector<16xf32>
        %mul3A_1384 = arith.mulf %mul3A_1383, %add3A_1381 : vector<16xf32>
        %sub3A_1385 = arith.subf %mul3A_1384, %gather3A_1380 : vector<16xf32>
        %mul3A_1386 = arith.mulf %sub3A_1385, %sub3A_1385 : vector<16xf32>
        %add3A_1387 = arith.addf %add3A_1283, %mul3A_1386 : vector<16xf32>
        %mul3A_1388 = arith.mulf %add3A_1381, %gather3A_1317 : vector<16xf32>
        %add3A_1389 = arith.addf %add3A_1285, %mul3A_1388 : vector<16xf32>
        %gather3A_1390 = tpu.vector_load_idx %arg13[%add3A_604, %and3A_1316] : memref<128x128xf32, #tpu.memory_space<vmem>>[vector<16xi32>, vector<16xi32>], vector<16xf32>,
        %gather3A_1391 = tpu.vector_load_idx %arg14[%add3A_604, %and3A_1316] : memref<128x128xf32, #tpu.memory_space<vmem>>[vector<16xi32>, vector<16xi32>], vector<16xf32>,
        %gather3A_1392 = tpu.vector_load_idx %arg15[%add3A_604, %and3A_1316] : memref<128x128xf32, #tpu.memory_space<vmem>>[vector<16xi32>, vector<16xi32>], vector<16xf32>,
        %add3A_1393 = arith.addf %gather3A_1390, %gather3A_1391 : vector<16xf32>
        %mul3A_1394 = arith.constant 5.000000e-01 : f32
        %mul3A_1395 = vector.broadcast %mul3A_1394 : f32 to vector<16xf32>
        %mul3A_1396 = arith.mulf %mul3A_1395, %add3A_1393 : vector<16xf32>
        %sub3A_1397 = arith.subf %mul3A_1396, %gather3A_1392 : vector<16xf32>
        %mul3A_1398 = arith.mulf %sub3A_1397, %sub3A_1397 : vector<16xf32>
        %add3A_1399 = arith.addf %add3A_1295, %mul3A_1398 : vector<16xf32>
        %mul3A_1400 = arith.mulf %add3A_1393, %gather3A_1317 : vector<16xf32>
        %add3A_1401 = arith.addf %add3A_1297, %mul3A_1400 : vector<16xf32>
        %gather3A_1402 = tpu.vector_load_idx %arg13[%add3A_607, %and3A_1316] : memref<128x128xf32, #tpu.memory_space<vmem>>[vector<16xi32>, vector<16xi32>], vector<16xf32>,
        %gather3A_1403 = tpu.vector_load_idx %arg14[%add3A_607, %and3A_1316] : memref<128x128xf32, #tpu.memory_space<vmem>>[vector<16xi32>, vector<16xi32>], vector<16xf32>,
        %gather3A_1404 = tpu.vector_load_idx %arg15[%add3A_607, %and3A_1316] : memref<128x128xf32, #tpu.memory_space<vmem>>[vector<16xi32>, vector<16xi32>], vector<16xf32>,
        %add3A_1405 = arith.addf %gather3A_1402, %gather3A_1403 : vector<16xf32>
        %mul3A_1406 = arith.constant 5.000000e-01 : f32
        %mul3A_1407 = vector.broadcast %mul3A_1406 : f32 to vector<16xf32>
        %mul3A_1408 = arith.mulf %mul3A_1407, %add3A_1405 : vector<16xf32>
        %sub3A_1409 = arith.subf %mul3A_1408, %gather3A_1404 : vector<16xf32>
        %mul3A_1410 = arith.mulf %sub3A_1409, %sub3A_1409 : vector<16xf32>
        %add3A_1411 = arith.addf %add3A_1307, %mul3A_1410 : vector<16xf32>
        %mul3A_1412 = arith.mulf %add3A_1405, %gather3A_1317 : vector<16xf32>
        %add3A_1413 = arith.addf %add3A_1309, %mul3A_1412 : vector<16xf32>
        scf.yield %add3A_1327, %add3A_1329, %add3A_1339, %add3A_1341, %add3A_1351, %add3A_1353, %add3A_1363, %add3A_1365, %add3A_1375, %add3A_1377, %add3A_1387, %add3A_1389, %add3A_1399, %add3A_1401, %add3A_1411, %add3A_1413 : vector<16xf32>, vector<16xf32>, vector<16xf32>, vector<16xf32>, vector<16xf32>, vector<16xf32>, vector<16xf32>, vector<16xf32>, vector<16xf32>, vector<16xf32>, vector<16xf32>, vector<16xf32>, vector<16xf32>, vector<16xf32>, vector<16xf32>, vector<16xf32>
      }
      %scan3A_645 = arith.constant 128 : i32
      %add3A_646 = arith.constant 9.99999996E-13 : f32
      %add3A_647 = vector.broadcast %add3A_646 : f32 to vector<16xf32>
      %add3A_648 = arith.addf %scan3A_644#0, %add3A_647 : vector<16xf32>
      %bitcast3A_649 = vector.bitcast %add3A_648 : vector<16xf32> to vector<16xi32>
      %broadcast_in_dim3A_650 = arith.constant 1597463007 : i32
      %broadcast_in_dim3A_651 = vector.broadcast %broadcast_in_dim3A_650 : i32 to vector<16xi32>
      %shift_right_arithmetic3A_652 = arith.constant 1 : i32
      %shift_right_arithmetic3A_653 = vector.broadcast %shift_right_arithmetic3A_652 : i32 to vector<16xi32>
      %shift_right_arithmetic3A_654 = arith.shrsi %bitcast3A_649, %shift_right_arithmetic3A_653 : vector<16xi32>
      %sub3A_655 = arith.subi %broadcast_in_dim3A_651, %shift_right_arithmetic3A_654 : vector<16xi32>
      %bitcast3A_656 = vector.bitcast %sub3A_655 : vector<16xi32> to vector<16xf32>
      %mul3A_657 = arith.constant 5.000000e-01 : f32
      %mul3A_658 = vector.broadcast %mul3A_657 : f32 to vector<16xf32>
      %mul3A_659 = arith.mulf %mul3A_658, %add3A_648 : vector<16xf32>
      %mul3A_660 = arith.mulf %mul3A_659, %bitcast3A_656 : vector<16xf32>
      %mul3A_661 = arith.mulf %mul3A_660, %bitcast3A_656 : vector<16xf32>
      %sub3A_662 = arith.constant 1.500000e+00 : f32
      %sub3A_663 = vector.broadcast %sub3A_662 : f32 to vector<16xf32>
      %sub3A_664 = arith.subf %sub3A_663, %mul3A_661 : vector<16xf32>
      %mul3A_665 = arith.mulf %bitcast3A_656, %sub3A_664 : vector<16xf32>
      %mul3A_666 = arith.constant 5.000000e-01 : f32
      %mul3A_667 = vector.broadcast %mul3A_666 : f32 to vector<16xf32>
      %mul3A_668 = arith.mulf %mul3A_667, %add3A_648 : vector<16xf32>
      %mul3A_669 = arith.mulf %mul3A_668, %mul3A_665 : vector<16xf32>
      %mul3A_670 = arith.mulf %mul3A_669, %mul3A_665 : vector<16xf32>
      %sub3A_671 = arith.constant 1.500000e+00 : f32
      %sub3A_672 = vector.broadcast %sub3A_671 : f32 to vector<16xf32>
      %sub3A_673 = arith.subf %sub3A_672, %mul3A_670 : vector<16xf32>
      %mul3A_674 = arith.mulf %mul3A_665, %sub3A_673 : vector<16xf32>
      %mul3A_675 = arith.constant 5.000000e-01 : f32
      %mul3A_676 = vector.broadcast %mul3A_675 : f32 to vector<16xf32>
      %mul3A_677 = arith.mulf %mul3A_676, %add3A_648 : vector<16xf32>
      %mul3A_678 = arith.mulf %mul3A_677, %mul3A_674 : vector<16xf32>
      %mul3A_679 = arith.mulf %mul3A_678, %mul3A_674 : vector<16xf32>
      %sub3A_680 = arith.constant 1.500000e+00 : f32
      %sub3A_681 = vector.broadcast %sub3A_680 : f32 to vector<16xf32>
      %sub3A_682 = arith.subf %sub3A_681, %mul3A_679 : vector<16xf32>
      %mul3A_683 = arith.mulf %mul3A_674, %sub3A_682 : vector<16xf32>
      %mul3A_684 = arith.mulf %add3A_648, %mul3A_683 : vector<16xf32>
      %sub3A_685 = arith.subf %scan3A_644#1, %mul3A_684 : vector<16xf32>
      %swap3A_686 = arith.constant 0 : index
      %swap3A_687 = tpu.vector_load %arg18[%swap3A_686] {strides = array<i32>} : memref<128xf32, #tpu.memory_space<vmem>>, vector<16xf32>,
      tpu.vector_store %arg18[%swap3A_686], %sub3A_685 {strides = array<i32>} : memref<128xf32, #tpu.memory_space<vmem>>, vector<16xf32>,
      %add3A_688 = arith.constant 9.99999996E-13 : f32
      %add3A_689 = vector.broadcast %add3A_688 : f32 to vector<16xf32>
      %add3A_690 = arith.addf %scan3A_644#2, %add3A_689 : vector<16xf32>
      %bitcast3A_691 = vector.bitcast %add3A_690 : vector<16xf32> to vector<16xi32>
      %broadcast_in_dim3A_692 = arith.constant 1597463007 : i32
      %broadcast_in_dim3A_693 = vector.broadcast %broadcast_in_dim3A_692 : i32 to vector<16xi32>
      %shift_right_arithmetic3A_694 = arith.constant 1 : i32
      %shift_right_arithmetic3A_695 = vector.broadcast %shift_right_arithmetic3A_694 : i32 to vector<16xi32>
      %shift_right_arithmetic3A_696 = arith.shrsi %bitcast3A_691, %shift_right_arithmetic3A_695 : vector<16xi32>
      %sub3A_697 = arith.subi %broadcast_in_dim3A_693, %shift_right_arithmetic3A_696 : vector<16xi32>
      %bitcast3A_698 = vector.bitcast %sub3A_697 : vector<16xi32> to vector<16xf32>
      %mul3A_699 = arith.constant 5.000000e-01 : f32
      %mul3A_700 = vector.broadcast %mul3A_699 : f32 to vector<16xf32>
      %mul3A_701 = arith.mulf %mul3A_700, %add3A_690 : vector<16xf32>
      %mul3A_702 = arith.mulf %mul3A_701, %bitcast3A_698 : vector<16xf32>
      %mul3A_703 = arith.mulf %mul3A_702, %bitcast3A_698 : vector<16xf32>
      %sub3A_704 = arith.constant 1.500000e+00 : f32
      %sub3A_705 = vector.broadcast %sub3A_704 : f32 to vector<16xf32>
      %sub3A_706 = arith.subf %sub3A_705, %mul3A_703 : vector<16xf32>
      %mul3A_707 = arith.mulf %bitcast3A_698, %sub3A_706 : vector<16xf32>
      %mul3A_708 = arith.constant 5.000000e-01 : f32
      %mul3A_709 = vector.broadcast %mul3A_708 : f32 to vector<16xf32>
      %mul3A_710 = arith.mulf %mul3A_709, %add3A_690 : vector<16xf32>
      %mul3A_711 = arith.mulf %mul3A_710, %mul3A_707 : vector<16xf32>
      %mul3A_712 = arith.mulf %mul3A_711, %mul3A_707 : vector<16xf32>
      %sub3A_713 = arith.constant 1.500000e+00 : f32
      %sub3A_714 = vector.broadcast %sub3A_713 : f32 to vector<16xf32>
      %sub3A_715 = arith.subf %sub3A_714, %mul3A_712 : vector<16xf32>
      %mul3A_716 = arith.mulf %mul3A_707, %sub3A_715 : vector<16xf32>
      %mul3A_717 = arith.constant 5.000000e-01 : f32
      %mul3A_718 = vector.broadcast %mul3A_717 : f32 to vector<16xf32>
      %mul3A_719 = arith.mulf %mul3A_718, %add3A_690 : vector<16xf32>
      %mul3A_720 = arith.mulf %mul3A_719, %mul3A_716 : vector<16xf32>
      %mul3A_721 = arith.mulf %mul3A_720, %mul3A_716 : vector<16xf32>
      %sub3A_722 = arith.constant 1.500000e+00 : f32
      %sub3A_723 = vector.broadcast %sub3A_722 : f32 to vector<16xf32>
      %sub3A_724 = arith.subf %sub3A_723, %mul3A_721 : vector<16xf32>
      %mul3A_725 = arith.mulf %mul3A_716, %sub3A_724 : vector<16xf32>
      %mul3A_726 = arith.mulf %add3A_690, %mul3A_725 : vector<16xf32>
      %sub3A_727 = arith.subf %scan3A_644#3, %mul3A_726 : vector<16xf32>
      %swap3A_728 = arith.constant 16 : index
      %swap3A_729 = tpu.vector_load %arg18[%swap3A_728] {strides = array<i32>} : memref<128xf32, #tpu.memory_space<vmem>>, vector<16xf32>,
      tpu.vector_store %arg18[%swap3A_728], %sub3A_727 {strides = array<i32>} : memref<128xf32, #tpu.memory_space<vmem>>, vector<16xf32>,
      %add3A_730 = arith.constant 9.99999996E-13 : f32
      %add3A_731 = vector.broadcast %add3A_730 : f32 to vector<16xf32>
      %add3A_732 = arith.addf %scan3A_644#4, %add3A_731 : vector<16xf32>
      %bitcast3A_733 = vector.bitcast %add3A_732 : vector<16xf32> to vector<16xi32>
      %broadcast_in_dim3A_734 = arith.constant 1597463007 : i32
      %broadcast_in_dim3A_735 = vector.broadcast %broadcast_in_dim3A_734 : i32 to vector<16xi32>
      %shift_right_arithmetic3A_736 = arith.constant 1 : i32
      %shift_right_arithmetic3A_737 = vector.broadcast %shift_right_arithmetic3A_736 : i32 to vector<16xi32>
      %shift_right_arithmetic3A_738 = arith.shrsi %bitcast3A_733, %shift_right_arithmetic3A_737 : vector<16xi32>
      %sub3A_739 = arith.subi %broadcast_in_dim3A_735, %shift_right_arithmetic3A_738 : vector<16xi32>
      %bitcast3A_740 = vector.bitcast %sub3A_739 : vector<16xi32> to vector<16xf32>
      %mul3A_741 = arith.constant 5.000000e-01 : f32
      %mul3A_742 = vector.broadcast %mul3A_741 : f32 to vector<16xf32>
      %mul3A_743 = arith.mulf %mul3A_742, %add3A_732 : vector<16xf32>
      %mul3A_744 = arith.mulf %mul3A_743, %bitcast3A_740 : vector<16xf32>
      %mul3A_745 = arith.mulf %mul3A_744, %bitcast3A_740 : vector<16xf32>
      %sub3A_746 = arith.constant 1.500000e+00 : f32
      %sub3A_747 = vector.broadcast %sub3A_746 : f32 to vector<16xf32>
      %sub3A_748 = arith.subf %sub3A_747, %mul3A_745 : vector<16xf32>
      %mul3A_749 = arith.mulf %bitcast3A_740, %sub3A_748 : vector<16xf32>
      %mul3A_750 = arith.constant 5.000000e-01 : f32
      %mul3A_751 = vector.broadcast %mul3A_750 : f32 to vector<16xf32>
      %mul3A_752 = arith.mulf %mul3A_751, %add3A_732 : vector<16xf32>
      %mul3A_753 = arith.mulf %mul3A_752, %mul3A_749 : vector<16xf32>
      %mul3A_754 = arith.mulf %mul3A_753, %mul3A_749 : vector<16xf32>
      %sub3A_755 = arith.constant 1.500000e+00 : f32
      %sub3A_756 = vector.broadcast %sub3A_755 : f32 to vector<16xf32>
      %sub3A_757 = arith.subf %sub3A_756, %mul3A_754 : vector<16xf32>
      %mul3A_758 = arith.mulf %mul3A_749, %sub3A_757 : vector<16xf32>
      %mul3A_759 = arith.constant 5.000000e-01 : f32
      %mul3A_760 = vector.broadcast %mul3A_759 : f32 to vector<16xf32>
      %mul3A_761 = arith.mulf %mul3A_760, %add3A_732 : vector<16xf32>
      %mul3A_762 = arith.mulf %mul3A_761, %mul3A_758 : vector<16xf32>
      %mul3A_763 = arith.mulf %mul3A_762, %mul3A_758 : vector<16xf32>
      %sub3A_764 = arith.constant 1.500000e+00 : f32
      %sub3A_765 = vector.broadcast %sub3A_764 : f32 to vector<16xf32>
      %sub3A_766 = arith.subf %sub3A_765, %mul3A_763 : vector<16xf32>
      %mul3A_767 = arith.mulf %mul3A_758, %sub3A_766 : vector<16xf32>
      %mul3A_768 = arith.mulf %add3A_732, %mul3A_767 : vector<16xf32>
      %sub3A_769 = arith.subf %scan3A_644#5, %mul3A_768 : vector<16xf32>
      %swap3A_770 = arith.constant 32 : index
      %swap3A_771 = tpu.vector_load %arg18[%swap3A_770] {strides = array<i32>} : memref<128xf32, #tpu.memory_space<vmem>>, vector<16xf32>,
      tpu.vector_store %arg18[%swap3A_770], %sub3A_769 {strides = array<i32>} : memref<128xf32, #tpu.memory_space<vmem>>, vector<16xf32>,
      %add3A_772 = arith.constant 9.99999996E-13 : f32
      %add3A_773 = vector.broadcast %add3A_772 : f32 to vector<16xf32>
      %add3A_774 = arith.addf %scan3A_644#6, %add3A_773 : vector<16xf32>
      %bitcast3A_775 = vector.bitcast %add3A_774 : vector<16xf32> to vector<16xi32>
      %broadcast_in_dim3A_776 = arith.constant 1597463007 : i32
      %broadcast_in_dim3A_777 = vector.broadcast %broadcast_in_dim3A_776 : i32 to vector<16xi32>
      %shift_right_arithmetic3A_778 = arith.constant 1 : i32
      %shift_right_arithmetic3A_779 = vector.broadcast %shift_right_arithmetic3A_778 : i32 to vector<16xi32>
      %shift_right_arithmetic3A_780 = arith.shrsi %bitcast3A_775, %shift_right_arithmetic3A_779 : vector<16xi32>
      %sub3A_781 = arith.subi %broadcast_in_dim3A_777, %shift_right_arithmetic3A_780 : vector<16xi32>
      %bitcast3A_782 = vector.bitcast %sub3A_781 : vector<16xi32> to vector<16xf32>
      %mul3A_783 = arith.constant 5.000000e-01 : f32
      %mul3A_784 = vector.broadcast %mul3A_783 : f32 to vector<16xf32>
      %mul3A_785 = arith.mulf %mul3A_784, %add3A_774 : vector<16xf32>
      %mul3A_786 = arith.mulf %mul3A_785, %bitcast3A_782 : vector<16xf32>
      %mul3A_787 = arith.mulf %mul3A_786, %bitcast3A_782 : vector<16xf32>
      %sub3A_788 = arith.constant 1.500000e+00 : f32
      %sub3A_789 = vector.broadcast %sub3A_788 : f32 to vector<16xf32>
      %sub3A_790 = arith.subf %sub3A_789, %mul3A_787 : vector<16xf32>
      %mul3A_791 = arith.mulf %bitcast3A_782, %sub3A_790 : vector<16xf32>
      %mul3A_792 = arith.constant 5.000000e-01 : f32
      %mul3A_793 = vector.broadcast %mul3A_792 : f32 to vector<16xf32>
      %mul3A_794 = arith.mulf %mul3A_793, %add3A_774 : vector<16xf32>
      %mul3A_795 = arith.mulf %mul3A_794, %mul3A_791 : vector<16xf32>
      %mul3A_796 = arith.mulf %mul3A_795, %mul3A_791 : vector<16xf32>
      %sub3A_797 = arith.constant 1.500000e+00 : f32
      %sub3A_798 = vector.broadcast %sub3A_797 : f32 to vector<16xf32>
      %sub3A_799 = arith.subf %sub3A_798, %mul3A_796 : vector<16xf32>
      %mul3A_800 = arith.mulf %mul3A_791, %sub3A_799 : vector<16xf32>
      %mul3A_801 = arith.constant 5.000000e-01 : f32
      %mul3A_802 = vector.broadcast %mul3A_801 : f32 to vector<16xf32>
      %mul3A_803 = arith.mulf %mul3A_802, %add3A_774 : vector<16xf32>
      %mul3A_804 = arith.mulf %mul3A_803, %mul3A_800 : vector<16xf32>
      %mul3A_805 = arith.mulf %mul3A_804, %mul3A_800 : vector<16xf32>
      %sub3A_806 = arith.constant 1.500000e+00 : f32
      %sub3A_807 = vector.broadcast %sub3A_806 : f32 to vector<16xf32>
      %sub3A_808 = arith.subf %sub3A_807, %mul3A_805 : vector<16xf32>
      %mul3A_809 = arith.mulf %mul3A_800, %sub3A_808 : vector<16xf32>
      %mul3A_810 = arith.mulf %add3A_774, %mul3A_809 : vector<16xf32>
      %sub3A_811 = arith.subf %scan3A_644#7, %mul3A_810 : vector<16xf32>
      %swap3A_812 = arith.constant 48 : index
      %swap3A_813 = tpu.vector_load %arg18[%swap3A_812] {strides = array<i32>} : memref<128xf32, #tpu.memory_space<vmem>>, vector<16xf32>,
      tpu.vector_store %arg18[%swap3A_812], %sub3A_811 {strides = array<i32>} : memref<128xf32, #tpu.memory_space<vmem>>, vector<16xf32>,
      %add3A_814 = arith.constant 9.99999996E-13 : f32
      %add3A_815 = vector.broadcast %add3A_814 : f32 to vector<16xf32>
      %add3A_816 = arith.addf %scan3A_644#8, %add3A_815 : vector<16xf32>
      %bitcast3A_817 = vector.bitcast %add3A_816 : vector<16xf32> to vector<16xi32>
      %broadcast_in_dim3A_818 = arith.constant 1597463007 : i32
      %broadcast_in_dim3A_819 = vector.broadcast %broadcast_in_dim3A_818 : i32 to vector<16xi32>
      %shift_right_arithmetic3A_820 = arith.constant 1 : i32
      %shift_right_arithmetic3A_821 = vector.broadcast %shift_right_arithmetic3A_820 : i32 to vector<16xi32>
      %shift_right_arithmetic3A_822 = arith.shrsi %bitcast3A_817, %shift_right_arithmetic3A_821 : vector<16xi32>
      %sub3A_823 = arith.subi %broadcast_in_dim3A_819, %shift_right_arithmetic3A_822 : vector<16xi32>
      %bitcast3A_824 = vector.bitcast %sub3A_823 : vector<16xi32> to vector<16xf32>
      %mul3A_825 = arith.constant 5.000000e-01 : f32
      %mul3A_826 = vector.broadcast %mul3A_825 : f32 to vector<16xf32>
      %mul3A_827 = arith.mulf %mul3A_826, %add3A_816 : vector<16xf32>
      %mul3A_828 = arith.mulf %mul3A_827, %bitcast3A_824 : vector<16xf32>
      %mul3A_829 = arith.mulf %mul3A_828, %bitcast3A_824 : vector<16xf32>
      %sub3A_830 = arith.constant 1.500000e+00 : f32
      %sub3A_831 = vector.broadcast %sub3A_830 : f32 to vector<16xf32>
      %sub3A_832 = arith.subf %sub3A_831, %mul3A_829 : vector<16xf32>
      %mul3A_833 = arith.mulf %bitcast3A_824, %sub3A_832 : vector<16xf32>
      %mul3A_834 = arith.constant 5.000000e-01 : f32
      %mul3A_835 = vector.broadcast %mul3A_834 : f32 to vector<16xf32>
      %mul3A_836 = arith.mulf %mul3A_835, %add3A_816 : vector<16xf32>
      %mul3A_837 = arith.mulf %mul3A_836, %mul3A_833 : vector<16xf32>
      %mul3A_838 = arith.mulf %mul3A_837, %mul3A_833 : vector<16xf32>
      %sub3A_839 = arith.constant 1.500000e+00 : f32
      %sub3A_840 = vector.broadcast %sub3A_839 : f32 to vector<16xf32>
      %sub3A_841 = arith.subf %sub3A_840, %mul3A_838 : vector<16xf32>
      %mul3A_842 = arith.mulf %mul3A_833, %sub3A_841 : vector<16xf32>
      %mul3A_843 = arith.constant 5.000000e-01 : f32
      %mul3A_844 = vector.broadcast %mul3A_843 : f32 to vector<16xf32>
      %mul3A_845 = arith.mulf %mul3A_844, %add3A_816 : vector<16xf32>
      %mul3A_846 = arith.mulf %mul3A_845, %mul3A_842 : vector<16xf32>
      %mul3A_847 = arith.mulf %mul3A_846, %mul3A_842 : vector<16xf32>
      %sub3A_848 = arith.constant 1.500000e+00 : f32
      %sub3A_849 = vector.broadcast %sub3A_848 : f32 to vector<16xf32>
      %sub3A_850 = arith.subf %sub3A_849, %mul3A_847 : vector<16xf32>
      %mul3A_851 = arith.mulf %mul3A_842, %sub3A_850 : vector<16xf32>
      %mul3A_852 = arith.mulf %add3A_816, %mul3A_851 : vector<16xf32>
      %sub3A_853 = arith.subf %scan3A_644#9, %mul3A_852 : vector<16xf32>
      %swap3A_854 = arith.constant 64 : index
      %swap3A_855 = tpu.vector_load %arg18[%swap3A_854] {strides = array<i32>} : memref<128xf32, #tpu.memory_space<vmem>>, vector<16xf32>,
      tpu.vector_store %arg18[%swap3A_854], %sub3A_853 {strides = array<i32>} : memref<128xf32, #tpu.memory_space<vmem>>, vector<16xf32>,
      %add3A_856 = arith.constant 9.99999996E-13 : f32
      %add3A_857 = vector.broadcast %add3A_856 : f32 to vector<16xf32>
      %add3A_858 = arith.addf %scan3A_644#10, %add3A_857 : vector<16xf32>
      %bitcast3A_859 = vector.bitcast %add3A_858 : vector<16xf32> to vector<16xi32>
      %broadcast_in_dim3A_860 = arith.constant 1597463007 : i32
      %broadcast_in_dim3A_861 = vector.broadcast %broadcast_in_dim3A_860 : i32 to vector<16xi32>
      %shift_right_arithmetic3A_862 = arith.constant 1 : i32
      %shift_right_arithmetic3A_863 = vector.broadcast %shift_right_arithmetic3A_862 : i32 to vector<16xi32>
      %shift_right_arithmetic3A_864 = arith.shrsi %bitcast3A_859, %shift_right_arithmetic3A_863 : vector<16xi32>
      %sub3A_865 = arith.subi %broadcast_in_dim3A_861, %shift_right_arithmetic3A_864 : vector<16xi32>
      %bitcast3A_866 = vector.bitcast %sub3A_865 : vector<16xi32> to vector<16xf32>
      %mul3A_867 = arith.constant 5.000000e-01 : f32
      %mul3A_868 = vector.broadcast %mul3A_867 : f32 to vector<16xf32>
      %mul3A_869 = arith.mulf %mul3A_868, %add3A_858 : vector<16xf32>
      %mul3A_870 = arith.mulf %mul3A_869, %bitcast3A_866 : vector<16xf32>
      %mul3A_871 = arith.mulf %mul3A_870, %bitcast3A_866 : vector<16xf32>
      %sub3A_872 = arith.constant 1.500000e+00 : f32
      %sub3A_873 = vector.broadcast %sub3A_872 : f32 to vector<16xf32>
      %sub3A_874 = arith.subf %sub3A_873, %mul3A_871 : vector<16xf32>
      %mul3A_875 = arith.mulf %bitcast3A_866, %sub3A_874 : vector<16xf32>
      %mul3A_876 = arith.constant 5.000000e-01 : f32
      %mul3A_877 = vector.broadcast %mul3A_876 : f32 to vector<16xf32>
      %mul3A_878 = arith.mulf %mul3A_877, %add3A_858 : vector<16xf32>
      %mul3A_879 = arith.mulf %mul3A_878, %mul3A_875 : vector<16xf32>
      %mul3A_880 = arith.mulf %mul3A_879, %mul3A_875 : vector<16xf32>
      %sub3A_881 = arith.constant 1.500000e+00 : f32
      %sub3A_882 = vector.broadcast %sub3A_881 : f32 to vector<16xf32>
      %sub3A_883 = arith.subf %sub3A_882, %mul3A_880 : vector<16xf32>
      %mul3A_884 = arith.mulf %mul3A_875, %sub3A_883 : vector<16xf32>
      %mul3A_885 = arith.constant 5.000000e-01 : f32
      %mul3A_886 = vector.broadcast %mul3A_885 : f32 to vector<16xf32>
      %mul3A_887 = arith.mulf %mul3A_886, %add3A_858 : vector<16xf32>
      %mul3A_888 = arith.mulf %mul3A_887, %mul3A_884 : vector<16xf32>
      %mul3A_889 = arith.mulf %mul3A_888, %mul3A_884 : vector<16xf32>
      %sub3A_890 = arith.constant 1.500000e+00 : f32
      %sub3A_891 = vector.broadcast %sub3A_890 : f32 to vector<16xf32>
      %sub3A_892 = arith.subf %sub3A_891, %mul3A_889 : vector<16xf32>
      %mul3A_893 = arith.mulf %mul3A_884, %sub3A_892 : vector<16xf32>
      %mul3A_894 = arith.mulf %add3A_858, %mul3A_893 : vector<16xf32>
      %sub3A_895 = arith.subf %scan3A_644#11, %mul3A_894 : vector<16xf32>
      %swap3A_896 = arith.constant 80 : index
      %swap3A_897 = tpu.vector_load %arg18[%swap3A_896] {strides = array<i32>} : memref<128xf32, #tpu.memory_space<vmem>>, vector<16xf32>,
      tpu.vector_store %arg18[%swap3A_896], %sub3A_895 {strides = array<i32>} : memref<128xf32, #tpu.memory_space<vmem>>, vector<16xf32>,
      %add3A_898 = arith.constant 9.99999996E-13 : f32
      %add3A_899 = vector.broadcast %add3A_898 : f32 to vector<16xf32>
      %add3A_900 = arith.addf %scan3A_644#12, %add3A_899 : vector<16xf32>
      %bitcast3A_901 = vector.bitcast %add3A_900 : vector<16xf32> to vector<16xi32>
      %broadcast_in_dim3A_902 = arith.constant 1597463007 : i32
      %broadcast_in_dim3A_903 = vector.broadcast %broadcast_in_dim3A_902 : i32 to vector<16xi32>
      %shift_right_arithmetic3A_904 = arith.constant 1 : i32
      %shift_right_arithmetic3A_905 = vector.broadcast %shift_right_arithmetic3A_904 : i32 to vector<16xi32>
      %shift_right_arithmetic3A_906 = arith.shrsi %bitcast3A_901, %shift_right_arithmetic3A_905 : vector<16xi32>
      %sub3A_907 = arith.subi %broadcast_in_dim3A_903, %shift_right_arithmetic3A_906 : vector<16xi32>
      %bitcast3A_908 = vector.bitcast %sub3A_907 : vector<16xi32> to vector<16xf32>
      %mul3A_909 = arith.constant 5.000000e-01 : f32
      %mul3A_910 = vector.broadcast %mul3A_909 : f32 to vector<16xf32>
      %mul3A_911 = arith.mulf %mul3A_910, %add3A_900 : vector<16xf32>
      %mul3A_912 = arith.mulf %mul3A_911, %bitcast3A_908 : vector<16xf32>
      %mul3A_913 = arith.mulf %mul3A_912, %bitcast3A_908 : vector<16xf32>
      %sub3A_914 = arith.constant 1.500000e+00 : f32
      %sub3A_915 = vector.broadcast %sub3A_914 : f32 to vector<16xf32>
      %sub3A_916 = arith.subf %sub3A_915, %mul3A_913 : vector<16xf32>
      %mul3A_917 = arith.mulf %bitcast3A_908, %sub3A_916 : vector<16xf32>
      %mul3A_918 = arith.constant 5.000000e-01 : f32
      %mul3A_919 = vector.broadcast %mul3A_918 : f32 to vector<16xf32>
      %mul3A_920 = arith.mulf %mul3A_919, %add3A_900 : vector<16xf32>
      %mul3A_921 = arith.mulf %mul3A_920, %mul3A_917 : vector<16xf32>
      %mul3A_922 = arith.mulf %mul3A_921, %mul3A_917 : vector<16xf32>
      %sub3A_923 = arith.constant 1.500000e+00 : f32
      %sub3A_924 = vector.broadcast %sub3A_923 : f32 to vector<16xf32>
      %sub3A_925 = arith.subf %sub3A_924, %mul3A_922 : vector<16xf32>
      %mul3A_926 = arith.mulf %mul3A_917, %sub3A_925 : vector<16xf32>
      %mul3A_927 = arith.constant 5.000000e-01 : f32
      %mul3A_928 = vector.broadcast %mul3A_927 : f32 to vector<16xf32>
      %mul3A_929 = arith.mulf %mul3A_928, %add3A_900 : vector<16xf32>
      %mul3A_930 = arith.mulf %mul3A_929, %mul3A_926 : vector<16xf32>
      %mul3A_931 = arith.mulf %mul3A_930, %mul3A_926 : vector<16xf32>
      %sub3A_932 = arith.constant 1.500000e+00 : f32
      %sub3A_933 = vector.broadcast %sub3A_932 : f32 to vector<16xf32>
      %sub3A_934 = arith.subf %sub3A_933, %mul3A_931 : vector<16xf32>
      %mul3A_935 = arith.mulf %mul3A_926, %sub3A_934 : vector<16xf32>
      %mul3A_936 = arith.mulf %add3A_900, %mul3A_935 : vector<16xf32>
      %sub3A_937 = arith.subf %scan3A_644#13, %mul3A_936 : vector<16xf32>
      %swap3A_938 = arith.constant 96 : index
      %swap3A_939 = tpu.vector_load %arg18[%swap3A_938] {strides = array<i32>} : memref<128xf32, #tpu.memory_space<vmem>>, vector<16xf32>,
      tpu.vector_store %arg18[%swap3A_938], %sub3A_937 {strides = array<i32>} : memref<128xf32, #tpu.memory_space<vmem>>, vector<16xf32>,
      %add3A_940 = arith.constant 9.99999996E-13 : f32
      %add3A_941 = vector.broadcast %add3A_940 : f32 to vector<16xf32>
      %add3A_942 = arith.addf %scan3A_644#14, %add3A_941 : vector<16xf32>
      %bitcast3A_943 = vector.bitcast %add3A_942 : vector<16xf32> to vector<16xi32>
      %broadcast_in_dim3A_944 = arith.constant 1597463007 : i32
      %broadcast_in_dim3A_945 = vector.broadcast %broadcast_in_dim3A_944 : i32 to vector<16xi32>
      %shift_right_arithmetic3A_946 = arith.constant 1 : i32
      %shift_right_arithmetic3A_947 = vector.broadcast %shift_right_arithmetic3A_946 : i32 to vector<16xi32>
      %shift_right_arithmetic3A_948 = arith.shrsi %bitcast3A_943, %shift_right_arithmetic3A_947 : vector<16xi32>
      %sub3A_949 = arith.subi %broadcast_in_dim3A_945, %shift_right_arithmetic3A_948 : vector<16xi32>
      %bitcast3A_950 = vector.bitcast %sub3A_949 : vector<16xi32> to vector<16xf32>
      %mul3A_951 = arith.constant 5.000000e-01 : f32
      %mul3A_952 = vector.broadcast %mul3A_951 : f32 to vector<16xf32>
      %mul3A_953 = arith.mulf %mul3A_952, %add3A_942 : vector<16xf32>
      %mul3A_954 = arith.mulf %mul3A_953, %bitcast3A_950 : vector<16xf32>
      %mul3A_955 = arith.mulf %mul3A_954, %bitcast3A_950 : vector<16xf32>
      %sub3A_956 = arith.constant 1.500000e+00 : f32
      %sub3A_957 = vector.broadcast %sub3A_956 : f32 to vector<16xf32>
      %sub3A_958 = arith.subf %sub3A_957, %mul3A_955 : vector<16xf32>
      %mul3A_959 = arith.mulf %bitcast3A_950, %sub3A_958 : vector<16xf32>
      %mul3A_960 = arith.constant 5.000000e-01 : f32
      %mul3A_961 = vector.broadcast %mul3A_960 : f32 to vector<16xf32>
      %mul3A_962 = arith.mulf %mul3A_961, %add3A_942 : vector<16xf32>
      %mul3A_963 = arith.mulf %mul3A_962, %mul3A_959 : vector<16xf32>
      %mul3A_964 = arith.mulf %mul3A_963, %mul3A_959 : vector<16xf32>
      %sub3A_965 = arith.constant 1.500000e+00 : f32
      %sub3A_966 = vector.broadcast %sub3A_965 : f32 to vector<16xf32>
      %sub3A_967 = arith.subf %sub3A_966, %mul3A_964 : vector<16xf32>
      %mul3A_968 = arith.mulf %mul3A_959, %sub3A_967 : vector<16xf32>
      %mul3A_969 = arith.constant 5.000000e-01 : f32
      %mul3A_970 = vector.broadcast %mul3A_969 : f32 to vector<16xf32>
      %mul3A_971 = arith.mulf %mul3A_970, %add3A_942 : vector<16xf32>
      %mul3A_972 = arith.mulf %mul3A_971, %mul3A_968 : vector<16xf32>
      %mul3A_973 = arith.mulf %mul3A_972, %mul3A_968 : vector<16xf32>
      %sub3A_974 = arith.constant 1.500000e+00 : f32
      %sub3A_975 = vector.broadcast %sub3A_974 : f32 to vector<16xf32>
      %sub3A_976 = arith.subf %sub3A_975, %mul3A_973 : vector<16xf32>
      %mul3A_977 = arith.mulf %mul3A_968, %sub3A_976 : vector<16xf32>
      %mul3A_978 = arith.mulf %add3A_942, %mul3A_977 : vector<16xf32>
      %sub3A_979 = arith.subf %scan3A_644#15, %mul3A_978 : vector<16xf32>
      %swap3A_980 = arith.constant 112 : index
      %swap3A_981 = tpu.vector_load %arg18[%swap3A_980] {strides = array<i32>} : memref<128xf32, #tpu.memory_space<vmem>>, vector<16xf32>,
      tpu.vector_store %arg18[%swap3A_980], %sub3A_979 {strides = array<i32>} : memref<128xf32, #tpu.memory_space<vmem>>, vector<16xf32>,
      %mul3A_982 = arith.constant 128 : i32
      %mul3A_983 = arith.muli %add3A_582, %mul3A_982 : i32
      %add3A_984 = arith.addi %mul3A_2, %mul3A_983 : i32
      "tpu.region"() ({
        %run_scoped3A = tpu.sem_alloc : memref<!tpu.dma_semaphore, #tpu.memory_space<semaphore_mem>>
        %dma_start3A_985 = tpu.memref_slice %arg6[%add3A_984] : memref<204800xf32, #tpu.memory_space<hbm>> -> memref<128xf32, #tpu.memory_space<hbm>>
        %dma_start3A_986 = tpu.memref_slice %arg6[%add3A_984] : memref<204800xf32, #tpu.memory_space<hbm>> -> memref<128xf32, #tpu.memory_space<hbm>>
        tpu.enqueue_dma source(%arg18 : memref<128xf32, #tpu.memory_space<vmem>>) target(%dma_start3A_986 : memref<128xf32, #tpu.memory_space<hbm>>) target_semaphore(%run_scoped3A : memref<!tpu.dma_semaphore, #tpu.memory_space<semaphore_mem>>)
        %dma_wait3A_987 = tpu.memref_slice %arg6[%add3A_984] : memref<204800xf32, #tpu.memory_space<hbm>> -> memref<128xf32, #tpu.memory_space<hbm>>
        %dma_wait3A_988 = tpu.memref_slice %arg6[%add3A_984] : memref<204800xf32, #tpu.memory_space<hbm>> -> memref<128xf32, #tpu.memory_space<hbm>>
        tpu.wait_dma2 semaphore(%run_scoped3A : memref<!tpu.dma_semaphore, #tpu.memory_space<semaphore_mem>>) src(%arg18 : memref<128xf32, #tpu.memory_space<vmem>>) dst(%dma_wait3A_988 : memref<128xf32, #tpu.memory_space<hbm>>)
        tpu.yield
      }) : () -> ()
    }
    %scan3A_130 = arith.constant 25 : i32
    return
  }
}

</mosaic_0001>

<sc_bundles>
// kernel: kernel.3.cloned.1.call-start
scs
__scs_entry_jumppad:
0x0: {  	(pc) =	sbr.rel $0x88, $3  }
0x1: {  	(tag) =	ssettag $0x0;
	lr =	simm.s32 $0x1  }
0x2: {  	[smem:$0x3F9F] =	sst lr;
	_ =	strace $0xD0000000  }
0x3: {  	_ = 	snop  }
0x4: {  	_ = 	snop  }
0x5: {  	_ = 	snop  }
0x6: {  	_ = 	snop  }
0x7: {  	_ = 	snop  }
__scs_overlays_trampoline_lowered:
0x8: {  	[smem:$0x3FAE] =	sst s0  }
0x9: {  	[smem:$0x3FAF] =	sst s1  }
0xa: {  	[smem:$0x3FB0] =	sst s2  }
0xb: {  	[smem:$0x3FB1] =	sst s3  }
0xc: {  	[smem:$0x3FB2] =	sst s4  }
0xd: {  	[smem:$0x3FB3] =	sst s5  }
0xe: {  	[smem:$0x3FB4] =	sst s6  }
0xf: {  	[smem:$0x3FB5] =	sst s7  }
0x10: {  	[smem:$0x3FB6] =	sst s8  }
0x11: {  	[smem:$0x3FB7] =	sst s9;
	s0 =	simm.s32 @!p0 $0x0  }
0x12: {  	s1 =	sld [smem:$0x3F9D];
	s0 =	simm.s32 @p0 $0x1  }
0x13: {  	[smem:$0x3FB8] =	sst s0;
	s0 =	simm.s32 @!p1 $0x0  }
0x14: {  	s2 =	sld [smem:$0x3F9C];
	s0 =	simm.s32 @p1 $0x1  }
0x15: {  	[smem:$0x3FB9] =	sst s0;
	s0 =	simm.s32 @!p2 $0x0  }
0x16: {  	s3 =	sld [smem:$0x3FDB];
	s0 =	simm.s32 @p2 $0x1  }
0x17: {  	s4 =	simm.s32 $0x1BF5;
	[smem:$0x3FBB] =	sst s0  }
0x18: {  	s0 =	sld [smem:$0x3F9E];
	_ =	swait.ge [sflag:s4], $0x0  }
0x19: {  	s7 =	sld [smem:$0x3F9F]  }
0x1a: {  	s8 =	sadd.s32 $0xFFFFE003, lr  }
0x1b: {  	s9 =	sadd.s32 $0xFFFFFEF7, lr;
	s5 =	simm.s32 $0xFFFFFFFF;
	p2 =	slt.u32 s8, $0xFFFFF086  }
0x1c: {  	p1 =	slt.u32 s9, $0xF7A;
	s5 =	simm.s32 @!p2 $0x0  }
0x1d: {  	s5 =	simm.s32 @p1 $0x1;
	p0 =	seq.s32 s7, s2  }
0x1e: {  	s7 =	smul.u32 @!p0 $0xF7A, s2;
	p2 =	seq.s32 @!p0 s5, $0x0  }
0x1f: {  	s9 =	smul.u32 $0xF7A, s1;
	s8 =	simm.s32 @!p0 $0x1BF5;
	p2 =	por !p2, p0  }
0x20: {  	[sflag:s8] =	ssyncset.s32 @!p0 $0xFFFFF086;
	s6 =	sadd.s32 @!p0 s3, s7;
	s7 =	simm.s32 @!p0 $0x108  }
0x21: {  	s3 =	sadd.s32 s3, s9;
	s6 =	sadd.s32 @!p0 $0x88, s6;
	s7 =	simm.s32 @p2 $0x1082  }
0x22: {  	[simem:s7], [sflag:s8] =	dma.local @!p0 [hbm:s6], $0xF7A  }
0x23: {  	s9 =	sor.u32 $0xD0000000, s2;
	s6 =	simm.s32 $0x108;
	_ =	swait.ge @!p0 [sflag:s8], $0x0  }
0x24: {  	s3 =	sadd.s32 $0x88, s3;
	s6 =	simm.s32 @!p1 $0x1082;
	[sflag:s4] =	ssyncset.s32 $0xFFFFF086  }
0x25: {  	[simem:s6], [sflag:s4] =	dma.local [hbm:s3], $0xF7A  }
0x26: {  	[smem:$0x3F9F] =	sst s1;
	(tag) =	ssettag s2;
	_ =	strace s9  }
0x27: {  	s1 =	sld [smem:$0x3FAF]  }
0x28: {  	s2 =	sld [smem:$0x3FB0]  }
0x29: {  	s4 =	sld [smem:$0x3FB2]  }
0x2a: {  	p0 =	seq.s32 s5, $0x0;
	s5 =	sld [smem:$0x3FB3]  }
0x2b: {  	s6 =	sld [smem:$0x3FB4]  }
0x2c: {  	s7 =	sld [smem:$0x3FB5]  }
0x2d: {  	s3 =	simm.s32 $0x108;
	s8 =	sld [smem:$0x3FB6]  }
0x2e: {  	s3 =	simm.s32 @!p0 $0x1082;
	s9 =	sld [smem:$0x3FB7]  }
0x2f: {  	lr =	sadd.s32 s0, s3;
	s0 =	sld [smem:$0x3FAE]  }
0x30: {  	s3 =	sld [smem:$0x3FB1]  }
0x31: {  	[smem:$0x3FBA] =	sst s10  }
0x32: {  	s10 =	sld [smem:$0x3FB8];
	_ =	sdelay $0x3  }
0x33: {  	p0 =	seq.s32 s10, $0x1;
	s10 =	sld [smem:$0x3FBA];
	_ =	sdelay $0x3  }
0x34: {  	[smem:$0x3FBA] =	sst s10  }
0x35: {  	s10 =	sld [smem:$0x3FB9];
	_ =	sdelay $0x3  }
0x36: {  	p1 =	seq.s32 s10, $0x1;
	s10 =	sld [smem:$0x3FBA];
	_ =	sdelay $0x3  }
0x37: {  	[smem:$0x3FBA] =	sst s10  }
0x38: {  	s10 =	sld [smem:$0x3FBB]  }
0x39: {  	_ = 	snop;
	(pc) =	sbr.ind lr, $3  }
0x3a: {  	_ = 	snop  }
0x3b: {  	_ = 	snop  }
0x3c: {  	p2 =	seq.s32 s10, $0x1;
	s10 =	sld [smem:$0x3FBA]  }
0x3d: {  	_ =	shalt  }
0x3e: {  	_ =	shalt  }
0x3f: {  	_ =	shalt  }
0x40: {  	_ =	shalt  }
0x41: {  	_ =	shalt  }
0x42: {  	_ =	shalt  }
0x43: {  	_ =	shalt  }
0x44: {  	_ =	shalt  }
0x45: {  	_ =	shalt  }
0x46: {  	_ =	shalt  }
0x47: {  	_ =	shalt  }
0x48: {  	_ =	shalt  }
0x49: {  	_ =	shalt  }
0x4a: {  	_ =	shalt  }
0x4b: {  	_ =	shalt  }
0x4c: {  	_ =	shalt  }
0x4d: {  	_ =	shalt  }
0x4e: {  	_ =	shalt  }
0x4f: {  	_ =	shalt  }
0x50: {  	_ =	shalt  }
0x51: {  	_ =	shalt  }
0x52: {  	_ =	shalt  }
0x53: {  	_ =	shalt  }
0x54: {  	_ =	shalt  }
0x55: {  	_ =	shalt  }
0x56: {  	_ =	shalt  }
0x57: {  	_ =	shalt  }
0x58: {  	_ =	shalt  }
0x59: {  	_ =	shalt  }
0x5a: {  	_ =	shalt  }
0x5b: {  	_ =	shalt  }
0x5c: {  	_ =	shalt  }
0x5d: {  	_ =	shalt  }
0x5e: {  	_ =	shalt  }
0x5f: {  	_ =	shalt  }
0x60: {  	_ =	shalt  }
0x61: {  	_ =	shalt  }
0x62: {  	_ =	shalt  }
0x63: {  	_ =	shalt  }
0x64: {  	_ =	shalt  }
0x65: {  	_ =	shalt  }
0x66: {  	_ =	shalt  }
0x67: {  	_ =	shalt  }
0x68: {  	_ =	shalt  }
0x69: {  	_ =	shalt  }
0x6a: {  	_ =	shalt  }
0x6b: {  	_ =	shalt  }
0x6c: {  	_ =	shalt  }
0x6d: {  	_ =	shalt  }
0x6e: {  	_ =	shalt  }
0x6f: {  	_ =	shalt  }
0x70: {  	_ =	shalt  }
0x71: {  	_ =	shalt  }
0x72: {  	_ =	shalt  }
0x73: {  	_ =	shalt  }
0x74: {  	_ =	shalt  }
0x75: {  	_ =	shalt  }
0x76: {  	_ =	shalt  }
0x77: {  	_ =	shalt  }
0x78: {  	_ =	shalt  }
0x79: {  	_ =	shalt  }
0x7a: {  	_ =	shalt  }
0x7b: {  	_ =	shalt  }
0x7c: {  	_ =	shalt  }
0x7d: {  	_ =	shalt  }
0x7e: {  	_ =	shalt  }
0x7f: {  	_ =	shalt  }
0x80: {  	_ =	shalt  }
0x81: {  	_ =	shalt  }
0x82: {  	_ =	shalt  }
0x83: {  	_ =	shalt  }
0x84: {  	_ =	shalt  }
0x85: {  	_ =	shalt  }
0x86: {  	_ =	shalt  }
0x87: {  	_ =	shalt  }
.Lfunc_end0:
.L_simem_size_0:
called_computation_lowered:
.L_overlay_start_0:
0x88: {  	s2 =	sld [smem:$0x3FD9]  }
0x89: {  	s3 =	sld [smem:$0x3FFE];
	_ =	sdelay $0x1  }
0x8a: {  	s1 =	srdreg.scid  }
0x8b: {  	s0 =	sand.u32 $0x1, s1  }
0x8c: {  	s17 =	sshll.u32 s0, $0xA;
	s2 =	sadd.s32 s3, s2  }
0x8d: {  	s2 =	sadd.s32 s2, s17  }
0x8e: {  	[smem:$0x3FC6] =	sst s2  }
0x8f: {  	_ = 	snop  }
0x90: {  	s2 =	sld [smem:$0x3FC8]  }
0x91: {  	s18 =	sld [smem:$0x3FD0];
	(tm) =	ssettm $0x1  }
0x92: {  	s4 =	sld [smem:$0x3FFB];
	_ =	sdelay $0x3  }
0x93: {  	_ =	strace s4  }
0x94: {  	s4 =	sld [smem:$0x3FFC];
	_ =	sdelay $0x3  }
0x95: {  	_ =	strace s4  }
0x96: {  	s4 =	sld [smem:$0x3FFD];
	_ =	sdelay $0x3  }
0x97: {  	_ =	strace s4  }
0x98: {  	_ =	strace $0x8FFFFFFF  }
0x99: {  	s19 =	sld [smem:$0x3FDB];
	_ =	sdelay $0x1  }
0x9a: {  	s5 =	simm.s32 $_scs_section_size  }
0x9b: {  	s6 =	simm.s32 $_size__tile_overlayer_lowered;
	s7 =	simm.s32 $_tile_overlayer_lowered  }
0x9c: {  	s22 =	simm.s32 $0x1BFF;
	s21 =	sshll.u32 s7, $0x1;
	s4 =	sadd.s32 s5, s19  }
0x9d: {  	s8 =	simm.s32 $0x0;
	s20 =	sshll.u32 s6, $0x1;
	s6 =	sadd.s32 s21, s4  }
0x9e: {  	[timem:s8], [sflag:s22] =	dma.local [hbm:s6], s20  }
0x9f: {  	_ =	swait.ge [sflag:s22], s20  }
0xa0: {  	s5 =	ssub.s32 $0x0, s20;
	[sflag:s22] =	ssyncset.done $0x0  }
0xa1: {  	[sflag:s22] =	ssyncadd.s32 s5;
	_ =	sdelay $0x1  }
0xa2: {  	s23 =	simm.s32 $0x1B8B  }
0xa3: {  	_ =	swait.ge [sflag:s23], $0x1  }
0xa4: {  	[sflag:s23] =	ssyncset.done $0x0  }
0xa5: {  	s25 =	simm.s32 $0x1B8E;
	s24 =	sld [smem:$0x3FFE];
	[sflag:s23] =	ssyncadd.s32 $0xFFFFFFFF  }
0xa6: {  	s26 =	simm.s32 $execute0_lowered;
	[smem:$0x3FD2] =	sst s25  }
0xa7: {  	s6 =	sshll.u32 s26, $0x1;
	_ =	strace $0x80000046;
	[dreg:$0x1] =	wrdreg $0xFFFFFFFF  }
0xa8: {  	s28 =	simm.s32 $_size_execute0_lowered;
	s4 =	sadd.s32 s4, s6;
	[dreg:$0x0] =	wrdreg $0x0  }
0xa9: {  	s6 =	sshll.u32 s28, $0x1;
	[dreg:$0x2] =	wrdreg s4  }
0xaa: {  	[dreg:$0x3] =	wrdreg s6  }
0xab: {  	[dreg:$0x4] =	wrdreg $0xC0  }
0xac: {  	_ =	task [dreg:s8], $0x5FFFF  }
0xad: {  	[dreg:$0x1] =	wrdreg $0xFFFFFFFF  }
0xae: {  	[dreg:$0x0] =	wrdreg $0x60  }
0xaf: {  	[dreg:$0x2] =	wrdreg s24  }
0xb0: {  	[dreg:$0x3] =	wrdreg s18  }
0xb1: {  	[dreg:$0x4] =	wrdreg s2  }
0xb2: {  	[dreg:$0x5] =	wrdreg $0x9  }
0xb3: {  	_ =	task.clear_ibuf [dreg:s8], $0x6FFFF;
	_ =	strace $0x90000046  }
0xb4: {  	s29 =	simm.s32 $0x9;
	_ =	strace $0x80000048  }
0xb5: {  	_ =	swait.ge [sflag:s29], $0x1  }
0xb6: {  	[sflag:s29] =	ssyncadd.s32 $0xFFFFFFFF  }
0xb7: {  	_ =	strace $0x90000048  }
0xb8: {  	_ =	sfence  }
0xb9: {  	s30 =	sld [smem:$0x0];
	_ =	sdelay $0x2  }
0xba: {  	s31 =	sshll.u32 s1, $0xD;
	s1 =	sshrl.u32 s1, $0x2  }
0xbb: {  	s3 =	sand.u32 $0x4000, s31;
	s1 =	sadd.s32 s1, s30  }
0xbc: {  	s0 =	sor.u32 s3, s0;
	s1 =	sshll.u32 s1, $0x11  }
0xbd: {  	s0 =	sor.u32 s1, s0  }
0xbe: {  	s0 =	sadd.s32 $0x8F2B, s0  }
0xbf: {  	[sflag:s0] =	ssyncadd.remote.s32 $0x1  }
0xc0: {  	_ =	sfence.sel $0xFFFF  }
0xc1: {  	[dreg:$0x0] =	wrdreg $0xFFFFFFFF;
	(pc) =	sbr.abs _section_cstart, $3  }
0xc2: {  	[dreg:$0x1] =	wrdreg $0xFFFFFFFF  }
0xc3: {  	_ =	task.clear_ibuf [dreg:s8], $0x2FFFF;
	_ =	strace $0x9FFFFFFF  }
0xc4: {  	(tm) =	ssettm $0x7FFFFFFF  }
0xc5: {  	_ =	shalt  }
tec
execute0_lowered:
.L_overlay_start_1:
0x0: {  	(tag) =	ssettag $0x1  }
0x1: {  	s5 =	rddreg [dreg:$0x0]  }
0x2: {  	s1 =	srdreg.scid;
	s8 =	rddreg [dreg:$0x1]  }
0x3: {  	s0 =	stileid.u32;
	s2 =	rddreg [dreg:$0x2]  }
0x4: {  	s3 =	simm.s32 $0x0;
	s11 =	simm.s32 $0x3;
	s12 =	simm.s32 $0x1900  }
0x5: {  	s13 =	simm.s32 $0x3200;
	s14 =	simm.s32 $0x80;
	s15 =	simm.s32 $0x4B00  }
0x6: {  	s16 =	simm.s32 $0x8B00;
	s17 =	simm.s32 $0xCB00;
	s18 =	simm.s32 $0x10B00  }
0x7: {  	s19 =	simm.s32 $0x14B00;
	s6 =	sand.u32 $0x1, s1;
	s31 =	sshll.u32 s0, $0x1  }
0x8: {  	s20 =	simm.s32 $0x18B00;
	s21 =	simm.s32 $0x1;
	s4 =	sor.u32 s6, s31  }
0x9: {  	v0 =	vlaneseq.u32;
	s22 =	simm.s32 $0x1CC00;
	s23 =	simm.s32 $0x1CC80;
	s4 =	smul.u32 $0x1900, s4  }
0xa: {  	s24 =	simm.s32 $0x2;
	s25 =	simm.s32 $0x0;
	v1 =	vmul.u32 $0x80, v0;
	s6 =	ssub.s32 $0x2, s6  }
0xb: {  	[smem:$0x7FF] =	sst s3;
	s10 =	sshrl.u32 s6, $0x1;
	s9 =	sshrl.u32 s4, $0x3  }
0xc: {  	_ =	strace $0x80000047;
	v2 =	vor.u32 $0x800, v1;
	s10 =	ssub.s32 s6, s10;
	s7 =	sadd.s32 s9, s5  }
0xd: {  	v3 =	vor.u32 $0x1000, v1;
	v4 =	vor.u32 $0x1800, v1;
	v5 =	vor.u32 $0x2000, v1;
	s5 =	sadd.s32 $0xCE00, s5;
	s8 =	sadd.s32 s8, s9;
	s9 =	smax.u32 s10, $0x1  }
0xe: {  	v6 =	vor.u32 $0x2800, v1;
	v7 =	vor.u32 $0x3000, v1;
	v8 =	vor.u32 $0x3800, v1;
	s10 =	simm.s32 $0x1CB00;
	s6 =	sadd.s32 $0x6A00, s7;
	s7 =	sadd.s32 $0x600, s7  }
.LBB2_1:
0xf: {  	[tilespmem:s10], [sflag:$0x3] =	stream.linear.gather [hbm4b:s2+s3], $0x100, $0x38;
	[tilespmem:$0x1CD00] =	vst v63  }
0x10: {  	_ =	swait.ge [sflag:s11], $0x100  }
0x11: {  	[sflag:s11] =	ssyncset.done $0x0  }
0x12: {  	[sflag:s11] =	ssyncadd.s32 $0xFFFFFF00  }
0x13: {  	v9 =	vld [tilespmem:$0x1CB80]  }
0x14: {  	v10 =	vld [tilespmem:$0x1CB00]  }
0x15: {  	v11 =	vld [tilespmem:$0x1CB90]  }
0x16: {  	v12 =	vld [tilespmem:$0x1CB10]  }
0x17: {  	v13 =	vld [tilespmem:$0x1CBA0]  }
0x18: {  	v14 =	vld [tilespmem:$0x1CB20]  }
0x19: {  	v15 =	vld [tilespmem:$0x1CBB0]  }
0x1a: {  	v16 =	vld [tilespmem:$0x1CB30]  }
0x1b: {  	v17 =	vld [tilespmem:$0x1CBC0]  }
0x1c: {  	v18 =	vld [tilespmem:$0x1CB40]  }
0x1d: {  	v19 =	vld [tilespmem:$0x1CBD0]  }
0x1e: {  	v20 =	vld [tilespmem:$0x1CB50]  }
0x1f: {  	v21 =	vld [tilespmem:$0x1CBE0]  }
0x20: {  	v62 =	vld [tilespmem:$0x1CBF0];
	v9 =	vsub.f32 v9, v10  }
0x21: {  	v10 =	vld [tilespmem:$0x1CB60];
	v11 =	vsub.f32 v11, v12  }
0x22: {  	v63 =	vld [tilespmem:$0x1CB70];
	v13 =	vsub.f32 v13, v14;
	v9 =	vmul.f32 $5.000000000e-01, v9  }
0x23: {  	v15 =	vsub.f32 v15, v16;
	v11 =	vmul.f32 $5.000000000e-01, v11  }
0x24: {  	v13 =	vmul.f32 $5.000000000e-01, v13;
	[tilespmem:$0x1CC00] =	vst v9;
	v9 =	vsub.f32 v17, v18  }
0x25: {  	v15 =	vmul.f32 $5.000000000e-01, v15;
	[tilespmem:$0x1CC10] =	vst v11;
	v11 =	vsub.f32 v19, v20  }
0x26: {  	[tilespmem:$0x1CC20] =	vst v13;
	v10 =	vsub.f32 v21, v10;
	v9 =	vmul.f32 $5.000000000e-01, v9  }
0x27: {  	v12 =	vsub.f32 v62, v63;
	[tilespmem:$0x1CC30] =	vst v15;
	v11 =	vmul.f32 $5.000000000e-01, v11  }
0x28: {  	[tilespmem:$0x1CC40] =	vst v9;
	v9 =	vmul.f32 $5.000000000e-01, v10  }
0x29: {  	[tilespmem:$0x1CC50] =	vst v11;
	v10 =	vmul.f32 $5.000000000e-01, v12  }
0x2a: {  	[tilespmem:$0x1CC60] =	vst v9  }
0x2b: {  	[tilespmem:$0x1CC70] =	vst v10  }
0x2c: {  	[tilespmem:s3], [sflag:$0x3] =	stream.linear.gather [hbm4b:s6+s3], $0x1900, $0x38;
	[tilespmem:$0x1CD00] =	vst v63  }
0x2d: {  	_ =	swait.ge [sflag:s11], $0x1900  }
0x2e: {  	[sflag:s11] =	ssyncset.done $0x0  }
0x2f: {  	[sflag:s11] =	ssyncadd.s32 $0xFFFFE700  }
0x30: {  	[tilespmem:s12], [sflag:$0x3] =	stream.linear.gather [hbm4b:s7+s3], $0x1900, $0x38;
	[tilespmem:$0x1CD00] =	vst v63  }
0x31: {  	_ =	swait.ge [sflag:s11], $0x1900  }
0x32: {  	[sflag:s11] =	ssyncset.done $0x0  }
0x33: {  	[sflag:s11] =	ssyncadd.s32 $0xFFFFE700  }
0x34: {  	[tilespmem:s13], [sflag:$0x3] =	stream.linear.gather [hbm4b:s8+s3], $0x1900, $0x38;
	[tilespmem:$0x1CD00] =	vst v63  }
0x35: {  	_ =	swait.ge [sflag:s11], $0x1900  }
0x36: {  	[sflag:s11] =	ssyncset.done $0x0  }
0x37: {  	[sflag:s11] =	ssyncadd.s32 $0xFFFFE700  }
0x38: {  	[tilespmem:s15], [sflag:$0x1] =	stream.indirect.gather [hbm4b:s2+s14], $0x80, s3, s14, $0xb8;
	[tilespmem:$0x1CD00] =	vst v63  }
0x39: {  	_ = 	snop  }
0x3a: {  	[tilespmem:s16], [sflag:$0x1] =	stream.indirect.gather [hbm4b:s2+s14], $0x80, s12, s14, $0xb8;
	[tilespmem:$0x1CD00] =	vst v63  }
0x3b: {  	s28 =	simm.s32 $0x0  }
0x3c: {  	[tilespmem:s17], [sflag:$0x1] =	stream.indirect.gather [hbm4b:s2+s14], $0x80, s13, s14, $0xb8;
	[tilespmem:$0x1CD00] =	vst v63  }
.LBB2_2:
0x3d: {  	s29 =	sshll.u32 s28, $0x8  }
0x3e: {  	s26 =	sor.u32 $0x80, s29  }
0x3f: {  	[tilespmem:s18], [sflag:$0x2] =	stream.indirect.gather [hbm4b:s2+s14], $0x80, s26, s14, $0xb8;
	[tilespmem:$0x1CD00] =	vst v63  }
0x40: {  	s30 =	sadd.s32 $0x1980, s29  }
0x41: {  	[tilespmem:s19], [sflag:$0x2] =	stream.indirect.gather [hbm4b:s2+s14], $0x80, s30, s14, $0xb8;
	[tilespmem:$0x1CD00] =	vst v63  }
0x42: {  	s30 =	sadd.s32 $0x3280, s29  }
0x43: {  	[tilespmem:s20], [sflag:$0x2] =	stream.indirect.gather [hbm4b:s2+s14], $0x80, s30, s14, $0xb8;
	[tilespmem:$0x1CD00] =	vst v63  }
0x44: {  	_ =	swait.ge [sflag:s21], $0x4000  }
0x45: {  	[sflag:s21] =	ssyncset.done $0x0  }
0x46: {  	[sflag:s21] =	ssyncadd.s32 $0xFFFFC000  }
0x47: {  	v9 =	vimm.f32 $0.0e+00;
	_ =	swait.ge [sflag:s21], $0x4000  }
0x48: {  	v17 =	vimm.f32 $0.0e+00;
	v10 =	vimm.f32 $0.0e+00;
	v18 =	vimm.f32 $0.0e+00;
	[sflag:s21] =	ssyncset.done $0x0  }
0x49: {  	v11 =	vimm.f32 $0.0e+00;
	v19 =	vimm.f32 $0.0e+00;
	v12 =	vimm.f32 $0.0e+00;
	[sflag:s21] =	ssyncadd.s32 $0xFFFFC000  }
0x4a: {  	v20 =	vimm.f32 $0.0e+00;
	v13 =	vimm.f32 $0.0e+00;
	v22 =	vimm.f32 $0.0e+00;
	_ =	swait.ge [sflag:s21], $0x4000  }
0x4b: {  	v14 =	vimm.f32 $0.0e+00;
	v23 =	vimm.f32 $0.0e+00;
	v15 =	vimm.f32 $0.0e+00;
	[sflag:s21] =	ssyncset.done $0x0  }
0x4c: {  	v24 =	vimm.f32 $0.0e+00;
	v16 =	vimm.f32 $0.0e+00;
	v25 =	vimm.f32 $0.0e+00;
	s30 =	simm.s32 $0x0;
	[sflag:s21] =	ssyncadd.s32 $0xFFFFC000  }
.LBB2_3:
0x4d: {  	v21 =	vadd.s32 s30, v0  }
0x4e: {  	v21 =	vand.u32 $0x7F, v21  }
0x4f: {  	v26 =	vor.u32 v1, v21;
	_ =	sdelay $0x2  }
0x50: {  	v27 =	vor.u32 v2, v21  }
0x51: {  	v28 =	vld.idx.msk [tilespmem:v21+s22+$0x0], $0xffff  }
0x52: {  	v29 =	vld.idx.msk [tilespmem:v26+s15+$0x0], $0xffff  }
0x53: {  	v31 =	vor.u32 v3, v21;
	v30 =	vld.idx.msk [tilespmem:v26+s16+$0x0], $0xffff  }
0x54: {  	v26 =	vld.idx.msk [tilespmem:v26+s17+$0x0], $0xffff  }
0x55: {  	v32 =	vld.idx.msk [tilespmem:v27+s15+$0x0], $0xffff  }
0x56: {  	v34 =	vor.u32 v4, v21;
	v33 =	vld.idx.msk [tilespmem:v27+s16+$0x0], $0xffff  }
0x57: {  	v27 =	vld.idx.msk [tilespmem:v27+s17+$0x0], $0xffff  }
0x58: {  	v35 =	vld.idx.msk [tilespmem:v31+s15+$0x0], $0xffff  }
0x59: {  	v37 =	vor.u32 v5, v21;
	v36 =	vld.idx.msk [tilespmem:v31+s16+$0x0], $0xffff  }
0x5a: {  	v31 =	vld.idx.msk [tilespmem:v31+s17+$0x0], $0xffff  }
0x5b: {  	v38 =	vld.idx.msk [tilespmem:v34+s15+$0x0], $0xffff  }
0x5c: {  	v40 =	vor.u32 v6, v21;
	v39 =	vld.idx.msk [tilespmem:v34+s16+$0x0], $0xffff  }
0x5d: {  	v34 =	vld.idx.msk [tilespmem:v34+s17+$0x0], $0xffff  }
0x5e: {  	v41 =	vld.idx.msk [tilespmem:v37+s15+$0x0], $0xffff  }
0x5f: {  	v43 =	vor.u32 v7, v21;
	v42 =	vld.idx.msk [tilespmem:v37+s16+$0x0], $0xffff  }
0x60: {  	v21 =	vor.u32 v8, v21;
	v37 =	vld.idx.msk [tilespmem:v37+s17+$0x0], $0xffff  }
0x61: {  	v44 =	vld.idx.msk [tilespmem:v40+s15+$0x0], $0xffff  }
0x62: {  	v45 =	vld.idx.msk [tilespmem:v40+s16+$0x0], $0xffff  }
0x63: {  	s31 =	sadd.s32 $0x1, s30;
	v40 =	vld.idx.msk [tilespmem:v40+s17+$0x0], $0xffff  }
0x64: {  	v47 =	vadd.s32 s31, v0;
	v46 =	vld.idx.msk [tilespmem:v43+s15+$0x0], $0xffff  }
0x65: {  	v47 =	vand.u32 $0x7F, v47;
	v50 =	vld.idx.msk [tilespmem:v21+s16+$0x0], $0xffff  }
0x66: {  	v48 =	vor.u32 v1, v47;
	v51 =	vld.idx.msk [tilespmem:v21+s17+$0x0], $0xffff  }
0x67: {  	v52 =	vor.u32 v2, v47;
	v29 =	vadd.f32 v30, v29;
	v30 =	vld.idx.msk [tilespmem:v43+s16+$0x0], $0xffff  }
0x68: {  	v53 =	vor.u32 v3, v47;
	v43 =	vld.idx.msk [tilespmem:v43+s17+$0x0], $0xffff  }
0x69: {  	v32 =	vadd.f32 v33, v32;
	v33 =	vld.idx.msk [tilespmem:v21+s15+$0x0], $0xffff;
	v35 =	vadd.f32 v36, v35;
	v49 =	vmul.f32 $5.000000000e-01, v29  }
0x6a: {  	v58 =	vor.u32 v5, v47;
	v21 =	vld.idx.msk [tilespmem:v47+s22+$0x0], $0xffff;
	v61 =	vadd.f32 v39, v38;
	v63 =	vadd.f32 v42, v41  }
0x6b: {  	v36 =	vld.idx.msk [tilespmem:v48+s15+$0x0], $0xffff;
	v59 =	vmul.f32 $5.000000000e-01, v32;
	v29 =	vmul.f32 v29, v28;
	v26 =	vsub.f32 v49, v26  }
0x6c: {  	v38 =	vld.idx.msk [tilespmem:v52+s15+$0x0], $0xffff;
	v56 =	vadd.f32 v45, v44;
	v60 =	vmul.f32 v32, v28;
	v62 =	vmul.f32 $5.000000000e-01, v61  }
0x6d: {  	v41 =	vld.idx.msk [tilespmem:v52+s17+$0x0], $0xffff;
	v57 =	vmul.f32 $5.000000000e-01, v63;
	v27 =	vsub.f32 v59, v27;
	v26 =	vmul.f32 v26, v26  }
0x6e: {  	v44 =	vld.idx.msk [tilespmem:v53+s15+$0x0], $0xffff;
	v32 =	vmul.f32 v61, v28;
	v16 =	vadd.f32 v29, v16;
	v29 =	vsub.f32 v62, v34  }
0x6f: {  	v45 =	vld.idx.msk [tilespmem:v53+s16+$0x0], $0xffff;
	v25 =	vadd.f32 v26, v25;
	v26 =	vmul.f32 v27, v27;
	v27 =	vmul.f32 $5.000000000e-01, v35  }
0x70: {  	v39 =	vld.idx.msk [tilespmem:v58+s15+$0x0], $0xffff;
	v59 =	vor.u32 v6, v47;
	v62 =	vmul.f32 v63, v28;
	v30 =	vadd.f32 v30, v46  }
0x71: {  	v49 =	vld.idx.msk [tilespmem:v48+s16+$0x0], $0xffff;
	v63 =	vor.u32 v7, v47;
	v24 =	vadd.f32 v26, v24;
	v26 =	vsub.f32 v27, v31  }
0x72: {  	v48 =	vld.idx.msk [tilespmem:v48+s17+$0x0], $0xffff;
	v34 =	vsub.f32 v57, v37;
	v61 =	vmul.f32 $5.000000000e-01, v30  }
0x73: {  	v13 =	vadd.f32 v32, v13;
	v32 =	vld.idx.msk [tilespmem:v58+s17+$0x0], $0xffff;
	v26 =	vmul.f32 v26, v26  }
0x74: {  	v15 =	vadd.f32 v60, v15;
	v60 =	vmul.f32 v34, v34;
	v34 =	vsub.f32 v61, v43;
	v43 =	vld.idx.msk [tilespmem:v58+s16+$0x0], $0xffff  }
0x75: {  	v42 =	vld.idx.msk [tilespmem:v59+s15+$0x0], $0xffff;
	v23 =	vadd.f32 v26, v23;
	v26 =	vmul.f32 $5.000000000e-01, v56  }
0x76: {  	v33 =	vadd.f32 v50, v33;
	v55 =	vadd.f32 v49, v36;
	v49 =	vld.idx.msk [tilespmem:v63+s15+$0x0], $0xffff;
	v31 =	vor.u32 v4, v47  }
0x77: {  	v29 =	vmul.f32 v29, v29;
	v35 =	vmul.f32 v35, v28;
	v27 =	vld.idx.msk [tilespmem:v52+s16+$0x0], $0xffff;
	v26 =	vsub.f32 v26, v40  }
0x78: {  	v12 =	vadd.f32 v62, v12;
	v54 =	vmul.f32 $5.000000000e-01, v33;
	v46 =	vld.idx.msk [tilespmem:v63+s17+$0x0], $0xffff;
	v47 =	vor.u32 v8, v47  }
0x79: {  	v30 =	vmul.f32 v30, v28;
	v14 =	vadd.f32 v35, v14;
	v35 =	vld.idx.msk [tilespmem:v53+s17+$0x0], $0xffff;
	v26 =	vmul.f32 v26, v26  }
0x7a: {  	s1 =	sadd.s32 $0x2, s30;
	v22 =	vadd.f32 v29, v22;
	v20 =	vadd.f32 v60, v20;
	v53 =	vmul.f32 v56, v28;
	v56 =	vld.idx.msk [tilespmem:v59+s16+$0x0], $0xffff  }
0x7b: {  	v58 =	vadd.s32 s1, v0;
	v37 =	vld.idx.msk [tilespmem:v31+s15+$0x0], $0xffff;
	v19 =	vadd.f32 v26, v19;
	v26 =	vmul.f32 v34, v34  }
0x7c: {  	v10 =	vadd.f32 v30, v10;
	v57 =	vmul.f32 $5.000000000e-01, v55;
	v27 =	vadd.f32 v27, v38;
	v38 =	vld.idx.msk [tilespmem:v63+s16+$0x0], $0xffff  }
0x7d: {  	v30 =	vld.idx.msk [tilespmem:v47+s15+$0x0], $0xffff;
	v18 =	vadd.f32 v26, v18;
	v26 =	vsub.f32 v54, v51;
	v51 =	vand.u32 $0x7F, v58  }
0x7e: {  	v61 =	vadd.f32 v45, v44;
	v28 =	vmul.f32 v33, v28;
	v34 =	vld.idx.msk [tilespmem:v59+s17+$0x0], $0xffff;
	v59 =	vsub.f32 v57, v48  }
0x7f: {  	v29 =	vmul.f32 v55, v21;
	v40 =	vld.idx.msk [tilespmem:v31+s16+$0x0], $0xffff;
	v60 =	vor.u32 v1, v51;
	v26 =	vmul.f32 v26, v26  }
0x80: {  	v50 =	vmul.f32 $5.000000000e-01, v61;
	v28 =	vadd.f32 v28, v9;
	v62 =	vld.idx.msk [tilespmem:v47+s16+$0x0], $0xffff;
	v9 =	vmul.f32 v59, v59  }
0x81: {  	v31 =	vld.idx.msk [tilespmem:v31+s17+$0x0], $0xffff;
	v63 =	vor.u32 v2, v51;
	v17 =	vadd.f32 v26, v17;
	v26 =	vmul.f32 $5.000000000e-01, v27  }
0x82: {  	v16 =	vadd.f32 v29, v16;
	v25 =	vadd.f32 v9, v25;
	v9 =	vld.idx.msk [tilespmem:v51+s22+$0x0], $0xffff  }
0x83: {  	v35 =	vsub.f32 v50, v35;
	v26 =	vsub.f32 v26, v41;
	v41 =	vld.idx.msk [tilespmem:v47+s17+$0x0], $0xffff  }
0x84: {  	v37 =	vadd.f32 v40, v37;
	v52 =	vor.u32 v3, v51;
	v27 =	vmul.f32 v27, v21;
	v29 =	vld.idx.msk [tilespmem:v60+s15+$0x0], $0xffff  }
0x85: {  	v33 =	vmul.f32 v61, v21;
	v47 =	vld.idx.msk [tilespmem:v60+s16+$0x0], $0xffff  }
0x86: {  	v40 =	vmul.f32 $5.000000000e-01, v37;
	v15 =	vadd.f32 v27, v15;
	v27 =	vmul.f32 v35, v35;
	v35 =	vld.idx.msk [tilespmem:v63+s15+$0x0], $0xffff  }
0x87: {  	v14 =	vadd.f32 v33, v14;
	v61 =	vadd.f32 v38, v49;
	v55 =	vor.u32 v4, v51;
	v54 =	vld.idx.msk [tilespmem:v63+s16+$0x0], $0xffff  }
0x88: {  	v56 =	vadd.f32 v56, v42;
	v31 =	vsub.f32 v40, v31;
	v36 =	vld.idx.msk [tilespmem:v63+s17+$0x0], $0xffff  }
0x89: {  	v30 =	vadd.f32 v62, v30;
	v33 =	vmul.f32 v61, v21;
	v57 =	vmul.f32 v37, v21;
	v58 =	vld.idx.msk [tilespmem:v52+s15+$0x0], $0xffff  }
0x8a: {  	v62 =	vor.u32 v6, v51;
	v59 =	vld.idx.msk [tilespmem:v52+s16+$0x0], $0xffff;
	v23 =	vadd.f32 v27, v23;
	v27 =	vmul.f32 v31, v31  }
0x8b: {  	v11 =	vadd.f32 v53, v11;
	v10 =	vadd.f32 v33, v10;
	v38 =	vld.idx.msk [tilespmem:v52+s17+$0x0], $0xffff;
	v26 =	vmul.f32 v26, v26  }
0x8c: {  	v13 =	vadd.f32 v57, v13;
	v52 =	vld.idx.msk [tilespmem:v55+s16+$0x0], $0xffff;
	v22 =	vadd.f32 v27, v22;
	v27 =	vmul.f32 $5.000000000e-01, v56  }
0x8d: {  	v48 =	vld.idx.msk [tilespmem:v55+s17+$0x0], $0xffff;
	v24 =	vadd.f32 v26, v24;
	v26 =	vadd.f32 v43, v39  }
0x8e: {  	s1 =	sadd.s32 $0x3, s30;
	v31 =	vmul.f32 v56, v21;
	v27 =	vsub.f32 v27, v34;
	v34 =	vld.idx.msk [tilespmem:v55+s15+$0x0], $0xffff;
	v55 =	vor.u32 v8, v51  }
0x8f: {  	v57 =	vadd.s32 s1, v0;
	v50 =	vld.idx.msk [tilespmem:v62+s15+$0x0], $0xffff;
	v53 =	vmul.f32 $5.000000000e-01, v26;
	v26 =	vmul.f32 v26, v21  }
0x90: {  	v40 =	vand.u32 $0x7F, v57;
	v33 =	vld.idx.msk [tilespmem:v62+s17+$0x0], $0xffff;
	v11 =	vadd.f32 v31, v11;
	v29 =	vadd.f32 v47, v29  }
0x91: {  	v39 =	vld.idx.msk [tilespmem:v60+s17+$0x0], $0xffff;
	v12 =	vadd.f32 v26, v12;
	v26 =	vmul.f32 v27, v27;
	v27 =	vmul.f32 $5.000000000e-01, v30  }
0x92: {  	v60 =	vor.u32 v5, v51;
	v35 =	vadd.f32 v54, v35;
	v54 =	vld.idx.msk [tilespmem:v62+s16+$0x0], $0xffff;
	v32 =	vsub.f32 v53, v32  }
0x93: {  	v63 =	vmul.f32 $5.000000000e-01, v61;
	v19 =	vadd.f32 v26, v19;
	v26 =	vsub.f32 v27, v41;
	v45 =	vld.idx.msk [tilespmem:v55+s15+$0x0], $0xffff  }
0x94: {  	v58 =	vadd.f32 v59, v58;
	v32 =	vmul.f32 v32, v32;
	v62 =	vadd.f32 v52, v34;
	v34 =	vld.idx.msk [tilespmem:v55+s16+$0x0], $0xffff  }
0x95: {  	v21 =	vmul.f32 v30, v21;
	v30 =	vld.idx.msk [tilespmem:v55+s17+$0x0], $0xffff;
	v55 =	vor.u32 v3, v40;
	v26 =	vmul.f32 v26, v26  }
0x96: {  	v44 =	vld.idx.msk [tilespmem:v40+s22+$0x0], $0xffff;
	v20 =	vadd.f32 v32, v20;
	v32 =	vsub.f32 v63, v46;
	v63 =	vor.u32 v7, v51  }
0x97: {  	v49 =	vmul.f32 $5.000000000e-01, v29;
	v42 =	vld.idx.msk [tilespmem:v60+s17+$0x0], $0xffff;
	v17 =	vadd.f32 v26, v17;
	v26 =	vmul.f32 $5.000000000e-01, v35  }
0x98: {  	v59 =	vmul.f32 v29, v9;
	v21 =	vadd.f32 v21, v28;
	v27 =	vld.idx.msk [tilespmem:v60+s16+$0x0], $0xffff;
	v28 =	vmul.f32 v62, v9  }
0x99: {  	v61 =	vmul.f32 $5.000000000e-01, v58;
	v46 =	vld.idx.msk [tilespmem:v60+s15+$0x0], $0xffff;
	v60 =	vor.u32 v1, v40;
	v26 =	vsub.f32 v26, v36  }
0x9a: {  	v53 =	vsub.f32 v49, v39;
	v52 =	vmul.f32 $5.000000000e-01, v62;
	v13 =	vadd.f32 v28, v13;
	v28 =	vld.idx.msk [tilespmem:v55+s15+$0x0], $0xffff  }
0x9b: {  	v16 =	vadd.f32 v59, v16;
	v49 =	vor.u32 v5, v40;
	v31 =	vld.idx.msk [tilespmem:v63+s15+$0x0], $0xffff;
	v26 =	vmul.f32 v26, v26  }
0x9c: {  	v56 =	vmul.f32 v53, v53;
	v47 =	vmul.f32 v32, v32;
	v39 =	vsub.f32 v52, v48;
	v37 =	vld.idx.msk [tilespmem:v63+s16+$0x0], $0xffff  }
0x9d: {  	v29 =	vld.idx.msk [tilespmem:v63+s17+$0x0], $0xffff;
	v63 =	vor.u32 v2, v40;
	v24 =	vadd.f32 v26, v24;
	v26 =	vsub.f32 v61, v38  }
0x9e: {  	v25 =	vadd.f32 v56, v25;
	v35 =	vmul.f32 v35, v9;
	v32 =	vadd.f32 v54, v50;
	v53 =	vld.idx.msk [tilespmem:v60+s15+$0x0], $0xffff  }
0x9f: {  	v18 =	vadd.f32 v47, v18;
	v54 =	vld.idx.msk [tilespmem:v60+s16+$0x0], $0xffff;
	v56 =	vmul.f32 v39, v39;
	v26 =	vmul.f32 v26, v26  }
0xa0: {  	v15 =	vadd.f32 v35, v15;
	v27 =	vadd.f32 v27, v46;
	v35 =	vld.idx.msk [tilespmem:v60+s17+$0x0], $0xffff;
	v60 =	vor.u32 v4, v40  }
0xa1: {  	v22 =	vadd.f32 v56, v22;
	v56 =	vld.idx.msk [tilespmem:v49+s15+$0x0], $0xffff;
	v23 =	vadd.f32 v26, v23;
	v26 =	vmul.f32 $5.000000000e-01, v32  }
0xa2: {  	v36 =	vmul.f32 v58, v9;
	v34 =	vadd.f32 v34, v45;
	v46 =	vmul.f32 $5.000000000e-01, v27;
	v58 =	vld.idx.msk [tilespmem:v63+s15+$0x0], $0xffff  }
0xa3: {  	v27 =	vmul.f32 v27, v9;
	v59 =	vld.idx.msk [tilespmem:v63+s16+$0x0], $0xffff;
	v31 =	vadd.f32 v37, v31;
	v26 =	vsub.f32 v26, v33  }
0xa4: {  	v14 =	vadd.f32 v36, v14;
	v57 =	vsub.f32 v46, v42;
	v37 =	vld.idx.msk [tilespmem:v63+s17+$0x0], $0xffff  }
0xa5: {  	v12 =	vadd.f32 v27, v12;
	v63 =	vld.idx.msk [tilespmem:v55+s16+$0x0], $0xffff;
	v62 =	vmul.f32 $5.000000000e-01, v31;
	v26 =	vmul.f32 v26, v26  }
0xa6: {  	v27 =	vmul.f32 v32, v9;
	v51 =	vld.idx.msk [tilespmem:v60+s15+$0x0], $0xffff;
	v61 =	vmul.f32 v57, v57;
	v57 =	vor.u32 v7, v40  }
0xa7: {  	v50 =	vmul.f32 $5.000000000e-01, v34;
	v52 =	vld.idx.msk [tilespmem:v60+s16+$0x0], $0xffff;
	v19 =	vadd.f32 v26, v19;
	v26 =	vsub.f32 v62, v29  }
0xa8: {  	v11 =	vadd.f32 v27, v11;
	v27 =	vadd.f32 v54, v53;
	v53 =	vor.u32 v6, v40;
	v32 =	vld.idx.msk [tilespmem:v55+s17+$0x0], $0xffff  }
0xa9: {  	v20 =	vadd.f32 v61, v20;
	v61 =	vld.idx.msk [tilespmem:v49+s17+$0x0], $0xffff;
	v29 =	vsub.f32 v50, v30;
	v26 =	vmul.f32 v26, v26  }
0xaa: {  	v31 =	vmul.f32 v31, v9;
	v55 =	vmul.f32 $5.000000000e-01, v27;
	v33 =	vadd.f32 v59, v58;
	v58 =	vld.idx.msk [tilespmem:v49+s16+$0x0], $0xffff  }
0xab: {  	v40 =	vor.u32 v8, v40;
	v48 =	vld.idx.msk [tilespmem:v57+s15+$0x0], $0xffff;
	v18 =	vadd.f32 v26, v18;
	v26 =	vmul.f32 v29, v29  }
0xac: {  	v9 =	vmul.f32 v34, v9;
	v10 =	vadd.f32 v31, v10;
	v59 =	vsub.f32 v55, v35;
	v49 =	vld.idx.msk [tilespmem:v57+s16+$0x0], $0xffff  }
0xad: {  	v27 =	vmul.f32 v27, v44;
	v17 =	vadd.f32 v26, v17;
	v26 =	vadd.f32 v63, v28  }
0xae: {  	v54 =	vld.idx.msk [tilespmem:v60+s17+$0x0], $0xffff;
	v9 =	vadd.f32 v9, v21;
	v60 =	vmul.f32 $5.000000000e-01, v33;
	v31 =	vmul.f32 v59, v59  }
0xaf: {  	v36 =	vadd.f32 v52, v51;
	v16 =	vadd.f32 v27, v16;
	v45 =	vld.idx.msk [tilespmem:v53+s16+$0x0], $0xffff;
	v47 =	vmul.f32 $5.000000000e-01, v26  }
0xb0: {  	v51 =	vld.idx.msk [tilespmem:v40+s15+$0x0], $0xffff;
	v25 =	vadd.f32 v31, v25;
	v63 =	vsub.f32 v60, v37  }
0xb1: {  	v62 =	vld.idx.msk [tilespmem:v53+s15+$0x0], $0xffff;
	v50 =	vmul.f32 $5.000000000e-01, v36;
	v55 =	vadd.f32 v49, v48;
	v27 =	vsub.f32 v47, v32  }
0xb2: {  	v52 =	vld.idx.msk [tilespmem:v40+s16+$0x0], $0xffff;
	v29 =	vadd.f32 v58, v56;
	v58 =	vmul.f32 v36, v44;
	v21 =	vmul.f32 v63, v63  }
0xb3: {  	v30 =	vsub.f32 v50, v54;
	v26 =	vmul.f32 v26, v44;
	v27 =	vmul.f32 v27, v27  }
0xb4: {  	v53 =	vld.idx.msk [tilespmem:v53+s17+$0x0], $0xffff;
	v59 =	vmul.f32 $5.000000000e-01, v55;
	v24 =	vadd.f32 v21, v24;
	v21 =	vmul.f32 v33, v44  }
0xb5: {  	v14 =	vadd.f32 v26, v14;
	v26 =	vmul.f32 v30, v30;
	v23 =	vadd.f32 v27, v23;
	v27 =	vld.idx.msk [tilespmem:v57+s17+$0x0], $0xffff  }
0xb6: {  	v54 =	vmul.f32 $5.000000000e-01, v29;
	v15 =	vadd.f32 v21, v15;
	v21 =	vadd.f32 v45, v62;
	v57 =	vld.idx.msk [tilespmem:v40+s17+$0x0], $0xffff  }
0xb7: {  	v29 =	vmul.f32 v29, v44;
	v22 =	vadd.f32 v26, v22;
	v26 =	vadd.f32 v52, v51  }
0xb8: {  	v28 =	vsub.f32 v54, v61;
	v63 =	vmul.f32 v55, v44;
	v56 =	vmul.f32 $5.000000000e-01, v21  }
0xb9: {  	v13 =	vadd.f32 v58, v13;
	v12 =	vadd.f32 v29, v12;
	v60 =	vmul.f32 $5.000000000e-01, v26  }
0xba: {  	p0 =	slt.u32 s30, $0x7C;
	v28 =	vmul.f32 v28, v28;
	v10 =	vadd.f32 v63, v10;
	v31 =	vsub.f32 v56, v53  }
.Ltmp0:
0xbb: {  	v21 =	vmul.f32 v21, v44;
	v27 =	vsub.f32 v59, v27;
	v62 =	vsub.f32 v60, v57;
	(pc) =	sbr.rel @p0 .LBB2_3-.Ltmp0, $4  }
0xbc: {  	v20 =	vadd.f32 v28, v20;
	v26 =	vmul.f32 v26, v44;
	v61 =	vmul.f32 v31, v31  }
0xbd: {  	v11 =	vadd.f32 v21, v11;
	v27 =	vmul.f32 v27, v27;
	v21 =	vmul.f32 v62, v62  }
0xbe: {  	v9 =	vadd.f32 v26, v9;
	v19 =	vadd.f32 v61, v19  }
0xbf: {  	s30 =	sadd.s32 $0x4, s30;
	v18 =	vadd.f32 v27, v18;
	v17 =	vadd.f32 v21, v17  }
0xc0: {  	v21 =	vadd.f32 $9.999999960e-13, v25  }
0xc1: {  	v24 =	vadd.f32 $9.999999960e-13, v24  }
0xc2: {  	v25 =	vshra.s32 v21, $0x1;
	v26 =	vmul.f32 $5.000000000e-01, v21  }
0xc3: {  	v27 =	vshra.s32 v24, $0x1;
	v28 =	vmul.f32 $5.000000000e-01, v24;
	v25 =	vsub.s32 $0x5F3759DF, v25  }
0xc4: {  	v27 =	vsub.s32 $0x5F3759DF, v27;
	v29 =	vmul.f32 v25, v26  }
0xc5: {  	v30 =	vmul.f32 v27, v28  }
0xc6: {  	v29 =	vmul.f32 v25, v29  }
0xc7: {  	v30 =	vmul.f32 v27, v30  }
0xc8: {  	v29 =	vsub.f32 $1.500000000e+00, v29  }
0xc9: {  	v30 =	vsub.f32 $1.500000000e+00, v30  }
0xca: {  	v25 =	vmul.f32 v25, v29  }
0xcb: {  	v27 =	vmul.f32 v27, v30  }
0xcc: {  	v29 =	vmul.f32 v25, v26  }
0xcd: {  	v23 =	vadd.f32 $9.999999960e-13, v23;
	v30 =	vmul.f32 v27, v28  }
0xce: {  	v22 =	vadd.f32 $9.999999960e-13, v22;
	v20 =	vadd.f32 $9.999999960e-13, v20;
	v29 =	vmul.f32 v29, v25  }
0xcf: {  	v19 =	vadd.f32 $9.999999960e-13, v19;
	v18 =	vadd.f32 $9.999999960e-13, v18;
	v30 =	vmul.f32 v30, v27  }
0xd0: {  	v17 =	vadd.f32 $9.999999960e-13, v17;
	v29 =	vsub.f32 $1.500000000e+00, v29  }
0xd1: {  	v61 =	vmul.f32 $5.000000000e-01, v23;
	v32 =	vmul.f32 $5.000000000e-01, v22;
	v30 =	vsub.f32 $1.500000000e+00, v30  }
0xd2: {  	v60 =	vshra.s32 v23, $0x1;
	v63 =	vmul.f32 $5.000000000e-01, v20;
	v25 =	vmul.f32 v29, v25  }
0xd3: {  	v31 =	vshra.s32 v22, $0x1;
	v46 =	vmul.f32 $5.000000000e-01, v19;
	v27 =	vmul.f32 v30, v27  }
0xd4: {  	v31 =	vsub.s32 $0x5F3759DF, v31;
	v36 =	vmul.f32 $5.000000000e-01, v18;
	v26 =	vmul.f32 v25, v26  }
0xd5: {  	v35 =	vshra.s32 v18, $0x1;
	v38 =	vmul.f32 $5.000000000e-01, v17;
	v28 =	vmul.f32 v27, v28  }
0xd6: {  	v37 =	vshra.s32 v17, $0x1;
	v34 =	vmul.f32 v31, v32;
	v26 =	vmul.f32 v26, v25  }
0xd7: {  	v35 =	vsub.s32 $0x5F3759DF, v35;
	v37 =	vsub.s32 $0x5F3759DF, v37;
	v28 =	vmul.f32 v28, v27  }
0xd8: {  	v39 =	vmul.f32 v35, v36;
	v29 =	vsub.s32 $0x5F3759DF, v60;
	v26 =	vsub.f32 $1.500000000e+00, v26  }
0xd9: {  	v40 =	vmul.f32 v37, v38;
	v33 =	vmul.f32 v29, v61;
	v28 =	vsub.f32 $1.500000000e+00, v28  }
0xda: {  	v62 =	vmul.f32 v31, v34;
	v25 =	vmul.f32 v26, v25  }
0xdb: {  	v26 =	vmul.f32 v29, v33;
	v27 =	vmul.f32 v28, v27  }
0xdc: {  	v45 =	vshra.s32 v19, $0x1;
	v39 =	vmul.f32 v35, v39;
	v40 =	vmul.f32 v37, v40  }
0xdd: {  	v26 =	vsub.f32 $1.500000000e+00, v26;
	v24 =	vmul.f32 v27, v24;
	v27 =	vshra.s32 v20, $0x1  }
0xde: {  	v21 =	vmul.f32 v25, v21;
	v25 =	vsub.f32 $1.500000000e+00, v62;
	v27 =	vsub.s32 $0x5F3759DF, v27  }
0xdf: {  	v26 =	vmul.f32 v29, v26;
	v47 =	vmul.f32 v27, v63;
	v29 =	vsub.s32 $0x5F3759DF, v45  }
0xe0: {  	v25 =	vmul.f32 v31, v25;
	v48 =	vmul.f32 v29, v46  }
0xe1: {  	v33 =	vmul.f32 v27, v47;
	v41 =	vmul.f32 v26, v61  }
0xe2: {  	v49 =	vsub.f32 $1.500000000e+00, v39;
	v42 =	vmul.f32 v25, v32;
	v34 =	vmul.f32 v29, v48  }
0xe3: {  	v51 =	vsub.f32 $1.500000000e+00, v40;
	v33 =	vsub.f32 $1.500000000e+00, v33  }
0xe4: {  	v41 =	vmul.f32 v41, v26;
	v50 =	vmul.f32 v42, v25;
	v34 =	vsub.f32 $1.500000000e+00, v34  }
0xe5: {  	v27 =	vmul.f32 v27, v33;
	v33 =	vmul.f32 v35, v49  }
0xe6: {  	v41 =	vsub.f32 $1.500000000e+00, v41;
	v29 =	vmul.f32 v29, v34;
	v34 =	vmul.f32 v37, v51  }
0xe7: {  	v39 =	vsub.f32 $1.500000000e+00, v50;
	v52 =	vmul.f32 v27, v63;
	v55 =	vmul.f32 v33, v36  }
0xe8: {  	v26 =	vmul.f32 v41, v26;
	v53 =	vmul.f32 v29, v46  }
0xe9: {  	v16 =	vsub.f32 v16, v21;
	v25 =	vmul.f32 v39, v25;
	v54 =	vmul.f32 v52, v27  }
0xea: {  	v15 =	vsub.f32 v15, v24;
	v56 =	vmul.f32 v34, v38;
	v35 =	vmul.f32 v53, v29  }
0xeb: {  	v40 =	vmul.f32 v55, v33;
	v30 =	vmul.f32 v26, v61;
	v37 =	vsub.f32 $1.500000000e+00, v54  }
0xec: {  	v32 =	vmul.f32 v25, v32;
	v42 =	vmul.f32 v56, v34;
	v35 =	vsub.f32 $1.500000000e+00, v35  }
0xed: {  	v57 =	vsub.f32 $1.500000000e+00, v40;
	v21 =	vmul.f32 v30, v26;
	v27 =	vmul.f32 v37, v27  }
0xee: {  	v24 =	vmul.f32 v32, v25;
	v58 =	vsub.f32 $1.500000000e+00, v42;
	v29 =	vmul.f32 v35, v29  }
0xef: {  	v33 =	vmul.f32 v57, v33;
	v28 =	vmul.f32 v27, v63  }
0xf0: {  	v34 =	vmul.f32 v58, v34;
	v59 =	vmul.f32 v29, v46  }
0xf1: {  	v21 =	vsub.f32 $1.500000000e+00, v21;
	v60 =	vmul.f32 v33, v36;
	v28 =	vmul.f32 v28, v27  }
0xf2: {  	v24 =	vsub.f32 $1.500000000e+00, v24;
	v61 =	vmul.f32 v34, v38;
	v30 =	vmul.f32 v59, v29  }
0xf3: {  	v21 =	vmul.f32 v21, v26;
	v62 =	vmul.f32 v60, v33;
	v26 =	vsub.f32 $1.500000000e+00, v28  }
0xf4: {  	v24 =	vmul.f32 v24, v25;
	v63 =	vmul.f32 v61, v34;
	v25 =	vsub.f32 $1.500000000e+00, v30  }
0xf5: {  	v21 =	vmul.f32 v21, v23;
	v23 =	vmul.f32 v26, v27;
	v26 =	vsub.f32 $1.500000000e+00, v62  }
0xf6: {  	v22 =	vmul.f32 v24, v22;
	v24 =	vmul.f32 v25, v29;
	v25 =	vsub.f32 $1.500000000e+00, v63  }
0xf7: {  	[tilespmem:$0x1CC80] =	vst v16;
	v14 =	vsub.f32 v14, v21;
	v16 =	vmul.f32 v23, v20;
	v20 =	vmul.f32 v26, v33  }
0xf8: {  	[tilespmem:$0x1CC90] =	vst v15;
	v13 =	vsub.f32 v13, v22;
	v15 =	vmul.f32 v24, v19;
	v19 =	vmul.f32 v25, v34  }
0xf9: {  	[tilespmem:$0x1CCA0] =	vst v14;
	v12 =	vsub.f32 v12, v16;
	v14 =	vmul.f32 v20, v18  }
0xfa: {  	[tilespmem:$0x1CCB0] =	vst v13;
	v11 =	vsub.f32 v11, v15;
	v13 =	vmul.f32 v19, v17  }
0xfb: {  	[tilespmem:$0x1CCC0] =	vst v12;
	v10 =	vsub.f32 v10, v14  }
0xfc: {  	s30 =	sadd.s32 s4, s29;
	[tilespmem:$0x1CCD0] =	vst v11;
	v9 =	vsub.f32 v9, v13  }
0xfd: {  	s30 =	sshrl.u32 s30, $0x3;
	[tilespmem:$0x1CCE0] =	vst v10  }
0xfe: {  	s30 =	sadd.s32 s5, s30;
	[tilespmem:$0x1CCF0] =	vst v9  }
0xff: {  	[hbm4b:s30+s3] =	stream.linear.scatter [tilespmem:s23], [sflag:$0x3], $0x80, $0x38;
	[tilespmem:$0x1CD00] =	vst v63  }
0x100: {  	p0 =	seq.s32 s28, $0x18;
	_ =	swait.ge [sflag:s11], $0x80  }
0x101: {  	s31 =	simm.s32 @!p0 $0x80;
	[sflag:s11] =	ssyncset.done $0x0  }
0x102: {  	s1 =	simm.s32 @!p0 $0x4B00;
	s30 =	sadd.s32 @!p0 $0x100, s29;
	[sflag:s11] =	ssyncadd.s32 $0xFFFFFF80  }
0x103: {  	[tilespmem:s1], [sflag:$0x1] =	stream.indirect.gather @!p0 [hbm4b:s2+s31], $0x80, s30, s31, $0xb8;
	[tilespmem:$0x1CD00] =	vst v63  }
0x104: {  	s1 =	sadd.s32 @!p0 $0x1A00, s29;
	s30 =	simm.s32 @!p0 $0x8B00  }
0x105: {  	[tilespmem:s30], [sflag:$0x1] =	stream.indirect.gather @!p0 [hbm4b:s2+s31], $0x80, s1, s31, $0xb8;
	[tilespmem:$0x1CD00] =	vst v63  }
0x106: {  	s1 =	sadd.s32 @!p0 $0x3300, s29;
	s29 =	simm.s32 @!p0 $0xCB00  }
0x107: {  	[tilespmem:s29], [sflag:$0x1] =	stream.indirect.gather @!p0 [hbm4b:s2+s31], $0x80, s1, s31, $0xb8;
	[tilespmem:$0x1CD00] =	vst v63  }
0x108: {  	_ =	swait.ge [sflag:s24], $0x4000  }
0x109: {  	[sflag:s24] =	ssyncset.done $0x0  }
0x10a: {  	[sflag:s24] =	ssyncadd.s32 $0xFFFFC000  }
0x10b: {  	v22 =	vimm.f32 $0.0e+00;
	_ =	swait.ge [sflag:s24], $0x4000  }
0x10c: {  	v23 =	vimm.f32 $0.0e+00;
	v24 =	vimm.f32 $0.0e+00;
	v25 =	vimm.f32 $0.0e+00;
	[sflag:s24] =	ssyncset.done $0x0  }
0x10d: {  	v18 =	vimm.f32 $0.0e+00;
	v20 =	vimm.f32 $0.0e+00;
	v16 =	vimm.f32 $0.0e+00;
	[sflag:s24] =	ssyncadd.s32 $0xFFFFC000  }
0x10e: {  	v17 =	vimm.f32 $0.0e+00;
	v19 =	vimm.f32 $0.0e+00;
	v15 =	vimm.f32 $0.0e+00;
	_ =	swait.ge [sflag:s24], $0x4000  }
0x10f: {  	v12 =	vimm.f32 $0.0e+00;
	v14 =	vimm.f32 $0.0e+00;
	v11 =	vimm.f32 $0.0e+00;
	[sflag:s24] =	ssyncset.done $0x0  }
0x110: {  	s28 =	sadd.s32 $0x1, s28;
	v13 =	vimm.f32 $0.0e+00;
	v10 =	vimm.f32 $0.0e+00;
	v9 =	vimm.f32 $0.0e+00;
	s29 =	simm.s32 $0x0;
	[sflag:s24] =	ssyncadd.s32 $0xFFFFC000  }
.LBB2_5:
0x111: {  	v21 =	vadd.s32 s29, v0  }
0x112: {  	v21 =	vand.u32 $0x7F, v21  }
0x113: {  	v26 =	vor.u32 v1, v21;
	_ =	sdelay $0x2  }
0x114: {  	v27 =	vor.u32 v2, v21  }
0x115: {  	v28 =	vld.idx.msk [tilespmem:v21+s22+$0x0], $0xffff  }
0x116: {  	v29 =	vld.idx.msk [tilespmem:v26+s18+$0x0], $0xffff  }
0x117: {  	v31 =	vor.u32 v3, v21;
	v30 =	vld.idx.msk [tilespmem:v26+s19+$0x0], $0xffff  }
0x118: {  	v26 =	vld.idx.msk [tilespmem:v26+s20+$0x0], $0xffff  }
0x119: {  	v32 =	vld.idx.msk [tilespmem:v27+s18+$0x0], $0xffff  }
0x11a: {  	v34 =	vor.u32 v4, v21;
	v33 =	vld.idx.msk [tilespmem:v27+s19+$0x0], $0xffff  }
0x11b: {  	v27 =	vld.idx.msk [tilespmem:v27+s20+$0x0], $0xffff  }
0x11c: {  	v35 =	vld.idx.msk [tilespmem:v31+s18+$0x0], $0xffff  }
0x11d: {  	v37 =	vor.u32 v5, v21;
	v36 =	vld.idx.msk [tilespmem:v31+s19+$0x0], $0xffff  }
0x11e: {  	v31 =	vld.idx.msk [tilespmem:v31+s20+$0x0], $0xffff  }
0x11f: {  	v38 =	vld.idx.msk [tilespmem:v34+s18+$0x0], $0xffff  }
0x120: {  	v40 =	vor.u32 v6, v21;
	v39 =	vld.idx.msk [tilespmem:v34+s19+$0x0], $0xffff  }
0x121: {  	v34 =	vld.idx.msk [tilespmem:v34+s20+$0x0], $0xffff  }
0x122: {  	v41 =	vld.idx.msk [tilespmem:v37+s18+$0x0], $0xffff  }
0x123: {  	v43 =	vor.u32 v7, v21;
	v42 =	vld.idx.msk [tilespmem:v37+s19+$0x0], $0xffff  }
0x124: {  	v21 =	vor.u32 v8, v21;
	v37 =	vld.idx.msk [tilespmem:v37+s20+$0x0], $0xffff  }
0x125: {  	v44 =	vld.idx.msk [tilespmem:v40+s18+$0x0], $0xffff  }
0x126: {  	v45 =	vld.idx.msk [tilespmem:v40+s19+$0x0], $0xffff  }
0x127: {  	s1 =	sadd.s32 $0x1, s29;
	v40 =	vld.idx.msk [tilespmem:v40+s20+$0x0], $0xffff  }
0x128: {  	v47 =	vadd.s32 s1, v0;
	v46 =	vld.idx.msk [tilespmem:v43+s18+$0x0], $0xffff  }
0x129: {  	v47 =	vand.u32 $0x7F, v47;
	v50 =	vld.idx.msk [tilespmem:v21+s19+$0x0], $0xffff  }
0x12a: {  	v48 =	vor.u32 v1, v47;
	v51 =	vld.idx.msk [tilespmem:v21+s20+$0x0], $0xffff  }
0x12b: {  	v52 =	vor.u32 v2, v47;
	v29 =	vadd.f32 v30, v29;
	v30 =	vld.idx.msk [tilespmem:v43+s19+$0x0], $0xffff  }
0x12c: {  	v53 =	vor.u32 v3, v47;
	v43 =	vld.idx.msk [tilespmem:v43+s20+$0x0], $0xffff  }
0x12d: {  	v32 =	vadd.f32 v33, v32;
	v33 =	vld.idx.msk [tilespmem:v21+s18+$0x0], $0xffff;
	v35 =	vadd.f32 v36, v35;
	v49 =	vmul.f32 $5.000000000e-01, v29  }
0x12e: {  	v58 =	vor.u32 v5, v47;
	v21 =	vld.idx.msk [tilespmem:v47+s22+$0x0], $0xffff;
	v61 =	vadd.f32 v39, v38;
	v63 =	vadd.f32 v42, v41  }
0x12f: {  	v36 =	vld.idx.msk [tilespmem:v48+s18+$0x0], $0xffff;
	v59 =	vmul.f32 $5.000000000e-01, v32;
	v29 =	vmul.f32 v29, v28;
	v26 =	vsub.f32 v49, v26  }
0x130: {  	v38 =	vld.idx.msk [tilespmem:v52+s18+$0x0], $0xffff;
	v56 =	vadd.f32 v45, v44;
	v60 =	vmul.f32 v32, v28;
	v62 =	vmul.f32 $5.000000000e-01, v61  }
0x131: {  	v41 =	vld.idx.msk [tilespmem:v52+s20+$0x0], $0xffff;
	v57 =	vmul.f32 $5.000000000e-01, v63;
	v27 =	vsub.f32 v59, v27;
	v26 =	vmul.f32 v26, v26  }
0x132: {  	v44 =	vld.idx.msk [tilespmem:v53+s18+$0x0], $0xffff;
	v32 =	vmul.f32 v61, v28;
	v16 =	vadd.f32 v29, v16;
	v29 =	vsub.f32 v62, v34  }
0x133: {  	v45 =	vld.idx.msk [tilespmem:v53+s19+$0x0], $0xffff;
	v25 =	vadd.f32 v26, v25;
	v26 =	vmul.f32 v27, v27;
	v27 =	vmul.f32 $5.000000000e-01, v35  }
0x134: {  	v39 =	vld.idx.msk [tilespmem:v58+s18+$0x0], $0xffff;
	v59 =	vor.u32 v6, v47;
	v62 =	vmul.f32 v63, v28;
	v30 =	vadd.f32 v30, v46  }
0x135: {  	v49 =	vld.idx.msk [tilespmem:v48+s19+$0x0], $0xffff;
	v63 =	vor.u32 v7, v47;
	v24 =	vadd.f32 v26, v24;
	v26 =	vsub.f32 v27, v31  }
0x136: {  	v48 =	vld.idx.msk [tilespmem:v48+s20+$0x0], $0xffff;
	v34 =	vsub.f32 v57, v37;
	v61 =	vmul.f32 $5.000000000e-01, v30  }
0x137: {  	v13 =	vadd.f32 v32, v13;
	v32 =	vld.idx.msk [tilespmem:v58+s20+$0x0], $0xffff;
	v26 =	vmul.f32 v26, v26  }
0x138: {  	v15 =	vadd.f32 v60, v15;
	v60 =	vmul.f32 v34, v34;
	v34 =	vsub.f32 v61, v43;
	v43 =	vld.idx.msk [tilespmem:v58+s19+$0x0], $0xffff  }
0x139: {  	v42 =	vld.idx.msk [tilespmem:v59+s18+$0x0], $0xffff;
	v23 =	vadd.f32 v26, v23;
	v26 =	vmul.f32 $5.000000000e-01, v56  }
0x13a: {  	v33 =	vadd.f32 v50, v33;
	v55 =	vadd.f32 v49, v36;
	v49 =	vld.idx.msk [tilespmem:v63+s18+$0x0], $0xffff;
	v31 =	vor.u32 v4, v47  }
0x13b: {  	v29 =	vmul.f32 v29, v29;
	v35 =	vmul.f32 v35, v28;
	v27 =	vld.idx.msk [tilespmem:v52+s19+$0x0], $0xffff;
	v26 =	vsub.f32 v26, v40  }
0x13c: {  	v12 =	vadd.f32 v62, v12;
	v54 =	vmul.f32 $5.000000000e-01, v33;
	v46 =	vld.idx.msk [tilespmem:v63+s20+$0x0], $0xffff;
	v47 =	vor.u32 v8, v47  }
0x13d: {  	v30 =	vmul.f32 v30, v28;
	v14 =	vadd.f32 v35, v14;
	v35 =	vld.idx.msk [tilespmem:v53+s20+$0x0], $0xffff;
	v26 =	vmul.f32 v26, v26  }
0x13e: {  	s30 =	sadd.s32 $0x2, s29;
	v22 =	vadd.f32 v29, v22;
	v20 =	vadd.f32 v60, v20;
	v53 =	vmul.f32 v56, v28;
	v56 =	vld.idx.msk [tilespmem:v59+s19+$0x0], $0xffff  }
0x13f: {  	v58 =	vadd.s32 s30, v0;
	v37 =	vld.idx.msk [tilespmem:v31+s18+$0x0], $0xffff;
	v19 =	vadd.f32 v26, v19;
	v26 =	vmul.f32 v34, v34  }
0x140: {  	v10 =	vadd.f32 v30, v10;
	v57 =	vmul.f32 $5.000000000e-01, v55;
	v27 =	vadd.f32 v27, v38;
	v38 =	vld.idx.msk [tilespmem:v63+s19+$0x0], $0xffff  }
0x141: {  	v30 =	vld.idx.msk [tilespmem:v47+s18+$0x0], $0xffff;
	v18 =	vadd.f32 v26, v18;
	v26 =	vsub.f32 v54, v51;
	v51 =	vand.u32 $0x7F, v58  }
0x142: {  	v61 =	vadd.f32 v45, v44;
	v28 =	vmul.f32 v33, v28;
	v34 =	vld.idx.msk [tilespmem:v59+s20+$0x0], $0xffff;
	v59 =	vsub.f32 v57, v48  }
0x143: {  	v29 =	vmul.f32 v55, v21;
	v40 =	vld.idx.msk [tilespmem:v31+s19+$0x0], $0xffff;
	v60 =	vor.u32 v1, v51;
	v26 =	vmul.f32 v26, v26  }
0x144: {  	v50 =	vmul.f32 $5.000000000e-01, v61;
	v28 =	vadd.f32 v28, v9;
	v62 =	vld.idx.msk [tilespmem:v47+s19+$0x0], $0xffff;
	v9 =	vmul.f32 v59, v59  }
0x145: {  	v31 =	vld.idx.msk [tilespmem:v31+s20+$0x0], $0xffff;
	v63 =	vor.u32 v2, v51;
	v17 =	vadd.f32 v26, v17;
	v26 =	vmul.f32 $5.000000000e-01, v27  }
0x146: {  	v16 =	vadd.f32 v29, v16;
	v25 =	vadd.f32 v9, v25;
	v9 =	vld.idx.msk [tilespmem:v51+s22+$0x0], $0xffff  }
0x147: {  	v35 =	vsub.f32 v50, v35;
	v26 =	vsub.f32 v26, v41;
	v41 =	vld.idx.msk [tilespmem:v47+s20+$0x0], $0xffff  }
0x148: {  	v37 =	vadd.f32 v40, v37;
	v52 =	vor.u32 v3, v51;
	v27 =	vmul.f32 v27, v21;
	v29 =	vld.idx.msk [tilespmem:v60+s18+$0x0], $0xffff  }
0x149: {  	v33 =	vmul.f32 v61, v21;
	v47 =	vld.idx.msk [tilespmem:v60+s19+$0x0], $0xffff  }
0x14a: {  	v40 =	vmul.f32 $5.000000000e-01, v37;
	v15 =	vadd.f32 v27, v15;
	v27 =	vmul.f32 v35, v35;
	v35 =	vld.idx.msk [tilespmem:v63+s18+$0x0], $0xffff  }
0x14b: {  	v14 =	vadd.f32 v33, v14;
	v61 =	vadd.f32 v38, v49;
	v55 =	vor.u32 v4, v51;
	v54 =	vld.idx.msk [tilespmem:v63+s19+$0x0], $0xffff  }
0x14c: {  	v56 =	vadd.f32 v56, v42;
	v31 =	vsub.f32 v40, v31;
	v36 =	vld.idx.msk [tilespmem:v63+s20+$0x0], $0xffff  }
0x14d: {  	v30 =	vadd.f32 v62, v30;
	v33 =	vmul.f32 v61, v21;
	v57 =	vmul.f32 v37, v21;
	v58 =	vld.idx.msk [tilespmem:v52+s18+$0x0], $0xffff  }
0x14e: {  	v62 =	vor.u32 v6, v51;
	v59 =	vld.idx.msk [tilespmem:v52+s19+$0x0], $0xffff;
	v23 =	vadd.f32 v27, v23;
	v27 =	vmul.f32 v31, v31  }
0x14f: {  	v11 =	vadd.f32 v53, v11;
	v10 =	vadd.f32 v33, v10;
	v38 =	vld.idx.msk [tilespmem:v52+s20+$0x0], $0xffff;
	v26 =	vmul.f32 v26, v26  }
0x150: {  	v13 =	vadd.f32 v57, v13;
	v52 =	vld.idx.msk [tilespmem:v55+s19+$0x0], $0xffff;
	v22 =	vadd.f32 v27, v22;
	v27 =	vmul.f32 $5.000000000e-01, v56  }
0x151: {  	v48 =	vld.idx.msk [tilespmem:v55+s20+$0x0], $0xffff;
	v24 =	vadd.f32 v26, v24;
	v26 =	vadd.f32 v43, v39  }
0x152: {  	s31 =	sadd.s32 $0x3, s29;
	v31 =	vmul.f32 v56, v21;
	v27 =	vsub.f32 v27, v34;
	v34 =	vld.idx.msk [tilespmem:v55+s18+$0x0], $0xffff;
	v55 =	vor.u32 v8, v51  }
0x153: {  	v57 =	vadd.s32 s31, v0;
	v50 =	vld.idx.msk [tilespmem:v62+s18+$0x0], $0xffff;
	v53 =	vmul.f32 $5.000000000e-01, v26;
	v26 =	vmul.f32 v26, v21  }
0x154: {  	v40 =	vand.u32 $0x7F, v57;
	v33 =	vld.idx.msk [tilespmem:v62+s20+$0x0], $0xffff;
	v11 =	vadd.f32 v31, v11;
	v29 =	vadd.f32 v47, v29  }
0x155: {  	v39 =	vld.idx.msk [tilespmem:v60+s20+$0x0], $0xffff;
	v12 =	vadd.f32 v26, v12;
	v26 =	vmul.f32 v27, v27;
	v27 =	vmul.f32 $5.000000000e-01, v30  }
0x156: {  	v60 =	vor.u32 v5, v51;
	v35 =	vadd.f32 v54, v35;
	v54 =	vld.idx.msk [tilespmem:v62+s19+$0x0], $0xffff;
	v32 =	vsub.f32 v53, v32  }
0x157: {  	v63 =	vmul.f32 $5.000000000e-01, v61;
	v19 =	vadd.f32 v26, v19;
	v26 =	vsub.f32 v27, v41;
	v45 =	vld.idx.msk [tilespmem:v55+s18+$0x0], $0xffff  }
0x158: {  	v58 =	vadd.f32 v59, v58;
	v32 =	vmul.f32 v32, v32;
	v62 =	vadd.f32 v52, v34;
	v34 =	vld.idx.msk [tilespmem:v55+s19+$0x0], $0xffff  }
0x159: {  	v21 =	vmul.f32 v30, v21;
	v30 =	vld.idx.msk [tilespmem:v55+s20+$0x0], $0xffff;
	v55 =	vor.u32 v3, v40;
	v26 =	vmul.f32 v26, v26  }
0x15a: {  	v44 =	vld.idx.msk [tilespmem:v40+s22+$0x0], $0xffff;
	v20 =	vadd.f32 v32, v20;
	v32 =	vsub.f32 v63, v46;
	v63 =	vor.u32 v7, v51  }
0x15b: {  	v49 =	vmul.f32 $5.000000000e-01, v29;
	v42 =	vld.idx.msk [tilespmem:v60+s20+$0x0], $0xffff;
	v17 =	vadd.f32 v26, v17;
	v26 =	vmul.f32 $5.000000000e-01, v35  }
0x15c: {  	v59 =	vmul.f32 v29, v9;
	v21 =	vadd.f32 v21, v28;
	v27 =	vld.idx.msk [tilespmem:v60+s19+$0x0], $0xffff;
	v28 =	vmul.f32 v62, v9  }
0x15d: {  	v61 =	vmul.f32 $5.000000000e-01, v58;
	v46 =	vld.idx.msk [tilespmem:v60+s18+$0x0], $0xffff;
	v60 =	vor.u32 v1, v40;
	v26 =	vsub.f32 v26, v36  }
0x15e: {  	v53 =	vsub.f32 v49, v39;
	v52 =	vmul.f32 $5.000000000e-01, v62;
	v13 =	vadd.f32 v28, v13;
	v28 =	vld.idx.msk [tilespmem:v55+s18+$0x0], $0xffff  }
0x15f: {  	v16 =	vadd.f32 v59, v16;
	v49 =	vor.u32 v5, v40;
	v31 =	vld.idx.msk [tilespmem:v63+s18+$0x0], $0xffff;
	v26 =	vmul.f32 v26, v26  }
0x160: {  	v56 =	vmul.f32 v53, v53;
	v47 =	vmul.f32 v32, v32;
	v39 =	vsub.f32 v52, v48;
	v37 =	vld.idx.msk [tilespmem:v63+s19+$0x0], $0xffff  }
0x161: {  	v29 =	vld.idx.msk [tilespmem:v63+s20+$0x0], $0xffff;
	v63 =	vor.u32 v2, v40;
	v24 =	vadd.f32 v26, v24;
	v26 =	vsub.f32 v61, v38  }
0x162: {  	v25 =	vadd.f32 v56, v25;
	v35 =	vmul.f32 v35, v9;
	v32 =	vadd.f32 v54, v50;
	v53 =	vld.idx.msk [tilespmem:v60+s18+$0x0], $0xffff  }
0x163: {  	v18 =	vadd.f32 v47, v18;
	v54 =	vld.idx.msk [tilespmem:v60+s19+$0x0], $0xffff;
	v56 =	vmul.f32 v39, v39;
	v26 =	vmul.f32 v26, v26  }
0x164: {  	v15 =	vadd.f32 v35, v15;
	v27 =	vadd.f32 v27, v46;
	v35 =	vld.idx.msk [tilespmem:v60+s20+$0x0], $0xffff;
	v60 =	vor.u32 v4, v40  }
0x165: {  	v22 =	vadd.f32 v56, v22;
	v56 =	vld.idx.msk [tilespmem:v49+s18+$0x0], $0xffff;
	v23 =	vadd.f32 v26, v23;
	v26 =	vmul.f32 $5.000000000e-01, v32  }
0x166: {  	v36 =	vmul.f32 v58, v9;
	v34 =	vadd.f32 v34, v45;
	v46 =	vmul.f32 $5.000000000e-01, v27;
	v58 =	vld.idx.msk [tilespmem:v63+s18+$0x0], $0xffff  }
0x167: {  	v27 =	vmul.f32 v27, v9;
	v59 =	vld.idx.msk [tilespmem:v63+s19+$0x0], $0xffff;
	v31 =	vadd.f32 v37, v31;
	v26 =	vsub.f32 v26, v33  }
0x168: {  	v14 =	vadd.f32 v36, v14;
	v57 =	vsub.f32 v46, v42;
	v37 =	vld.idx.msk [tilespmem:v63+s20+$0x0], $0xffff  }
0x169: {  	v12 =	vadd.f32 v27, v12;
	v63 =	vld.idx.msk [tilespmem:v55+s19+$0x0], $0xffff;
	v62 =	vmul.f32 $5.000000000e-01, v31;
	v26 =	vmul.f32 v26, v26  }
0x16a: {  	v27 =	vmul.f32 v32, v9;
	v51 =	vld.idx.msk [tilespmem:v60+s18+$0x0], $0xffff;
	v61 =	vmul.f32 v57, v57;
	v57 =	vor.u32 v7, v40  }
0x16b: {  	v50 =	vmul.f32 $5.000000000e-01, v34;
	v52 =	vld.idx.msk [tilespmem:v60+s19+$0x0], $0xffff;
	v19 =	vadd.f32 v26, v19;
	v26 =	vsub.f32 v62, v29  }
0x16c: {  	v11 =	vadd.f32 v27, v11;
	v27 =	vadd.f32 v54, v53;
	v53 =	vor.u32 v6, v40;
	v32 =	vld.idx.msk [tilespmem:v55+s20+$0x0], $0xffff  }
0x16d: {  	v20 =	vadd.f32 v61, v20;
	v61 =	vld.idx.msk [tilespmem:v49+s20+$0x0], $0xffff;
	v29 =	vsub.f32 v50, v30;
	v26 =	vmul.f32 v26, v26  }
0x16e: {  	v31 =	vmul.f32 v31, v9;
	v55 =	vmul.f32 $5.000000000e-01, v27;
	v33 =	vadd.f32 v59, v58;
	v58 =	vld.idx.msk [tilespmem:v49+s19+$0x0], $0xffff  }
0x16f: {  	v40 =	vor.u32 v8, v40;
	v48 =	vld.idx.msk [tilespmem:v57+s18+$0x0], $0xffff;
	v18 =	vadd.f32 v26, v18;
	v26 =	vmul.f32 v29, v29  }
0x170: {  	v9 =	vmul.f32 v34, v9;
	v10 =	vadd.f32 v31, v10;
	v59 =	vsub.f32 v55, v35;
	v49 =	vld.idx.msk [tilespmem:v57+s19+$0x0], $0xffff  }
0x171: {  	v27 =	vmul.f32 v27, v44;
	v17 =	vadd.f32 v26, v17;
	v26 =	vadd.f32 v63, v28  }
0x172: {  	v54 =	vld.idx.msk [tilespmem:v60+s20+$0x0], $0xffff;
	v9 =	vadd.f32 v9, v21;
	v60 =	vmul.f32 $5.000000000e-01, v33;
	v31 =	vmul.f32 v59, v59  }
0x173: {  	v36 =	vadd.f32 v52, v51;
	v16 =	vadd.f32 v27, v16;
	v45 =	vld.idx.msk [tilespmem:v53+s19+$0x0], $0xffff;
	v47 =	vmul.f32 $5.000000000e-01, v26  }
0x174: {  	v51 =	vld.idx.msk [tilespmem:v40+s18+$0x0], $0xffff;
	v25 =	vadd.f32 v31, v25;
	v63 =	vsub.f32 v60, v37  }
0x175: {  	v62 =	vld.idx.msk [tilespmem:v53+s18+$0x0], $0xffff;
	v50 =	vmul.f32 $5.000000000e-01, v36;
	v55 =	vadd.f32 v49, v48;
	v27 =	vsub.f32 v47, v32  }
0x176: {  	v52 =	vld.idx.msk [tilespmem:v40+s19+$0x0], $0xffff;
	v29 =	vadd.f32 v58, v56;
	v58 =	vmul.f32 v36, v44;
	v21 =	vmul.f32 v63, v63  }
0x177: {  	v30 =	vsub.f32 v50, v54;
	v26 =	vmul.f32 v26, v44;
	v27 =	vmul.f32 v27, v27  }
0x178: {  	v53 =	vld.idx.msk [tilespmem:v53+s20+$0x0], $0xffff;
	v59 =	vmul.f32 $5.000000000e-01, v55;
	v24 =	vadd.f32 v21, v24;
	v21 =	vmul.f32 v33, v44  }
0x179: {  	v14 =	vadd.f32 v26, v14;
	v26 =	vmul.f32 v30, v30;
	v23 =	vadd.f32 v27, v23;
	v27 =	vld.idx.msk [tilespmem:v57+s20+$0x0], $0xffff  }
0x17a: {  	v54 =	vmul.f32 $5.000000000e-01, v29;
	v15 =	vadd.f32 v21, v15;
	v21 =	vadd.f32 v45, v62;
	v57 =	vld.idx.msk [tilespmem:v40+s20+$0x0], $0xffff  }
0x17b: {  	v29 =	vmul.f32 v29, v44;
	v22 =	vadd.f32 v26, v22;
	v26 =	vadd.f32 v52, v51  }
0x17c: {  	v28 =	vsub.f32 v54, v61;
	v63 =	vmul.f32 v55, v44;
	v56 =	vmul.f32 $5.000000000e-01, v21  }
0x17d: {  	v13 =	vadd.f32 v58, v13;
	v12 =	vadd.f32 v29, v12;
	v60 =	vmul.f32 $5.000000000e-01, v26  }
0x17e: {  	p0 =	slt.u32 s29, $0x7C;
	v28 =	vmul.f32 v28, v28;
	v10 =	vadd.f32 v63, v10;
	v31 =	vsub.f32 v56, v53  }
.Ltmp1:
0x17f: {  	v21 =	vmul.f32 v21, v44;
	v27 =	vsub.f32 v59, v27;
	v62 =	vsub.f32 v60, v57;
	(pc) =	sbr.rel @p0 .LBB2_5-.Ltmp1, $4  }
0x180: {  	v20 =	vadd.f32 v28, v20;
	v26 =	vmul.f32 v26, v44;
	v61 =	vmul.f32 v31, v31  }
0x181: {  	v11 =	vadd.f32 v21, v11;
	v27 =	vmul.f32 v27, v27;
	v21 =	vmul.f32 v62, v62  }
0x182: {  	v9 =	vadd.f32 v26, v9;
	v19 =	vadd.f32 v61, v19  }
0x183: {  	s29 =	sadd.s32 $0x4, s29;
	v18 =	vadd.f32 v27, v18;
	v17 =	vadd.f32 v21, v17  }
0x184: {  	v21 =	vadd.f32 $9.999999960e-13, v25  }
0x185: {  	v24 =	vadd.f32 $9.999999960e-13, v24  }
0x186: {  	v25 =	vshra.s32 v21, $0x1  }
0x187: {  	v26 =	vmul.f32 $5.000000000e-01, v21;
	v27 =	vshra.s32 v24, $0x1;
	v28 =	vmul.f32 $5.000000000e-01, v24  }
0x188: {  	v25 =	vsub.s32 $0x5F3759DF, v25;
	v27 =	vsub.s32 $0x5F3759DF, v27  }
0x189: {  	v29 =	vmul.f32 v25, v26;
	v30 =	vmul.f32 v27, v28;
	_ =	sdelay $0x1  }
0x18a: {  	v29 =	vmul.f32 v25, v29;
	v30 =	vmul.f32 v27, v30;
	_ =	sdelay $0x1  }
0x18b: {  	v29 =	vsub.f32 $1.500000000e+00, v29;
	v30 =	vsub.f32 $1.500000000e+00, v30;
	_ =	sdelay $0x1  }
0x18c: {  	v25 =	vmul.f32 v25, v29;
	v27 =	vmul.f32 v27, v30;
	_ =	sdelay $0x1  }
0x18d: {  	v23 =	vadd.f32 $9.999999960e-13, v23;
	v29 =	vmul.f32 v25, v26;
	v30 =	vmul.f32 v27, v28  }
0x18e: {  	v22 =	vadd.f32 $9.999999960e-13, v22;
	v20 =	vadd.f32 $9.999999960e-13, v20  }
0x18f: {  	v19 =	vadd.f32 $9.999999960e-13, v19;
	v29 =	vmul.f32 v29, v25;
	v30 =	vmul.f32 v30, v27  }
0x190: {  	v18 =	vadd.f32 $9.999999960e-13, v18;
	v17 =	vadd.f32 $9.999999960e-13, v17  }
0x191: {  	v45 =	vshra.s32 v23, $0x1;
	v29 =	vsub.f32 $1.500000000e+00, v29;
	v30 =	vsub.f32 $1.500000000e+00, v30  }
0x192: {  	v46 =	vmul.f32 $5.000000000e-01, v23;
	v31 =	vshra.s32 v22, $0x1;
	v32 =	vmul.f32 $5.000000000e-01, v22  }
0x193: {  	v50 =	vshra.s32 v20, $0x1;
	v25 =	vmul.f32 v29, v25;
	v27 =	vmul.f32 v30, v27  }
0x194: {  	v51 =	vmul.f32 $5.000000000e-01, v20;
	v52 =	vshra.s32 v19, $0x1;
	v53 =	vmul.f32 $5.000000000e-01, v19  }
0x195: {  	v31 =	vsub.s32 $0x5F3759DF, v31;
	v26 =	vmul.f32 v25, v26;
	v28 =	vmul.f32 v27, v28  }
0x196: {  	v35 =	vshra.s32 v18, $0x1;
	v36 =	vmul.f32 $5.000000000e-01, v18;
	v38 =	vmul.f32 $5.000000000e-01, v17  }
0x197: {  	v29 =	vsub.s32 $0x5F3759DF, v45;
	v26 =	vmul.f32 v26, v25;
	v28 =	vmul.f32 v28, v27  }
0x198: {  	v34 =	vmul.f32 v31, v32;
	v35 =	vsub.s32 $0x5F3759DF, v35;
	v33 =	vmul.f32 v29, v46  }
0x199: {  	v39 =	vmul.f32 v35, v36;
	v26 =	vsub.f32 $1.500000000e+00, v26;
	v28 =	vsub.f32 $1.500000000e+00, v28  }
0x19a: {  	v37 =	vshra.s32 v17, $0x1;
	v48 =	vmul.f32 v31, v34;
	v47 =	vmul.f32 v29, v33  }
0x19b: {  	v37 =	vsub.s32 $0x5F3759DF, v37;
	v25 =	vmul.f32 v26, v25;
	v27 =	vmul.f32 v28, v27  }
0x19c: {  	v40 =	vmul.f32 v37, v38;
	v39 =	vmul.f32 v35, v39;
	v26 =	vsub.f32 $1.500000000e+00, v47  }
0x19d: {  	v49 =	vsub.f32 $1.500000000e+00, v48;
	v21 =	vmul.f32 v25, v21;
	v24 =	vmul.f32 v27, v24  }
0x19e: {  	v26 =	vmul.f32 v29, v26;
	v27 =	vsub.s32 $0x5F3759DF, v50;
	v29 =	vsub.s32 $0x5F3759DF, v52  }
0x19f: {  	v54 =	vmul.f32 v27, v51;
	v55 =	vmul.f32 v29, v53  }
0x1a0: {  	v25 =	vmul.f32 v31, v49;
	v41 =	vmul.f32 v26, v46  }
0x1a1: {  	v33 =	vmul.f32 v27, v54;
	v34 =	vmul.f32 v29, v55  }
0x1a2: {  	v40 =	vmul.f32 v37, v40;
	v42 =	vmul.f32 v25, v32  }
0x1a3: {  	v41 =	vmul.f32 v41, v26;
	v33 =	vsub.f32 $1.500000000e+00, v33;
	v34 =	vsub.f32 $1.500000000e+00, v34  }
0x1a4: {  	v56 =	vsub.f32 $1.500000000e+00, v39;
	v58 =	vsub.f32 $1.500000000e+00, v40;
	v57 =	vmul.f32 v42, v25  }
0x1a5: {  	v41 =	vsub.f32 $1.500000000e+00, v41;
	v27 =	vmul.f32 v27, v33;
	v29 =	vmul.f32 v29, v34  }
0x1a6: {  	v39 =	vsub.f32 $1.500000000e+00, v57;
	v33 =	vmul.f32 v35, v56;
	v34 =	vmul.f32 v37, v58  }
0x1a7: {  	v26 =	vmul.f32 v41, v26;
	v59 =	vmul.f32 v27, v51  }
0x1a8: {  	v25 =	vmul.f32 v39, v25;
	v60 =	vmul.f32 v29, v53  }
0x1a9: {  	v62 =	vmul.f32 v33, v36;
	v61 =	vmul.f32 v59, v27  }
0x1aa: {  	v63 =	vmul.f32 v34, v38;
	v35 =	vmul.f32 v60, v29  }
0x1ab: {  	v30 =	vmul.f32 v26, v46;
	v40 =	vmul.f32 v62, v33;
	v37 =	vsub.f32 $1.500000000e+00, v61  }
0x1ac: {  	v32 =	vmul.f32 v25, v32;
	v42 =	vmul.f32 v63, v34;
	v35 =	vsub.f32 $1.500000000e+00, v35  }
0x1ad: {  	v45 =	vmul.f32 v30, v26;
	v43 =	vsub.f32 $1.500000000e+00, v40;
	v27 =	vmul.f32 v37, v27  }
0x1ae: {  	v46 =	vmul.f32 v32, v25;
	v44 =	vsub.f32 $1.500000000e+00, v42;
	v29 =	vmul.f32 v35, v29  }
0x1af: {  	v16 =	vsub.f32 v16, v21;
	v33 =	vmul.f32 v43, v33;
	v28 =	vmul.f32 v27, v51  }
0x1b0: {  	v15 =	vsub.f32 v15, v24;
	v34 =	vmul.f32 v44, v34;
	v47 =	vmul.f32 v29, v53  }
0x1b1: {  	v21 =	vsub.f32 $1.500000000e+00, v45;
	v48 =	vmul.f32 v33, v36;
	v28 =	vmul.f32 v28, v27  }
0x1b2: {  	v24 =	vsub.f32 $1.500000000e+00, v46;
	v49 =	vmul.f32 v34, v38;
	v30 =	vmul.f32 v47, v29  }
0x1b3: {  	v21 =	vmul.f32 v21, v26;
	v51 =	vmul.f32 v48, v33;
	v50 =	vsub.f32 $1.500000000e+00, v28  }
0x1b4: {  	v24 =	vmul.f32 v24, v25;
	v53 =	vmul.f32 v49, v34;
	v52 =	vsub.f32 $1.500000000e+00, v30  }
0x1b5: {  	v21 =	vmul.f32 v21, v23;
	v55 =	vsub.f32 $1.500000000e+00, v51;
	v54 =	vmul.f32 v50, v27  }
0x1b6: {  	v22 =	vmul.f32 v24, v22;
	v57 =	vsub.f32 $1.500000000e+00, v53;
	v56 =	vmul.f32 v52, v29  }
0x1b7: {  	[tilespmem:$0x1CC80] =	vst v16;
	v14 =	vsub.f32 v14, v21;
	v59 =	vmul.f32 v55, v33;
	v58 =	vmul.f32 v54, v20  }
0x1b8: {  	[tilespmem:$0x1CC90] =	vst v15;
	v13 =	vsub.f32 v13, v22;
	v61 =	vmul.f32 v57, v34;
	v60 =	vmul.f32 v56, v19  }
0x1b9: {  	[tilespmem:$0x1CCA0] =	vst v14;
	v62 =	vmul.f32 v59, v18;
	v12 =	vsub.f32 v12, v58  }
0x1ba: {  	[tilespmem:$0x1CCB0] =	vst v13;
	v63 =	vmul.f32 v61, v17;
	v11 =	vsub.f32 v11, v60  }
0x1bb: {  	v10 =	vsub.f32 v10, v62;
	[tilespmem:$0x1CCC0] =	vst v12  }
0x1bc: {  	s1 =	sadd.s32 s4, s26;
	v9 =	vsub.f32 v9, v63;
	[tilespmem:$0x1CCD0] =	vst v11  }
0x1bd: {  	p0 =	sne.s32 s28, $0x19;
	s1 =	sshrl.u32 s1, $0x3;
	[tilespmem:$0x1CCE0] =	vst v10  }
.Ltmp2:
0x1be: {  	s1 =	sadd.s32 s5, s1;
	[tilespmem:$0x1CCF0] =	vst v9;
	(pc) =	sbr.rel @p0 .LBB2_2-.Ltmp2, $4  }
0x1bf: {  	[hbm4b:s1+s3] =	stream.linear.scatter [tilespmem:s23], [sflag:$0x3], $0x80, $0x38;
	[tilespmem:$0x1CD00] =	vst v63  }
0x1c0: {  	_ =	swait.ge [sflag:s11], $0x80  }
0x1c1: {  	[sflag:s11] =	ssyncset.done $0x0  }
0x1c2: {  	[sflag:s11] =	ssyncadd.s32 $0xFFFFFF80  }
0x1c3: {  	s25 =	sadd.s32 $0x1, s25  }
0x1c4: {  	p0 =	sne.s32 s25, s9  }
.Ltmp3:
0x1c5: {  	_ = 	snop;
	(pc) =	sbr.rel @p0 .LBB2_1-.Ltmp3, $1  }
0x1c6: {  	_ =	sdelay $0x3  }
0x1c7: {  	_ =	sfence.sel $0x180000  }
0x1c8: {  	[bflag:$0x0] =	sbarrier.arrive $0xFFFF  }
0x1c9: {  	_ =	strace $0x90000047  }
0x1ca: {  	[bflag:$0x2] =	sbarrier.arrive $0xFFFF  }
0x1cb: {  	p0 =	sne.s32 s0, $0x0;
	s0 =	rddreg [dreg:$0x3]  }
0x1cc: {  	s0 =	sadd.s32 @!p0 $0x100000, s0  }
0x1cd: {  	[sflag:s0] =	ssyncadd.tile.s32 @!p0 $0x1;
	_ =	shalt  }
.Lfunc_end2:
_tile_overlayer_lowered:
.L_overlay_start_2:
0x1ce: {  	(tag) =	ssettag $0x2  }
0x1cf: {  	s0 =	rddreg [dreg:$0x0];
	s2 =	stileid.u32  }
0x1d0: {  	s1 =	rddreg [dreg:$0x1];
	p0 =	sne.s32 s2, $0x0  }
0x1d1: {  	s3 =	rddreg [dreg:$0x2];
	[bflag:$0x3] =	sbarrier.arrive $0xFFFF;
	s2 =	simm.s32 @!p0 $0x1C03  }
0x1d2: {  	[timem:s3], [sflag:s2] =	dma.local @!p0 [hbm:s0], s1  }
0x1d3: {  	s0 =	simm.s32 @!p0 $0x3  }
0x1d4: {  	_ =	swait.ge @!p0 [sflag:s0], s1  }
0x1d5: {  	s1 =	ssub.s32 @!p0 $0x0, s1;
	[sflag:s0] =	ssyncset.done @!p0 $0x0  }
0x1d6: {  	[sflag:s0] =	ssyncadd.s32 @!p0 s1  }
0x1d7: {  	[bflag:$0x3] =	sbarrier.arrive $0xFFFF  }
0x1d8: {  	_ =	shalt  }

</sc_bundles>
